<compile_context>
chip_gen: v7x
topology: tpu7x:2x2x1
jax: 0.10.2.dev20260603
libtpu: 0.0.44.dev20260713+nightly
codegen_flags: <defaults>
</compile_context>

<pallas_src>
import functools

import jax
import jax.numpy as jnp
from jax import lax
from jax.experimental import pallas as pl
from jax.experimental.pallas import tpu as pltpu
from jax.experimental.pallas import tpu_sc as plsc

_B, _C, _F = 1024, 2, 4096
_ROW = _C * _F
_BB = 64
_SC_ROWS = 320
_SC_CORES = 1
_NBUF = 4
_CH_ROWS = 1
_CH = _CH_ROWS * _ROW
_GRP = 2 * 128


def _tc_body(p_ref, t_ref, o_ref):
    i = pl.program_id(0)
    ps = p_ref[:, 0, :]
    pc = p_ref[:, 1, :]
    ts = t_ref[:, 0, :]
    tc = t_ref[:, 1, :]
    m = tc != 0.0
    term = jnp.where(m, (ps - ts) ** 2 + (pc - tc) ** 2, 0.0)
    partial = jnp.sum(term)

    @pl.when(i == 0)
    def _():
        o_ref[0, 0] = 0.0

    o_ref[0, 0] += partial


def _tc_loss(pred_o, target_o, row0, row1=_B):
    assert row0 % _BB == 0 and (row1 - row0) % _BB == 0
    grid = (row1 - row0) // _BB
    g0 = row0 // _BB
    out = pl.pallas_call(
        _tc_body,
        grid=(grid,),
        in_specs=[
            pl.BlockSpec((_BB, _C, _F), lambda i: (i + g0, 0, 0)),
            pl.BlockSpec((_BB, _C, _F), lambda i: (i + g0, 0, 0)),
        ],
        out_specs=pl.BlockSpec(memory_space=pltpu.SMEM),
        out_shape=jax.ShapeDtypeStruct((1, 1), jnp.float32),
    )(pred_o, target_o)
    return out[0, 0]


def _sc_partials(p_flat, t_flat, sc_rows):
    info = plsc.get_sparse_core_info()
    nc, ns = _SC_CORES, info.num_subcores
    nw = nc * ns
    w_floats = (sc_rows // nw) * _ROW
    nch = w_floats // _CH
    mesh = plsc.VectorSubcoreMesh(
        core_axis_name="c", subcore_axis_name="s", num_cores=nc
    )

    @functools.partial(
        pl.kernel,
        mesh=mesh,
        compiler_params=pltpu.CompilerParams(skip_device_barrier=True),
        out_type=jax.ShapeDtypeStruct((nw, 16), jnp.float32),
        scratch_types=(
            [pltpu.VMEM((_CH,), jnp.float32) for _ in range(2 * _NBUF)]
            + [pltpu.VMEM((16,), jnp.float32)]
            + [pltpu.SemaphoreType.DMA for _ in range(2 * _NBUF)]
        ),
    )
    def k(p_hbm, t_hbm, out_hbm, *rest):
        pbufs = rest[0:_NBUF]
        tbufs = rest[_NBUF : 2 * _NBUF]
        accb = rest[2 * _NBUF]
        psems = rest[2 * _NBUF + 1 : 3 * _NBUF + 1]
        tsems = rest[3 * _NBUF + 1 : 4 * _NBUF + 1]
        wid = lax.axis_index("s") * nc + lax.axis_index("c")
        base = wid * w_floats

        def start(g, b):
            off = base + g * _CH
            pltpu.async_copy(p_hbm.at[pl.ds(off, _CH)], pbufs[b], psems[b])
            pltpu.async_copy(t_hbm.at[pl.ds(off, _CH)], tbufs[b], tsems[b])

        def wait(b):
            pltpu.make_async_copy(p_hbm.at[pl.ds(0, _CH)], pbufs[b], psems[b]).wait()
            pltpu.make_async_copy(t_hbm.at[pl.ds(0, _CH)], tbufs[b], tsems[b]).wait()

        def chunk_sum(b, acc):
            pb, tb = pbufs[b], tbufs[b]

            def inner(j, a):
                goff = j * _GRP
                for kk in range(8):
                    offs = goff + kk * 16
                    offc = offs + 128
                    ps = pb[pl.ds(offs, 16)]
                    ts = tb[pl.ds(offs, 16)]
                    pc = pb[pl.ds(offc, 16)]
                    tc = tb[pl.ds(offc, 16)]
                    es = ps - ts
                    ec = pc - tc
                    d2 = es * es + ec * ec
                    a = a + jnp.where(tc != 0.0, d2, 0.0)
                return a

            return lax.fori_loop(0, _CH // _GRP, inner, acc)

        nsteady = nch - _NBUF
        iters = nsteady // _NBUF
        rem = nsteady % _NBUF
        for b in range(min(_NBUF, nch)):
            start(b, b)

        def body(i, acc):
            for b in range(_NBUF):
                wait(b)
                acc = chunk_sum(b, acc)
                start(i * _NBUF + b + _NBUF, b)
            return acc

        acc = lax.fori_loop(0, iters, body, jnp.zeros((16,), jnp.float32))
        for j in range(rem):
            wait(j)
            acc = chunk_sum(j, acc)
            start(iters * _NBUF + j + _NBUF, j)
        for j in range(min(_NBUF, nch)):
            b = (rem + j) % _NBUF
            wait(b)
            acc = chunk_sum(b, acc)
        accb[...] = acc
        pltpu.sync_copy(accb, out_hbm.at[wid])

    return k(p_flat, t_flat)


def _physical_view(x):
    return x.reshape(_B, _C, _F // 128, 128).transpose(0, 2, 1, 3).reshape(-1)


def kernel(pred_o, target_o):
    sc_out = _sc_partials(
        _physical_view(pred_o), _physical_view(target_o), _SC_ROWS
    )
    tc_part = _tc_loss(pred_o, target_o, _SC_ROWS)
    return jnp.sum(sc_out) + tc_part

# --- scband reference (transcript-rebuilt; emitter-appended) ---
"""Pipeline reference for scband-l2-loss-52252572123224 (READ-ONLY COPY).

The authoritative reference and input builder live on the scoring server;
editing this copy changes nothing except your own understanding.
"""

import jax, jax.numpy as jnp
import numpy as np


def setup_inputs(seed: int = 0) -> dict:
    key = jax.random.key(seed)
    k1, k2 = jax.random.split(key)
    pred_o = jax.random.normal(k1, (1024, 2, 4096), dtype=jnp.float32)
    target_o = jax.random.normal(k2, (1024, 2, 4096), dtype=jnp.float32)
    return {"pred_o": pred_o, "target_o": target_o}


def reference(pred_o, target_o):
    # Faithful translation of L2Loss.forward.
    # torch.nonzero(target_c) selects positions where target_c != 0, then
    # F.mse_loss(pred[idx], target[idx], reduction='sum') sums squared errors
    # over exactly those positions. This is equivalent to a masked sum of
    # squared errors (static-shape friendly for jit, same math).
    target_s = target_o[:, 0, :].reshape(-1)
    target_c = target_o[:, 1, :].reshape(-1)
    pred_s = pred_o[:, 0, :].reshape(-1)
    pred_c = pred_o[:, 1, :].reshape(-1)
    mask = (target_c != 0).astype(pred_o.dtype)
    loss = jnp.sum(mask * (pred_s - target_s) ** 2) + jnp.sum(mask * (pred_c - target_c) ** 2)
    return loss

if __name__ == "__main__":
    import jax
    _d = setup_inputs()
    print(jax.jit(kernel)(*tuple(_d.values())))

</pallas_src>

<mosaic_0001>
#map = affine_map<(d0, d1) -> (0)>
#map1 = affine_map<(d0, d1) -> (0, 0)>
module attributes {stable_mosaic.version = 14 : i64} {
  func.func @k(%arg0: i32, %arg1: i32, %arg2: memref<8388608xf32, #tpu.memory_space<hbm>>, %arg3: memref<8388608xf32, #tpu.memory_space<hbm>>, %arg4: memref<16x16xf32, #tpu.memory_space<hbm>>, %arg5: memref<8192xf32, #tpu.memory_space<vmem>>, %arg6: memref<8192xf32, #tpu.memory_space<vmem>>, %arg7: memref<8192xf32, #tpu.memory_space<vmem>>, %arg8: memref<8192xf32, #tpu.memory_space<vmem>>, %arg9: memref<8192xf32, #tpu.memory_space<vmem>>, %arg10: memref<8192xf32, #tpu.memory_space<vmem>>, %arg11: memref<8192xf32, #tpu.memory_space<vmem>>, %arg12: memref<8192xf32, #tpu.memory_space<vmem>>, %arg13: memref<16xf32, #tpu.memory_space<vmem>>, %arg14: memref<!tpu.dma_semaphore, #tpu.memory_space<semaphore_mem>>, %arg15: memref<!tpu.dma_semaphore, #tpu.memory_space<semaphore_mem>>, %arg16: memref<!tpu.dma_semaphore, #tpu.memory_space<semaphore_mem>>, %arg17: memref<!tpu.dma_semaphore, #tpu.memory_space<semaphore_mem>>, %arg18: memref<!tpu.dma_semaphore, #tpu.memory_space<semaphore_mem>>, %arg19: memref<!tpu.dma_semaphore, #tpu.memory_space<semaphore_mem>>, %arg20: memref<!tpu.dma_semaphore, #tpu.memory_space<semaphore_mem>>, %arg21: memref<!tpu.dma_semaphore, #tpu.memory_space<semaphore_mem>>) attributes {dimension_semantics = [#tpu.dimension_semantics<core_parallel>, #tpu.dimension_semantics<subcore_parallel>], iteration_bounds = array<i64: 1, 16>, scalar_prefetch = 0 : i64, scratch_operands = 17 : i64, tpu.core_type = #tpu.core_type<sc_vector_subcore>, window_params = [{transform_indices = #map}, {transform_indices = #map}, {transform_indices = #map1}]} {
    %mul3A = arith.constant 1 : i32
    %mul3A_0 = arith.muli %arg1, %mul3A : i32
    %add3A = arith.addi %mul3A_0, %arg0 : i32
    %mul3A_1 = arith.constant 163840 : i32
    %mul3A_2 = arith.muli %add3A, %mul3A_1 : i32
    %add3A_3 = arith.constant 0 : i32
    %add3A_4 = arith.addi %mul3A_2, %add3A_3 : i32
    %dma_start3A = tpu.memref_slice %arg2[%add3A_4] : memref<8388608xf32, #tpu.memory_space<hbm>> -> memref<8192xf32, #tpu.memory_space<hbm>>
    %dma_start3A_5 = tpu.memref_slice %arg2[%add3A_4] : memref<8388608xf32, #tpu.memory_space<hbm>> -> memref<8192xf32, #tpu.memory_space<hbm>>
    tpu.enqueue_dma source(%dma_start3A_5 : memref<8192xf32, #tpu.memory_space<hbm>>) target(%arg5 : memref<8192xf32, #tpu.memory_space<vmem>>) target_semaphore(%arg14 : memref<!tpu.dma_semaphore, #tpu.memory_space<semaphore_mem>>)
    %dma_start3A_6 = tpu.memref_slice %arg3[%add3A_4] : memref<8388608xf32, #tpu.memory_space<hbm>> -> memref<8192xf32, #tpu.memory_space<hbm>>
    %dma_start3A_7 = tpu.memref_slice %arg3[%add3A_4] : memref<8388608xf32, #tpu.memory_space<hbm>> -> memref<8192xf32, #tpu.memory_space<hbm>>
    tpu.enqueue_dma source(%dma_start3A_7 : memref<8192xf32, #tpu.memory_space<hbm>>) target(%arg9 : memref<8192xf32, #tpu.memory_space<vmem>>) target_semaphore(%arg18 : memref<!tpu.dma_semaphore, #tpu.memory_space<semaphore_mem>>)
    %add3A_8 = arith.constant 8192 : i32
    %add3A_9 = arith.addi %mul3A_2, %add3A_8 : i32
    %dma_start3A_10 = tpu.memref_slice %arg2[%add3A_9] : memref<8388608xf32, #tpu.memory_space<hbm>> -> memref<8192xf32, #tpu.memory_space<hbm>>
    %dma_start3A_11 = tpu.memref_slice %arg2[%add3A_9] : memref<8388608xf32, #tpu.memory_space<hbm>> -> memref<8192xf32, #tpu.memory_space<hbm>>
    tpu.enqueue_dma source(%dma_start3A_11 : memref<8192xf32, #tpu.memory_space<hbm>>) target(%arg6 : memref<8192xf32, #tpu.memory_space<vmem>>) target_semaphore(%arg15 : memref<!tpu.dma_semaphore, #tpu.memory_space<semaphore_mem>>)
    %dma_start3A_12 = tpu.memref_slice %arg3[%add3A_9] : memref<8388608xf32, #tpu.memory_space<hbm>> -> memref<8192xf32, #tpu.memory_space<hbm>>
    %dma_start3A_13 = tpu.memref_slice %arg3[%add3A_9] : memref<8388608xf32, #tpu.memory_space<hbm>> -> memref<8192xf32, #tpu.memory_space<hbm>>
    tpu.enqueue_dma source(%dma_start3A_13 : memref<8192xf32, #tpu.memory_space<hbm>>) target(%arg10 : memref<8192xf32, #tpu.memory_space<vmem>>) target_semaphore(%arg19 : memref<!tpu.dma_semaphore, #tpu.memory_space<semaphore_mem>>)
    %add3A_14 = arith.constant 16384 : i32
    %add3A_15 = arith.addi %mul3A_2, %add3A_14 : i32
    %dma_start3A_16 = tpu.memref_slice %arg2[%add3A_15] : memref<8388608xf32, #tpu.memory_space<hbm>> -> memref<8192xf32, #tpu.memory_space<hbm>>
    %dma_start3A_17 = tpu.memref_slice %arg2[%add3A_15] : memref<8388608xf32, #tpu.memory_space<hbm>> -> memref<8192xf32, #tpu.memory_space<hbm>>
    tpu.enqueue_dma source(%dma_start3A_17 : memref<8192xf32, #tpu.memory_space<hbm>>) target(%arg7 : memref<8192xf32, #tpu.memory_space<vmem>>) target_semaphore(%arg16 : memref<!tpu.dma_semaphore, #tpu.memory_space<semaphore_mem>>)
    %dma_start3A_18 = tpu.memref_slice %arg3[%add3A_15] : memref<8388608xf32, #tpu.memory_space<hbm>> -> memref<8192xf32, #tpu.memory_space<hbm>>
    %dma_start3A_19 = tpu.memref_slice %arg3[%add3A_15] : memref<8388608xf32, #tpu.memory_space<hbm>> -> memref<8192xf32, #tpu.memory_space<hbm>>
    tpu.enqueue_dma source(%dma_start3A_19 : memref<8192xf32, #tpu.memory_space<hbm>>) target(%arg11 : memref<8192xf32, #tpu.memory_space<vmem>>) target_semaphore(%arg20 : memref<!tpu.dma_semaphore, #tpu.memory_space<semaphore_mem>>)
    %add3A_20 = arith.constant 24576 : i32
    %add3A_21 = arith.addi %mul3A_2, %add3A_20 : i32
    %dma_start3A_22 = tpu.memref_slice %arg2[%add3A_21] : memref<8388608xf32, #tpu.memory_space<hbm>> -> memref<8192xf32, #tpu.memory_space<hbm>>
    %dma_start3A_23 = tpu.memref_slice %arg2[%add3A_21] : memref<8388608xf32, #tpu.memory_space<hbm>> -> memref<8192xf32, #tpu.memory_space<hbm>>
    tpu.enqueue_dma source(%dma_start3A_23 : memref<8192xf32, #tpu.memory_space<hbm>>) target(%arg8 : memref<8192xf32, #tpu.memory_space<vmem>>) target_semaphore(%arg17 : memref<!tpu.dma_semaphore, #tpu.memory_space<semaphore_mem>>)
    %dma_start3A_24 = tpu.memref_slice %arg3[%add3A_21] : memref<8388608xf32, #tpu.memory_space<hbm>> -> memref<8192xf32, #tpu.memory_space<hbm>>
    %dma_start3A_25 = tpu.memref_slice %arg3[%add3A_21] : memref<8388608xf32, #tpu.memory_space<hbm>> -> memref<8192xf32, #tpu.memory_space<hbm>>
    tpu.enqueue_dma source(%dma_start3A_25 : memref<8192xf32, #tpu.memory_space<hbm>>) target(%arg12 : memref<8192xf32, #tpu.memory_space<vmem>>) target_semaphore(%arg21 : memref<!tpu.dma_semaphore, #tpu.memory_space<semaphore_mem>>)
    %broadcast_in_dim3A = arith.constant 0.000000e+00 : f32
    %broadcast_in_dim3A_26 = vector.broadcast %broadcast_in_dim3A : f32 to vector<16xf32>
    %scan3A = arith.constant 0 : i32
    %scan3A_27 = arith.constant 4 : i32
    %scan3A_28 = arith.addi %scan3A, %scan3A_27 : i32
    %scan3A_29 = arith.constant 1 : i32
    %scan3A_30 = scf.for %scan3A_90 = %scan3A to %scan3A_28 step %scan3A_29 iter_args(%scan3A_91 = %broadcast_in_dim3A_26) -> (vector<16xf32>)  : i32 {
      %dma_wait3A_92 = arith.constant 0 : i32
      %dma_wait3A_93 = tpu.memref_slice %arg2[%dma_wait3A_92] : memref<8388608xf32, #tpu.memory_space<hbm>> -> memref<8192xf32, #tpu.memory_space<hbm>>
      %dma_wait3A_94 = arith.constant 0 : i32
      %dma_wait3A_95 = tpu.memref_slice %arg2[%dma_wait3A_94] : memref<8388608xf32, #tpu.memory_space<hbm>> -> memref<8192xf32, #tpu.memory_space<hbm>>
      tpu.wait_dma2 semaphore(%arg14 : memref<!tpu.dma_semaphore, #tpu.memory_space<semaphore_mem>>) src(%dma_wait3A_95 : memref<8192xf32, #tpu.memory_space<hbm>>) dst(%arg5 : memref<8192xf32, #tpu.memory_space<vmem>>)
      %dma_wait3A_96 = arith.constant 0 : i32
      %dma_wait3A_97 = tpu.memref_slice %arg3[%dma_wait3A_96] : memref<8388608xf32, #tpu.memory_space<hbm>> -> memref<8192xf32, #tpu.memory_space<hbm>>
      %dma_wait3A_98 = arith.constant 0 : i32
      %dma_wait3A_99 = tpu.memref_slice %arg3[%dma_wait3A_98] : memref<8388608xf32, #tpu.memory_space<hbm>> -> memref<8192xf32, #tpu.memory_space<hbm>>
      tpu.wait_dma2 semaphore(%arg18 : memref<!tpu.dma_semaphore, #tpu.memory_space<semaphore_mem>>) src(%dma_wait3A_99 : memref<8192xf32, #tpu.memory_space<hbm>>) dst(%arg9 : memref<8192xf32, #tpu.memory_space<vmem>>)
      %scan3A_100 = arith.constant 0 : i32
      %scan3A_101 = arith.constant 32 : i32
      %scan3A_102 = arith.addi %scan3A_100, %scan3A_101 : i32
      %scan3A_103 = arith.constant 1 : i32
      %scan3A_104 = scf.for %scan3A_200 = %scan3A_100 to %scan3A_102 step %scan3A_103 iter_args(%scan3A_201 = %scan3A_91) -> (vector<16xf32>)  : i32 {
        %mul3A_202 = arith.constant 256 : i32
        %mul3A_203 = arith.muli %scan3A_200, %mul3A_202 : i32
        %add3A_204 = arith.constant 0 : i32
        %add3A_205 = arith.addi %mul3A_203, %add3A_204 : i32
        %add3A_206 = arith.constant 128 : i32
        %add3A_207 = arith.addi %add3A_205, %add3A_206 : i32
        %get3A = arith.index_cast %add3A_205 : i32 to index
        %get3A_208 = tpu.vector_load %arg5[%get3A] {strides = array<i32>} : memref<8192xf32, #tpu.memory_space<vmem>>, vector<16xf32>,
        %get3A_209 = vector.shape_cast %get3A_208 : vector<16xf32> to vector<16xf32>
        %get3A_210 = arith.index_cast %add3A_205 : i32 to index
        %get3A_211 = tpu.vector_load %arg9[%get3A_210] {strides = array<i32>} : memref<8192xf32, #tpu.memory_space<vmem>>, vector<16xf32>,
        %get3A_212 = vector.shape_cast %get3A_211 : vector<16xf32> to vector<16xf32>
        %get3A_213 = arith.index_cast %add3A_207 : i32 to index
        %get3A_214 = tpu.vector_load %arg5[%get3A_213] {strides = array<i32>} : memref<8192xf32, #tpu.memory_space<vmem>>, vector<16xf32>,
        %get3A_215 = vector.shape_cast %get3A_214 : vector<16xf32> to vector<16xf32>
        %get3A_216 = arith.index_cast %add3A_207 : i32 to index
        %get3A_217 = tpu.vector_load %arg9[%get3A_216] {strides = array<i32>} : memref<8192xf32, #tpu.memory_space<vmem>>, vector<16xf32>,
        %get3A_218 = vector.shape_cast %get3A_217 : vector<16xf32> to vector<16xf32>
        %sub3A = arith.subf %get3A_209, %get3A_212 : vector<16xf32>
        %sub3A_219 = arith.subf %get3A_215, %get3A_218 : vector<16xf32>
        %mul3A_220 = arith.mulf %sub3A, %sub3A : vector<16xf32>
        %mul3A_221 = arith.mulf %sub3A_219, %sub3A_219 : vector<16xf32>
        %add3A_222 = arith.addf %mul3A_220, %mul3A_221 : vector<16xf32>
        %ne3A = arith.constant 0.000000e+00 : f32
        %ne3A_223 = vector.broadcast %ne3A : f32 to vector<16xf32>
        %ne3A_224 = arith.cmpf one, %get3A_218, %ne3A_223 : vector<16xf32>
        %jit3A = arith.constant 0.000000e+00 : f32
        %broadcast_in_dim3A_225 = vector.broadcast %jit3A : f32 to vector<16xf32>
        %select_n3A = arith.select %ne3A_224, %add3A_222, %broadcast_in_dim3A_225 : vector<16xi1>, vector<16xf32>
        %add3A_226 = arith.addf %scan3A_201, %select_n3A : vector<16xf32>
        %add3A_227 = arith.constant 16 : i32
        %add3A_228 = arith.addi %mul3A_203, %add3A_227 : i32
        %add3A_229 = arith.constant 128 : i32
        %add3A_230 = arith.addi %add3A_228, %add3A_229 : i32
        %get3A_231 = arith.index_cast %add3A_228 : i32 to index
        %get3A_232 = tpu.vector_load %arg5[%get3A_231] {strides = array<i32>} : memref<8192xf32, #tpu.memory_space<vmem>>, vector<16xf32>,
        %get3A_233 = vector.shape_cast %get3A_232 : vector<16xf32> to vector<16xf32>
        %get3A_234 = arith.index_cast %add3A_228 : i32 to index
        %get3A_235 = tpu.vector_load %arg9[%get3A_234] {strides = array<i32>} : memref<8192xf32, #tpu.memory_space<vmem>>, vector<16xf32>,
        %get3A_236 = vector.shape_cast %get3A_235 : vector<16xf32> to vector<16xf32>
        %get3A_237 = arith.index_cast %add3A_230 : i32 to index
        %get3A_238 = tpu.vector_load %arg5[%get3A_237] {strides = array<i32>} : memref<8192xf32, #tpu.memory_space<vmem>>, vector<16xf32>,
        %get3A_239 = vector.shape_cast %get3A_238 : vector<16xf32> to vector<16xf32>
        %get3A_240 = arith.index_cast %add3A_230 : i32 to index
        %get3A_241 = tpu.vector_load %arg9[%get3A_240] {strides = array<i32>} : memref<8192xf32, #tpu.memory_space<vmem>>, vector<16xf32>,
        %get3A_242 = vector.shape_cast %get3A_241 : vector<16xf32> to vector<16xf32>
        %sub3A_243 = arith.subf %get3A_233, %get3A_236 : vector<16xf32>
        %sub3A_244 = arith.subf %get3A_239, %get3A_242 : vector<16xf32>
        %mul3A_245 = arith.mulf %sub3A_243, %sub3A_243 : vector<16xf32>
        %mul3A_246 = arith.mulf %sub3A_244, %sub3A_244 : vector<16xf32>
        %add3A_247 = arith.addf %mul3A_245, %mul3A_246 : vector<16xf32>
        %ne3A_248 = arith.constant 0.000000e+00 : f32
        %ne3A_249 = vector.broadcast %ne3A_248 : f32 to vector<16xf32>
        %ne3A_250 = arith.cmpf one, %get3A_242, %ne3A_249 : vector<16xf32>
        %jit3A_251 = arith.constant 0.000000e+00 : f32
        %broadcast_in_dim3A_252 = vector.broadcast %jit3A_251 : f32 to vector<16xf32>
        %select_n3A_253 = arith.select %ne3A_250, %add3A_247, %broadcast_in_dim3A_252 : vector<16xi1>, vector<16xf32>
        %add3A_254 = arith.addf %add3A_226, %select_n3A_253 : vector<16xf32>
        %add3A_255 = arith.constant 32 : i32
        %add3A_256 = arith.addi %mul3A_203, %add3A_255 : i32
        %add3A_257 = arith.constant 128 : i32
        %add3A_258 = arith.addi %add3A_256, %add3A_257 : i32
        %get3A_259 = arith.index_cast %add3A_256 : i32 to index
        %get3A_260 = tpu.vector_load %arg5[%get3A_259] {strides = array<i32>} : memref<8192xf32, #tpu.memory_space<vmem>>, vector<16xf32>,
        %get3A_261 = vector.shape_cast %get3A_260 : vector<16xf32> to vector<16xf32>
        %get3A_262 = arith.index_cast %add3A_256 : i32 to index
        %get3A_263 = tpu.vector_load %arg9[%get3A_262] {strides = array<i32>} : memref<8192xf32, #tpu.memory_space<vmem>>, vector<16xf32>,
        %get3A_264 = vector.shape_cast %get3A_263 : vector<16xf32> to vector<16xf32>
        %get3A_265 = arith.index_cast %add3A_258 : i32 to index
        %get3A_266 = tpu.vector_load %arg5[%get3A_265] {strides = array<i32>} : memref<8192xf32, #tpu.memory_space<vmem>>, vector<16xf32>,
        %get3A_267 = vector.shape_cast %get3A_266 : vector<16xf32> to vector<16xf32>
        %get3A_268 = arith.index_cast %add3A_258 : i32 to index
        %get3A_269 = tpu.vector_load %arg9[%get3A_268] {strides = array<i32>} : memref<8192xf32, #tpu.memory_space<vmem>>, vector<16xf32>,
        %get3A_270 = vector.shape_cast %get3A_269 : vector<16xf32> to vector<16xf32>
        %sub3A_271 = arith.subf %get3A_261, %get3A_264 : vector<16xf32>
        %sub3A_272 = arith.subf %get3A_267, %get3A_270 : vector<16xf32>
        %mul3A_273 = arith.mulf %sub3A_271, %sub3A_271 : vector<16xf32>
        %mul3A_274 = arith.mulf %sub3A_272, %sub3A_272 : vector<16xf32>
        %add3A_275 = arith.addf %mul3A_273, %mul3A_274 : vector<16xf32>
        %ne3A_276 = arith.constant 0.000000e+00 : f32
        %ne3A_277 = vector.broadcast %ne3A_276 : f32 to vector<16xf32>
        %ne3A_278 = arith.cmpf one, %get3A_270, %ne3A_277 : vector<16xf32>
        %jit3A_279 = arith.constant 0.000000e+00 : f32
        %broadcast_in_dim3A_280 = vector.broadcast %jit3A_279 : f32 to vector<16xf32>
        %select_n3A_281 = arith.select %ne3A_278, %add3A_275, %broadcast_in_dim3A_280 : vector<16xi1>, vector<16xf32>
        %add3A_282 = arith.addf %add3A_254, %select_n3A_281 : vector<16xf32>
        %add3A_283 = arith.constant 48 : i32
        %add3A_284 = arith.addi %mul3A_203, %add3A_283 : i32
        %add3A_285 = arith.constant 128 : i32
        %add3A_286 = arith.addi %add3A_284, %add3A_285 : i32
        %get3A_287 = arith.index_cast %add3A_284 : i32 to index
        %get3A_288 = tpu.vector_load %arg5[%get3A_287] {strides = array<i32>} : memref<8192xf32, #tpu.memory_space<vmem>>, vector<16xf32>,
        %get3A_289 = vector.shape_cast %get3A_288 : vector<16xf32> to vector<16xf32>
        %get3A_290 = arith.index_cast %add3A_284 : i32 to index
        %get3A_291 = tpu.vector_load %arg9[%get3A_290] {strides = array<i32>} : memref<8192xf32, #tpu.memory_space<vmem>>, vector<16xf32>,
        %get3A_292 = vector.shape_cast %get3A_291 : vector<16xf32> to vector<16xf32>
        %get3A_293 = arith.index_cast %add3A_286 : i32 to index
        %get3A_294 = tpu.vector_load %arg5[%get3A_293] {strides = array<i32>} : memref<8192xf32, #tpu.memory_space<vmem>>, vector<16xf32>,
        %get3A_295 = vector.shape_cast %get3A_294 : vector<16xf32> to vector<16xf32>
        %get3A_296 = arith.index_cast %add3A_286 : i32 to index
        %get3A_297 = tpu.vector_load %arg9[%get3A_296] {strides = array<i32>} : memref<8192xf32, #tpu.memory_space<vmem>>, vector<16xf32>,
        %get3A_298 = vector.shape_cast %get3A_297 : vector<16xf32> to vector<16xf32>
        %sub3A_299 = arith.subf %get3A_289, %get3A_292 : vector<16xf32>
        %sub3A_300 = arith.subf %get3A_295, %get3A_298 : vector<16xf32>
        %mul3A_301 = arith.mulf %sub3A_299, %sub3A_299 : vector<16xf32>
        %mul3A_302 = arith.mulf %sub3A_300, %sub3A_300 : vector<16xf32>
        %add3A_303 = arith.addf %mul3A_301, %mul3A_302 : vector<16xf32>
        %ne3A_304 = arith.constant 0.000000e+00 : f32
        %ne3A_305 = vector.broadcast %ne3A_304 : f32 to vector<16xf32>
        %ne3A_306 = arith.cmpf one, %get3A_298, %ne3A_305 : vector<16xf32>
        %jit3A_307 = arith.constant 0.000000e+00 : f32
        %broadcast_in_dim3A_308 = vector.broadcast %jit3A_307 : f32 to vector<16xf32>
        %select_n3A_309 = arith.select %ne3A_306, %add3A_303, %broadcast_in_dim3A_308 : vector<16xi1>, vector<16xf32>
        %add3A_310 = arith.addf %add3A_282, %select_n3A_309 : vector<16xf32>
        %add3A_311 = arith.constant 64 : i32
        %add3A_312 = arith.addi %mul3A_203, %add3A_311 : i32
        %add3A_313 = arith.constant 128 : i32
        %add3A_314 = arith.addi %add3A_312, %add3A_313 : i32
        %get3A_315 = arith.index_cast %add3A_312 : i32 to index
        %get3A_316 = tpu.vector_load %arg5[%get3A_315] {strides = array<i32>} : memref<8192xf32, #tpu.memory_space<vmem>>, vector<16xf32>,
        %get3A_317 = vector.shape_cast %get3A_316 : vector<16xf32> to vector<16xf32>
        %get3A_318 = arith.index_cast %add3A_312 : i32 to index
        %get3A_319 = tpu.vector_load %arg9[%get3A_318] {strides = array<i32>} : memref<8192xf32, #tpu.memory_space<vmem>>, vector<16xf32>,
        %get3A_320 = vector.shape_cast %get3A_319 : vector<16xf32> to vector<16xf32>
        %get3A_321 = arith.index_cast %add3A_314 : i32 to index
        %get3A_322 = tpu.vector_load %arg5[%get3A_321] {strides = array<i32>} : memref<8192xf32, #tpu.memory_space<vmem>>, vector<16xf32>,
        %get3A_323 = vector.shape_cast %get3A_322 : vector<16xf32> to vector<16xf32>
        %get3A_324 = arith.index_cast %add3A_314 : i32 to index
        %get3A_325 = tpu.vector_load %arg9[%get3A_324] {strides = array<i32>} : memref<8192xf32, #tpu.memory_space<vmem>>, vector<16xf32>,
        %get3A_326 = vector.shape_cast %get3A_325 : vector<16xf32> to vector<16xf32>
        %sub3A_327 = arith.subf %get3A_317, %get3A_320 : vector<16xf32>
        %sub3A_328 = arith.subf %get3A_323, %get3A_326 : vector<16xf32>
        %mul3A_329 = arith.mulf %sub3A_327, %sub3A_327 : vector<16xf32>
        %mul3A_330 = arith.mulf %sub3A_328, %sub3A_328 : vector<16xf32>
        %add3A_331 = arith.addf %mul3A_329, %mul3A_330 : vector<16xf32>
        %ne3A_332 = arith.constant 0.000000e+00 : f32
        %ne3A_333 = vector.broadcast %ne3A_332 : f32 to vector<16xf32>
        %ne3A_334 = arith.cmpf one, %get3A_326, %ne3A_333 : vector<16xf32>
        %jit3A_335 = arith.constant 0.000000e+00 : f32
        %broadcast_in_dim3A_336 = vector.broadcast %jit3A_335 : f32 to vector<16xf32>
        %select_n3A_337 = arith.select %ne3A_334, %add3A_331, %broadcast_in_dim3A_336 : vector<16xi1>, vector<16xf32>
        %add3A_338 = arith.addf %add3A_310, %select_n3A_337 : vector<16xf32>
        %add3A_339 = arith.constant 80 : i32
        %add3A_340 = arith.addi %mul3A_203, %add3A_339 : i32
        %add3A_341 = arith.constant 128 : i32
        %add3A_342 = arith.addi %add3A_340, %add3A_341 : i32
        %get3A_343 = arith.index_cast %add3A_340 : i32 to index
        %get3A_344 = tpu.vector_load %arg5[%get3A_343] {strides = array<i32>} : memref<8192xf32, #tpu.memory_space<vmem>>, vector<16xf32>,
        %get3A_345 = vector.shape_cast %get3A_344 : vector<16xf32> to vector<16xf32>
        %get3A_346 = arith.index_cast %add3A_340 : i32 to index
        %get3A_347 = tpu.vector_load %arg9[%get3A_346] {strides = array<i32>} : memref<8192xf32, #tpu.memory_space<vmem>>, vector<16xf32>,
        %get3A_348 = vector.shape_cast %get3A_347 : vector<16xf32> to vector<16xf32>
        %get3A_349 = arith.index_cast %add3A_342 : i32 to index
        %get3A_350 = tpu.vector_load %arg5[%get3A_349] {strides = array<i32>} : memref<8192xf32, #tpu.memory_space<vmem>>, vector<16xf32>,
        %get3A_351 = vector.shape_cast %get3A_350 : vector<16xf32> to vector<16xf32>
        %get3A_352 = arith.index_cast %add3A_342 : i32 to index
        %get3A_353 = tpu.vector_load %arg9[%get3A_352] {strides = array<i32>} : memref<8192xf32, #tpu.memory_space<vmem>>, vector<16xf32>,
        %get3A_354 = vector.shape_cast %get3A_353 : vector<16xf32> to vector<16xf32>
        %sub3A_355 = arith.subf %get3A_345, %get3A_348 : vector<16xf32>
        %sub3A_356 = arith.subf %get3A_351, %get3A_354 : vector<16xf32>
        %mul3A_357 = arith.mulf %sub3A_355, %sub3A_355 : vector<16xf32>
        %mul3A_358 = arith.mulf %sub3A_356, %sub3A_356 : vector<16xf32>
        %add3A_359 = arith.addf %mul3A_357, %mul3A_358 : vector<16xf32>
        %ne3A_360 = arith.constant 0.000000e+00 : f32
        %ne3A_361 = vector.broadcast %ne3A_360 : f32 to vector<16xf32>
        %ne3A_362 = arith.cmpf one, %get3A_354, %ne3A_361 : vector<16xf32>
        %jit3A_363 = arith.constant 0.000000e+00 : f32
        %broadcast_in_dim3A_364 = vector.broadcast %jit3A_363 : f32 to vector<16xf32>
        %select_n3A_365 = arith.select %ne3A_362, %add3A_359, %broadcast_in_dim3A_364 : vector<16xi1>, vector<16xf32>
        %add3A_366 = arith.addf %add3A_338, %select_n3A_365 : vector<16xf32>
        %add3A_367 = arith.constant 96 : i32
        %add3A_368 = arith.addi %mul3A_203, %add3A_367 : i32
        %add3A_369 = arith.constant 128 : i32
        %add3A_370 = arith.addi %add3A_368, %add3A_369 : i32
        %get3A_371 = arith.index_cast %add3A_368 : i32 to index
        %get3A_372 = tpu.vector_load %arg5[%get3A_371] {strides = array<i32>} : memref<8192xf32, #tpu.memory_space<vmem>>, vector<16xf32>,
        %get3A_373 = vector.shape_cast %get3A_372 : vector<16xf32> to vector<16xf32>
        %get3A_374 = arith.index_cast %add3A_368 : i32 to index
        %get3A_375 = tpu.vector_load %arg9[%get3A_374] {strides = array<i32>} : memref<8192xf32, #tpu.memory_space<vmem>>, vector<16xf32>,
        %get3A_376 = vector.shape_cast %get3A_375 : vector<16xf32> to vector<16xf32>
        %get3A_377 = arith.index_cast %add3A_370 : i32 to index
        %get3A_378 = tpu.vector_load %arg5[%get3A_377] {strides = array<i32>} : memref<8192xf32, #tpu.memory_space<vmem>>, vector<16xf32>,
        %get3A_379 = vector.shape_cast %get3A_378 : vector<16xf32> to vector<16xf32>
        %get3A_380 = arith.index_cast %add3A_370 : i32 to index
        %get3A_381 = tpu.vector_load %arg9[%get3A_380] {strides = array<i32>} : memref<8192xf32, #tpu.memory_space<vmem>>, vector<16xf32>,
        %get3A_382 = vector.shape_cast %get3A_381 : vector<16xf32> to vector<16xf32>
        %sub3A_383 = arith.subf %get3A_373, %get3A_376 : vector<16xf32>
        %sub3A_384 = arith.subf %get3A_379, %get3A_382 : vector<16xf32>
        %mul3A_385 = arith.mulf %sub3A_383, %sub3A_383 : vector<16xf32>
        %mul3A_386 = arith.mulf %sub3A_384, %sub3A_384 : vector<16xf32>
        %add3A_387 = arith.addf %mul3A_385, %mul3A_386 : vector<16xf32>
        %ne3A_388 = arith.constant 0.000000e+00 : f32
        %ne3A_389 = vector.broadcast %ne3A_388 : f32 to vector<16xf32>
        %ne3A_390 = arith.cmpf one, %get3A_382, %ne3A_389 : vector<16xf32>
        %jit3A_391 = arith.constant 0.000000e+00 : f32
        %broadcast_in_dim3A_392 = vector.broadcast %jit3A_391 : f32 to vector<16xf32>
        %select_n3A_393 = arith.select %ne3A_390, %add3A_387, %broadcast_in_dim3A_392 : vector<16xi1>, vector<16xf32>
        %add3A_394 = arith.addf %add3A_366, %select_n3A_393 : vector<16xf32>
        %add3A_395 = arith.constant 112 : i32
        %add3A_396 = arith.addi %mul3A_203, %add3A_395 : i32
        %add3A_397 = arith.constant 128 : i32
        %add3A_398 = arith.addi %add3A_396, %add3A_397 : i32
        %get3A_399 = arith.index_cast %add3A_396 : i32 to index
        %get3A_400 = tpu.vector_load %arg5[%get3A_399] {strides = array<i32>} : memref<8192xf32, #tpu.memory_space<vmem>>, vector<16xf32>,
        %get3A_401 = vector.shape_cast %get3A_400 : vector<16xf32> to vector<16xf32>
        %get3A_402 = arith.index_cast %add3A_396 : i32 to index
        %get3A_403 = tpu.vector_load %arg9[%get3A_402] {strides = array<i32>} : memref<8192xf32, #tpu.memory_space<vmem>>, vector<16xf32>,
        %get3A_404 = vector.shape_cast %get3A_403 : vector<16xf32> to vector<16xf32>
        %get3A_405 = arith.index_cast %add3A_398 : i32 to index
        %get3A_406 = tpu.vector_load %arg5[%get3A_405] {strides = array<i32>} : memref<8192xf32, #tpu.memory_space<vmem>>, vector<16xf32>,
        %get3A_407 = vector.shape_cast %get3A_406 : vector<16xf32> to vector<16xf32>
        %get3A_408 = arith.index_cast %add3A_398 : i32 to index
        %get3A_409 = tpu.vector_load %arg9[%get3A_408] {strides = array<i32>} : memref<8192xf32, #tpu.memory_space<vmem>>, vector<16xf32>,
        %get3A_410 = vector.shape_cast %get3A_409 : vector<16xf32> to vector<16xf32>
        %sub3A_411 = arith.subf %get3A_401, %get3A_404 : vector<16xf32>
        %sub3A_412 = arith.subf %get3A_407, %get3A_410 : vector<16xf32>
        %mul3A_413 = arith.mulf %sub3A_411, %sub3A_411 : vector<16xf32>
        %mul3A_414 = arith.mulf %sub3A_412, %sub3A_412 : vector<16xf32>
        %add3A_415 = arith.addf %mul3A_413, %mul3A_414 : vector<16xf32>
        %ne3A_416 = arith.constant 0.000000e+00 : f32
        %ne3A_417 = vector.broadcast %ne3A_416 : f32 to vector<16xf32>
        %ne3A_418 = arith.cmpf one, %get3A_410, %ne3A_417 : vector<16xf32>
        %jit3A_419 = arith.constant 0.000000e+00 : f32
        %broadcast_in_dim3A_420 = vector.broadcast %jit3A_419 : f32 to vector<16xf32>
        %select_n3A_421 = arith.select %ne3A_418, %add3A_415, %broadcast_in_dim3A_420 : vector<16xi1>, vector<16xf32>
        %add3A_422 = arith.addf %add3A_394, %select_n3A_421 : vector<16xf32>
        scf.yield %add3A_422 : vector<16xf32>
      }
      %scan3A_105 = arith.constant 32 : i32
      %mul3A_106 = arith.constant 4 : i32
      %mul3A_107 = arith.muli %scan3A_90, %mul3A_106 : i32
      %add3A_108 = arith.constant 0 : i32
      %add3A_109 = arith.addi %mul3A_107, %add3A_108 : i32
      %add3A_110 = arith.constant 4 : i32
      %add3A_111 = arith.addi %add3A_109, %add3A_110 : i32
      %mul3A_112 = arith.constant 8192 : i32
      %mul3A_113 = arith.muli %add3A_111, %mul3A_112 : i32
      %add3A_114 = arith.addi %mul3A_2, %mul3A_113 : i32
      %dma_start3A_115 = tpu.memref_slice %arg2[%add3A_114] : memref<8388608xf32, #tpu.memory_space<hbm>> -> memref<8192xf32, #tpu.memory_space<hbm>>
      %dma_start3A_116 = tpu.memref_slice %arg2[%add3A_114] : memref<8388608xf32, #tpu.memory_space<hbm>> -> memref<8192xf32, #tpu.memory_space<hbm>>
      tpu.enqueue_dma source(%dma_start3A_116 : memref<8192xf32, #tpu.memory_space<hbm>>) target(%arg5 : memref<8192xf32, #tpu.memory_space<vmem>>) target_semaphore(%arg14 : memref<!tpu.dma_semaphore, #tpu.memory_space<semaphore_mem>>)
      %dma_start3A_117 = tpu.memref_slice %arg3[%add3A_114] : memref<8388608xf32, #tpu.memory_space<hbm>> -> memref<8192xf32, #tpu.memory_space<hbm>>
      %dma_start3A_118 = tpu.memref_slice %arg3[%add3A_114] : memref<8388608xf32, #tpu.memory_space<hbm>> -> memref<8192xf32, #tpu.memory_space<hbm>>
      tpu.enqueue_dma source(%dma_start3A_118 : memref<8192xf32, #tpu.memory_space<hbm>>) target(%arg9 : memref<8192xf32, #tpu.memory_space<vmem>>) target_semaphore(%arg18 : memref<!tpu.dma_semaphore, #tpu.memory_space<semaphore_mem>>)
      %dma_wait3A_119 = arith.constant 0 : i32
      %dma_wait3A_120 = tpu.memref_slice %arg2[%dma_wait3A_119] : memref<8388608xf32, #tpu.memory_space<hbm>> -> memref<8192xf32, #tpu.memory_space<hbm>>
      %dma_wait3A_121 = arith.constant 0 : i32
      %dma_wait3A_122 = tpu.memref_slice %arg2[%dma_wait3A_121] : memref<8388608xf32, #tpu.memory_space<hbm>> -> memref<8192xf32, #tpu.memory_space<hbm>>
      tpu.wait_dma2 semaphore(%arg15 : memref<!tpu.dma_semaphore, #tpu.memory_space<semaphore_mem>>) src(%dma_wait3A_122 : memref<8192xf32, #tpu.memory_space<hbm>>) dst(%arg6 : memref<8192xf32, #tpu.memory_space<vmem>>)
      %dma_wait3A_123 = arith.constant 0 : i32
      %dma_wait3A_124 = tpu.memref_slice %arg3[%dma_wait3A_123] : memref<8388608xf32, #tpu.memory_space<hbm>> -> memref<8192xf32, #tpu.memory_space<hbm>>
      %dma_wait3A_125 = arith.constant 0 : i32
      %dma_wait3A_126 = tpu.memref_slice %arg3[%dma_wait3A_125] : memref<8388608xf32, #tpu.memory_space<hbm>> -> memref<8192xf32, #tpu.memory_space<hbm>>
      tpu.wait_dma2 semaphore(%arg19 : memref<!tpu.dma_semaphore, #tpu.memory_space<semaphore_mem>>) src(%dma_wait3A_126 : memref<8192xf32, #tpu.memory_space<hbm>>) dst(%arg10 : memref<8192xf32, #tpu.memory_space<vmem>>)
      %scan3A_127 = arith.constant 0 : i32
      %scan3A_128 = arith.constant 32 : i32
      %scan3A_129 = arith.addi %scan3A_127, %scan3A_128 : i32
      %scan3A_130 = arith.constant 1 : i32
      %scan3A_131 = scf.for %scan3A_200 = %scan3A_127 to %scan3A_129 step %scan3A_130 iter_args(%scan3A_201 = %scan3A_104) -> (vector<16xf32>)  : i32 {
        %mul3A_202 = arith.constant 256 : i32
        %mul3A_203 = arith.muli %scan3A_200, %mul3A_202 : i32
        %add3A_204 = arith.constant 0 : i32
        %add3A_205 = arith.addi %mul3A_203, %add3A_204 : i32
        %add3A_206 = arith.constant 128 : i32
        %add3A_207 = arith.addi %add3A_205, %add3A_206 : i32
        %get3A = arith.index_cast %add3A_205 : i32 to index
        %get3A_208 = tpu.vector_load %arg6[%get3A] {strides = array<i32>} : memref<8192xf32, #tpu.memory_space<vmem>>, vector<16xf32>,
        %get3A_209 = vector.shape_cast %get3A_208 : vector<16xf32> to vector<16xf32>
        %get3A_210 = arith.index_cast %add3A_205 : i32 to index
        %get3A_211 = tpu.vector_load %arg10[%get3A_210] {strides = array<i32>} : memref<8192xf32, #tpu.memory_space<vmem>>, vector<16xf32>,
        %get3A_212 = vector.shape_cast %get3A_211 : vector<16xf32> to vector<16xf32>
        %get3A_213 = arith.index_cast %add3A_207 : i32 to index
        %get3A_214 = tpu.vector_load %arg6[%get3A_213] {strides = array<i32>} : memref<8192xf32, #tpu.memory_space<vmem>>, vector<16xf32>,
        %get3A_215 = vector.shape_cast %get3A_214 : vector<16xf32> to vector<16xf32>
        %get3A_216 = arith.index_cast %add3A_207 : i32 to index
        %get3A_217 = tpu.vector_load %arg10[%get3A_216] {strides = array<i32>} : memref<8192xf32, #tpu.memory_space<vmem>>, vector<16xf32>,
        %get3A_218 = vector.shape_cast %get3A_217 : vector<16xf32> to vector<16xf32>
        %sub3A = arith.subf %get3A_209, %get3A_212 : vector<16xf32>
        %sub3A_219 = arith.subf %get3A_215, %get3A_218 : vector<16xf32>
        %mul3A_220 = arith.mulf %sub3A, %sub3A : vector<16xf32>
        %mul3A_221 = arith.mulf %sub3A_219, %sub3A_219 : vector<16xf32>
        %add3A_222 = arith.addf %mul3A_220, %mul3A_221 : vector<16xf32>
        %ne3A = arith.constant 0.000000e+00 : f32
        %ne3A_223 = vector.broadcast %ne3A : f32 to vector<16xf32>
        %ne3A_224 = arith.cmpf one, %get3A_218, %ne3A_223 : vector<16xf32>
        %jit3A = arith.constant 0.000000e+00 : f32
        %broadcast_in_dim3A_225 = vector.broadcast %jit3A : f32 to vector<16xf32>
        %select_n3A = arith.select %ne3A_224, %add3A_222, %broadcast_in_dim3A_225 : vector<16xi1>, vector<16xf32>
        %add3A_226 = arith.addf %scan3A_201, %select_n3A : vector<16xf32>
        %add3A_227 = arith.constant 16 : i32
        %add3A_228 = arith.addi %mul3A_203, %add3A_227 : i32
        %add3A_229 = arith.constant 128 : i32
        %add3A_230 = arith.addi %add3A_228, %add3A_229 : i32
        %get3A_231 = arith.index_cast %add3A_228 : i32 to index
        %get3A_232 = tpu.vector_load %arg6[%get3A_231] {strides = array<i32>} : memref<8192xf32, #tpu.memory_space<vmem>>, vector<16xf32>,
        %get3A_233 = vector.shape_cast %get3A_232 : vector<16xf32> to vector<16xf32>
        %get3A_234 = arith.index_cast %add3A_228 : i32 to index
        %get3A_235 = tpu.vector_load %arg10[%get3A_234] {strides = array<i32>} : memref<8192xf32, #tpu.memory_space<vmem>>, vector<16xf32>,
        %get3A_236 = vector.shape_cast %get3A_235 : vector<16xf32> to vector<16xf32>
        %get3A_237 = arith.index_cast %add3A_230 : i32 to index
        %get3A_238 = tpu.vector_load %arg6[%get3A_237] {strides = array<i32>} : memref<8192xf32, #tpu.memory_space<vmem>>, vector<16xf32>,
        %get3A_239 = vector.shape_cast %get3A_238 : vector<16xf32> to vector<16xf32>
        %get3A_240 = arith.index_cast %add3A_230 : i32 to index
        %get3A_241 = tpu.vector_load %arg10[%get3A_240] {strides = array<i32>} : memref<8192xf32, #tpu.memory_space<vmem>>, vector<16xf32>,
        %get3A_242 = vector.shape_cast %get3A_241 : vector<16xf32> to vector<16xf32>
        %sub3A_243 = arith.subf %get3A_233, %get3A_236 : vector<16xf32>
        %sub3A_244 = arith.subf %get3A_239, %get3A_242 : vector<16xf32>
        %mul3A_245 = arith.mulf %sub3A_243, %sub3A_243 : vector<16xf32>
        %mul3A_246 = arith.mulf %sub3A_244, %sub3A_244 : vector<16xf32>
        %add3A_247 = arith.addf %mul3A_245, %mul3A_246 : vector<16xf32>
        %ne3A_248 = arith.constant 0.000000e+00 : f32
        %ne3A_249 = vector.broadcast %ne3A_248 : f32 to vector<16xf32>
        %ne3A_250 = arith.cmpf one, %get3A_242, %ne3A_249 : vector<16xf32>
        %jit3A_251 = arith.constant 0.000000e+00 : f32
        %broadcast_in_dim3A_252 = vector.broadcast %jit3A_251 : f32 to vector<16xf32>
        %select_n3A_253 = arith.select %ne3A_250, %add3A_247, %broadcast_in_dim3A_252 : vector<16xi1>, vector<16xf32>
        %add3A_254 = arith.addf %add3A_226, %select_n3A_253 : vector<16xf32>
        %add3A_255 = arith.constant 32 : i32
        %add3A_256 = arith.addi %mul3A_203, %add3A_255 : i32
        %add3A_257 = arith.constant 128 : i32
        %add3A_258 = arith.addi %add3A_256, %add3A_257 : i32
        %get3A_259 = arith.index_cast %add3A_256 : i32 to index
        %get3A_260 = tpu.vector_load %arg6[%get3A_259] {strides = array<i32>} : memref<8192xf32, #tpu.memory_space<vmem>>, vector<16xf32>,
        %get3A_261 = vector.shape_cast %get3A_260 : vector<16xf32> to vector<16xf32>
        %get3A_262 = arith.index_cast %add3A_256 : i32 to index
        %get3A_263 = tpu.vector_load %arg10[%get3A_262] {strides = array<i32>} : memref<8192xf32, #tpu.memory_space<vmem>>, vector<16xf32>,
        %get3A_264 = vector.shape_cast %get3A_263 : vector<16xf32> to vector<16xf32>
        %get3A_265 = arith.index_cast %add3A_258 : i32 to index
        %get3A_266 = tpu.vector_load %arg6[%get3A_265] {strides = array<i32>} : memref<8192xf32, #tpu.memory_space<vmem>>, vector<16xf32>,
        %get3A_267 = vector.shape_cast %get3A_266 : vector<16xf32> to vector<16xf32>
        %get3A_268 = arith.index_cast %add3A_258 : i32 to index
        %get3A_269 = tpu.vector_load %arg10[%get3A_268] {strides = array<i32>} : memref<8192xf32, #tpu.memory_space<vmem>>, vector<16xf32>,
        %get3A_270 = vector.shape_cast %get3A_269 : vector<16xf32> to vector<16xf32>
        %sub3A_271 = arith.subf %get3A_261, %get3A_264 : vector<16xf32>
        %sub3A_272 = arith.subf %get3A_267, %get3A_270 : vector<16xf32>
        %mul3A_273 = arith.mulf %sub3A_271, %sub3A_271 : vector<16xf32>
        %mul3A_274 = arith.mulf %sub3A_272, %sub3A_272 : vector<16xf32>
        %add3A_275 = arith.addf %mul3A_273, %mul3A_274 : vector<16xf32>
        %ne3A_276 = arith.constant 0.000000e+00 : f32
        %ne3A_277 = vector.broadcast %ne3A_276 : f32 to vector<16xf32>
        %ne3A_278 = arith.cmpf one, %get3A_270, %ne3A_277 : vector<16xf32>
        %jit3A_279 = arith.constant 0.000000e+00 : f32
        %broadcast_in_dim3A_280 = vector.broadcast %jit3A_279 : f32 to vector<16xf32>
        %select_n3A_281 = arith.select %ne3A_278, %add3A_275, %broadcast_in_dim3A_280 : vector<16xi1>, vector<16xf32>
        %add3A_282 = arith.addf %add3A_254, %select_n3A_281 : vector<16xf32>
        %add3A_283 = arith.constant 48 : i32
        %add3A_284 = arith.addi %mul3A_203, %add3A_283 : i32
        %add3A_285 = arith.constant 128 : i32
        %add3A_286 = arith.addi %add3A_284, %add3A_285 : i32
        %get3A_287 = arith.index_cast %add3A_284 : i32 to index
        %get3A_288 = tpu.vector_load %arg6[%get3A_287] {strides = array<i32>} : memref<8192xf32, #tpu.memory_space<vmem>>, vector<16xf32>,
        %get3A_289 = vector.shape_cast %get3A_288 : vector<16xf32> to vector<16xf32>
        %get3A_290 = arith.index_cast %add3A_284 : i32 to index
        %get3A_291 = tpu.vector_load %arg10[%get3A_290] {strides = array<i32>} : memref<8192xf32, #tpu.memory_space<vmem>>, vector<16xf32>,
        %get3A_292 = vector.shape_cast %get3A_291 : vector<16xf32> to vector<16xf32>
        %get3A_293 = arith.index_cast %add3A_286 : i32 to index
        %get3A_294 = tpu.vector_load %arg6[%get3A_293] {strides = array<i32>} : memref<8192xf32, #tpu.memory_space<vmem>>, vector<16xf32>,
        %get3A_295 = vector.shape_cast %get3A_294 : vector<16xf32> to vector<16xf32>
        %get3A_296 = arith.index_cast %add3A_286 : i32 to index
        %get3A_297 = tpu.vector_load %arg10[%get3A_296] {strides = array<i32>} : memref<8192xf32, #tpu.memory_space<vmem>>, vector<16xf32>,
        %get3A_298 = vector.shape_cast %get3A_297 : vector<16xf32> to vector<16xf32>
        %sub3A_299 = arith.subf %get3A_289, %get3A_292 : vector<16xf32>
        %sub3A_300 = arith.subf %get3A_295, %get3A_298 : vector<16xf32>
        %mul3A_301 = arith.mulf %sub3A_299, %sub3A_299 : vector<16xf32>
        %mul3A_302 = arith.mulf %sub3A_300, %sub3A_300 : vector<16xf32>
        %add3A_303 = arith.addf %mul3A_301, %mul3A_302 : vector<16xf32>
        %ne3A_304 = arith.constant 0.000000e+00 : f32
        %ne3A_305 = vector.broadcast %ne3A_304 : f32 to vector<16xf32>
        %ne3A_306 = arith.cmpf one, %get3A_298, %ne3A_305 : vector<16xf32>
        %jit3A_307 = arith.constant 0.000000e+00 : f32
        %broadcast_in_dim3A_308 = vector.broadcast %jit3A_307 : f32 to vector<16xf32>
        %select_n3A_309 = arith.select %ne3A_306, %add3A_303, %broadcast_in_dim3A_308 : vector<16xi1>, vector<16xf32>
        %add3A_310 = arith.addf %add3A_282, %select_n3A_309 : vector<16xf32>
        %add3A_311 = arith.constant 64 : i32
        %add3A_312 = arith.addi %mul3A_203, %add3A_311 : i32
        %add3A_313 = arith.constant 128 : i32
        %add3A_314 = arith.addi %add3A_312, %add3A_313 : i32
        %get3A_315 = arith.index_cast %add3A_312 : i32 to index
        %get3A_316 = tpu.vector_load %arg6[%get3A_315] {strides = array<i32>} : memref<8192xf32, #tpu.memory_space<vmem>>, vector<16xf32>,
        %get3A_317 = vector.shape_cast %get3A_316 : vector<16xf32> to vector<16xf32>
        %get3A_318 = arith.index_cast %add3A_312 : i32 to index
        %get3A_319 = tpu.vector_load %arg10[%get3A_318] {strides = array<i32>} : memref<8192xf32, #tpu.memory_space<vmem>>, vector<16xf32>,
        %get3A_320 = vector.shape_cast %get3A_319 : vector<16xf32> to vector<16xf32>
        %get3A_321 = arith.index_cast %add3A_314 : i32 to index
        %get3A_322 = tpu.vector_load %arg6[%get3A_321] {strides = array<i32>} : memref<8192xf32, #tpu.memory_space<vmem>>, vector<16xf32>,
        %get3A_323 = vector.shape_cast %get3A_322 : vector<16xf32> to vector<16xf32>
        %get3A_324 = arith.index_cast %add3A_314 : i32 to index
        %get3A_325 = tpu.vector_load %arg10[%get3A_324] {strides = array<i32>} : memref<8192xf32, #tpu.memory_space<vmem>>, vector<16xf32>,
        %get3A_326 = vector.shape_cast %get3A_325 : vector<16xf32> to vector<16xf32>
        %sub3A_327 = arith.subf %get3A_317, %get3A_320 : vector<16xf32>
        %sub3A_328 = arith.subf %get3A_323, %get3A_326 : vector<16xf32>
        %mul3A_329 = arith.mulf %sub3A_327, %sub3A_327 : vector<16xf32>
        %mul3A_330 = arith.mulf %sub3A_328, %sub3A_328 : vector<16xf32>
        %add3A_331 = arith.addf %mul3A_329, %mul3A_330 : vector<16xf32>
        %ne3A_332 = arith.constant 0.000000e+00 : f32
        %ne3A_333 = vector.broadcast %ne3A_332 : f32 to vector<16xf32>
        %ne3A_334 = arith.cmpf one, %get3A_326, %ne3A_333 : vector<16xf32>
        %jit3A_335 = arith.constant 0.000000e+00 : f32
        %broadcast_in_dim3A_336 = vector.broadcast %jit3A_335 : f32 to vector<16xf32>
        %select_n3A_337 = arith.select %ne3A_334, %add3A_331, %broadcast_in_dim3A_336 : vector<16xi1>, vector<16xf32>
        %add3A_338 = arith.addf %add3A_310, %select_n3A_337 : vector<16xf32>
        %add3A_339 = arith.constant 80 : i32
        %add3A_340 = arith.addi %mul3A_203, %add3A_339 : i32
        %add3A_341 = arith.constant 128 : i32
        %add3A_342 = arith.addi %add3A_340, %add3A_341 : i32
        %get3A_343 = arith.index_cast %add3A_340 : i32 to index
        %get3A_344 = tpu.vector_load %arg6[%get3A_343] {strides = array<i32>} : memref<8192xf32, #tpu.memory_space<vmem>>, vector<16xf32>,
        %get3A_345 = vector.shape_cast %get3A_344 : vector<16xf32> to vector<16xf32>
        %get3A_346 = arith.index_cast %add3A_340 : i32 to index
        %get3A_347 = tpu.vector_load %arg10[%get3A_346] {strides = array<i32>} : memref<8192xf32, #tpu.memory_space<vmem>>, vector<16xf32>,
        %get3A_348 = vector.shape_cast %get3A_347 : vector<16xf32> to vector<16xf32>
        %get3A_349 = arith.index_cast %add3A_342 : i32 to index
        %get3A_350 = tpu.vector_load %arg6[%get3A_349] {strides = array<i32>} : memref<8192xf32, #tpu.memory_space<vmem>>, vector<16xf32>,
        %get3A_351 = vector.shape_cast %get3A_350 : vector<16xf32> to vector<16xf32>
        %get3A_352 = arith.index_cast %add3A_342 : i32 to index
        %get3A_353 = tpu.vector_load %arg10[%get3A_352] {strides = array<i32>} : memref<8192xf32, #tpu.memory_space<vmem>>, vector<16xf32>,
        %get3A_354 = vector.shape_cast %get3A_353 : vector<16xf32> to vector<16xf32>
        %sub3A_355 = arith.subf %get3A_345, %get3A_348 : vector<16xf32>
        %sub3A_356 = arith.subf %get3A_351, %get3A_354 : vector<16xf32>
        %mul3A_357 = arith.mulf %sub3A_355, %sub3A_355 : vector<16xf32>
        %mul3A_358 = arith.mulf %sub3A_356, %sub3A_356 : vector<16xf32>
        %add3A_359 = arith.addf %mul3A_357, %mul3A_358 : vector<16xf32>
        %ne3A_360 = arith.constant 0.000000e+00 : f32
        %ne3A_361 = vector.broadcast %ne3A_360 : f32 to vector<16xf32>
        %ne3A_362 = arith.cmpf one, %get3A_354, %ne3A_361 : vector<16xf32>
        %jit3A_363 = arith.constant 0.000000e+00 : f32
        %broadcast_in_dim3A_364 = vector.broadcast %jit3A_363 : f32 to vector<16xf32>
        %select_n3A_365 = arith.select %ne3A_362, %add3A_359, %broadcast_in_dim3A_364 : vector<16xi1>, vector<16xf32>
        %add3A_366 = arith.addf %add3A_338, %select_n3A_365 : vector<16xf32>
        %add3A_367 = arith.constant 96 : i32
        %add3A_368 = arith.addi %mul3A_203, %add3A_367 : i32
        %add3A_369 = arith.constant 128 : i32
        %add3A_370 = arith.addi %add3A_368, %add3A_369 : i32
        %get3A_371 = arith.index_cast %add3A_368 : i32 to index
        %get3A_372 = tpu.vector_load %arg6[%get3A_371] {strides = array<i32>} : memref<8192xf32, #tpu.memory_space<vmem>>, vector<16xf32>,
        %get3A_373 = vector.shape_cast %get3A_372 : vector<16xf32> to vector<16xf32>
        %get3A_374 = arith.index_cast %add3A_368 : i32 to index
        %get3A_375 = tpu.vector_load %arg10[%get3A_374] {strides = array<i32>} : memref<8192xf32, #tpu.memory_space<vmem>>, vector<16xf32>,
        %get3A_376 = vector.shape_cast %get3A_375 : vector<16xf32> to vector<16xf32>
        %get3A_377 = arith.index_cast %add3A_370 : i32 to index
        %get3A_378 = tpu.vector_load %arg6[%get3A_377] {strides = array<i32>} : memref<8192xf32, #tpu.memory_space<vmem>>, vector<16xf32>,
        %get3A_379 = vector.shape_cast %get3A_378 : vector<16xf32> to vector<16xf32>
        %get3A_380 = arith.index_cast %add3A_370 : i32 to index
        %get3A_381 = tpu.vector_load %arg10[%get3A_380] {strides = array<i32>} : memref<8192xf32, #tpu.memory_space<vmem>>, vector<16xf32>,
        %get3A_382 = vector.shape_cast %get3A_381 : vector<16xf32> to vector<16xf32>
        %sub3A_383 = arith.subf %get3A_373, %get3A_376 : vector<16xf32>
        %sub3A_384 = arith.subf %get3A_379, %get3A_382 : vector<16xf32>
        %mul3A_385 = arith.mulf %sub3A_383, %sub3A_383 : vector<16xf32>
        %mul3A_386 = arith.mulf %sub3A_384, %sub3A_384 : vector<16xf32>
        %add3A_387 = arith.addf %mul3A_385, %mul3A_386 : vector<16xf32>
        %ne3A_388 = arith.constant 0.000000e+00 : f32
        %ne3A_389 = vector.broadcast %ne3A_388 : f32 to vector<16xf32>
        %ne3A_390 = arith.cmpf one, %get3A_382, %ne3A_389 : vector<16xf32>
        %jit3A_391 = arith.constant 0.000000e+00 : f32
        %broadcast_in_dim3A_392 = vector.broadcast %jit3A_391 : f32 to vector<16xf32>
        %select_n3A_393 = arith.select %ne3A_390, %add3A_387, %broadcast_in_dim3A_392 : vector<16xi1>, vector<16xf32>
        %add3A_394 = arith.addf %add3A_366, %select_n3A_393 : vector<16xf32>
        %add3A_395 = arith.constant 112 : i32
        %add3A_396 = arith.addi %mul3A_203, %add3A_395 : i32
        %add3A_397 = arith.constant 128 : i32
        %add3A_398 = arith.addi %add3A_396, %add3A_397 : i32
        %get3A_399 = arith.index_cast %add3A_396 : i32 to index
        %get3A_400 = tpu.vector_load %arg6[%get3A_399] {strides = array<i32>} : memref<8192xf32, #tpu.memory_space<vmem>>, vector<16xf32>,
        %get3A_401 = vector.shape_cast %get3A_400 : vector<16xf32> to vector<16xf32>
        %get3A_402 = arith.index_cast %add3A_396 : i32 to index
        %get3A_403 = tpu.vector_load %arg10[%get3A_402] {strides = array<i32>} : memref<8192xf32, #tpu.memory_space<vmem>>, vector<16xf32>,
        %get3A_404 = vector.shape_cast %get3A_403 : vector<16xf32> to vector<16xf32>
        %get3A_405 = arith.index_cast %add3A_398 : i32 to index
        %get3A_406 = tpu.vector_load %arg6[%get3A_405] {strides = array<i32>} : memref<8192xf32, #tpu.memory_space<vmem>>, vector<16xf32>,
        %get3A_407 = vector.shape_cast %get3A_406 : vector<16xf32> to vector<16xf32>
        %get3A_408 = arith.index_cast %add3A_398 : i32 to index
        %get3A_409 = tpu.vector_load %arg10[%get3A_408] {strides = array<i32>} : memref<8192xf32, #tpu.memory_space<vmem>>, vector<16xf32>,
        %get3A_410 = vector.shape_cast %get3A_409 : vector<16xf32> to vector<16xf32>
        %sub3A_411 = arith.subf %get3A_401, %get3A_404 : vector<16xf32>
        %sub3A_412 = arith.subf %get3A_407, %get3A_410 : vector<16xf32>
        %mul3A_413 = arith.mulf %sub3A_411, %sub3A_411 : vector<16xf32>
        %mul3A_414 = arith.mulf %sub3A_412, %sub3A_412 : vector<16xf32>
        %add3A_415 = arith.addf %mul3A_413, %mul3A_414 : vector<16xf32>
        %ne3A_416 = arith.constant 0.000000e+00 : f32
        %ne3A_417 = vector.broadcast %ne3A_416 : f32 to vector<16xf32>
        %ne3A_418 = arith.cmpf one, %get3A_410, %ne3A_417 : vector<16xf32>
        %jit3A_419 = arith.constant 0.000000e+00 : f32
        %broadcast_in_dim3A_420 = vector.broadcast %jit3A_419 : f32 to vector<16xf32>
        %select_n3A_421 = arith.select %ne3A_418, %add3A_415, %broadcast_in_dim3A_420 : vector<16xi1>, vector<16xf32>
        %add3A_422 = arith.addf %add3A_394, %select_n3A_421 : vector<16xf32>
        scf.yield %add3A_422 : vector<16xf32>
      }
      %scan3A_132 = arith.constant 32 : i32
      %mul3A_133 = arith.constant 4 : i32
      %mul3A_134 = arith.muli %scan3A_90, %mul3A_133 : i32
      %add3A_135 = arith.constant 1 : i32
      %add3A_136 = arith.addi %mul3A_134, %add3A_135 : i32
      %add3A_137 = arith.constant 4 : i32
      %add3A_138 = arith.addi %add3A_136, %add3A_137 : i32
      %mul3A_139 = arith.constant 8192 : i32
      %mul3A_140 = arith.muli %add3A_138, %mul3A_139 : i32
      %add3A_141 = arith.addi %mul3A_2, %mul3A_140 : i32
      %dma_start3A_142 = tpu.memref_slice %arg2[%add3A_141] : memref<8388608xf32, #tpu.memory_space<hbm>> -> memref<8192xf32, #tpu.memory_space<hbm>>
      %dma_start3A_143 = tpu.memref_slice %arg2[%add3A_141] : memref<8388608xf32, #tpu.memory_space<hbm>> -> memref<8192xf32, #tpu.memory_space<hbm>>
      tpu.enqueue_dma source(%dma_start3A_143 : memref<8192xf32, #tpu.memory_space<hbm>>) target(%arg6 : memref<8192xf32, #tpu.memory_space<vmem>>) target_semaphore(%arg15 : memref<!tpu.dma_semaphore, #tpu.memory_space<semaphore_mem>>)
      %dma_start3A_144 = tpu.memref_slice %arg3[%add3A_141] : memref<8388608xf32, #tpu.memory_space<hbm>> -> memref<8192xf32, #tpu.memory_space<hbm>>
      %dma_start3A_145 = tpu.memref_slice %arg3[%add3A_141] : memref<8388608xf32, #tpu.memory_space<hbm>> -> memref<8192xf32, #tpu.memory_space<hbm>>
      tpu.enqueue_dma source(%dma_start3A_145 : memref<8192xf32, #tpu.memory_space<hbm>>) target(%arg10 : memref<8192xf32, #tpu.memory_space<vmem>>) target_semaphore(%arg19 : memref<!tpu.dma_semaphore, #tpu.memory_space<semaphore_mem>>)
      %dma_wait3A_146 = arith.constant 0 : i32
      %dma_wait3A_147 = tpu.memref_slice %arg2[%dma_wait3A_146] : memref<8388608xf32, #tpu.memory_space<hbm>> -> memref<8192xf32, #tpu.memory_space<hbm>>
      %dma_wait3A_148 = arith.constant 0 : i32
      %dma_wait3A_149 = tpu.memref_slice %arg2[%dma_wait3A_148] : memref<8388608xf32, #tpu.memory_space<hbm>> -> memref<8192xf32, #tpu.memory_space<hbm>>
      tpu.wait_dma2 semaphore(%arg16 : memref<!tpu.dma_semaphore, #tpu.memory_space<semaphore_mem>>) src(%dma_wait3A_149 : memref<8192xf32, #tpu.memory_space<hbm>>) dst(%arg7 : memref<8192xf32, #tpu.memory_space<vmem>>)
      %dma_wait3A_150 = arith.constant 0 : i32
      %dma_wait3A_151 = tpu.memref_slice %arg3[%dma_wait3A_150] : memref<8388608xf32, #tpu.memory_space<hbm>> -> memref<8192xf32, #tpu.memory_space<hbm>>
      %dma_wait3A_152 = arith.constant 0 : i32
      %dma_wait3A_153 = tpu.memref_slice %arg3[%dma_wait3A_152] : memref<8388608xf32, #tpu.memory_space<hbm>> -> memref<8192xf32, #tpu.memory_space<hbm>>
      tpu.wait_dma2 semaphore(%arg20 : memref<!tpu.dma_semaphore, #tpu.memory_space<semaphore_mem>>) src(%dma_wait3A_153 : memref<8192xf32, #tpu.memory_space<hbm>>) dst(%arg11 : memref<8192xf32, #tpu.memory_space<vmem>>)
      %scan3A_154 = arith.constant 0 : i32
      %scan3A_155 = arith.constant 32 : i32
      %scan3A_156 = arith.addi %scan3A_154, %scan3A_155 : i32
      %scan3A_157 = arith.constant 1 : i32
      %scan3A_158 = scf.for %scan3A_200 = %scan3A_154 to %scan3A_156 step %scan3A_157 iter_args(%scan3A_201 = %scan3A_131) -> (vector<16xf32>)  : i32 {
        %mul3A_202 = arith.constant 256 : i32
        %mul3A_203 = arith.muli %scan3A_200, %mul3A_202 : i32
        %add3A_204 = arith.constant 0 : i32
        %add3A_205 = arith.addi %mul3A_203, %add3A_204 : i32
        %add3A_206 = arith.constant 128 : i32
        %add3A_207 = arith.addi %add3A_205, %add3A_206 : i32
        %get3A = arith.index_cast %add3A_205 : i32 to index
        %get3A_208 = tpu.vector_load %arg7[%get3A] {strides = array<i32>} : memref<8192xf32, #tpu.memory_space<vmem>>, vector<16xf32>,
        %get3A_209 = vector.shape_cast %get3A_208 : vector<16xf32> to vector<16xf32>
        %get3A_210 = arith.index_cast %add3A_205 : i32 to index
        %get3A_211 = tpu.vector_load %arg11[%get3A_210] {strides = array<i32>} : memref<8192xf32, #tpu.memory_space<vmem>>, vector<16xf32>,
        %get3A_212 = vector.shape_cast %get3A_211 : vector<16xf32> to vector<16xf32>
        %get3A_213 = arith.index_cast %add3A_207 : i32 to index
        %get3A_214 = tpu.vector_load %arg7[%get3A_213] {strides = array<i32>} : memref<8192xf32, #tpu.memory_space<vmem>>, vector<16xf32>,
        %get3A_215 = vector.shape_cast %get3A_214 : vector<16xf32> to vector<16xf32>
        %get3A_216 = arith.index_cast %add3A_207 : i32 to index
        %get3A_217 = tpu.vector_load %arg11[%get3A_216] {strides = array<i32>} : memref<8192xf32, #tpu.memory_space<vmem>>, vector<16xf32>,
        %get3A_218 = vector.shape_cast %get3A_217 : vector<16xf32> to vector<16xf32>
        %sub3A = arith.subf %get3A_209, %get3A_212 : vector<16xf32>
        %sub3A_219 = arith.subf %get3A_215, %get3A_218 : vector<16xf32>
        %mul3A_220 = arith.mulf %sub3A, %sub3A : vector<16xf32>
        %mul3A_221 = arith.mulf %sub3A_219, %sub3A_219 : vector<16xf32>
        %add3A_222 = arith.addf %mul3A_220, %mul3A_221 : vector<16xf32>
        %ne3A = arith.constant 0.000000e+00 : f32
        %ne3A_223 = vector.broadcast %ne3A : f32 to vector<16xf32>
        %ne3A_224 = arith.cmpf one, %get3A_218, %ne3A_223 : vector<16xf32>
        %jit3A = arith.constant 0.000000e+00 : f32
        %broadcast_in_dim3A_225 = vector.broadcast %jit3A : f32 to vector<16xf32>
        %select_n3A = arith.select %ne3A_224, %add3A_222, %broadcast_in_dim3A_225 : vector<16xi1>, vector<16xf32>
        %add3A_226 = arith.addf %scan3A_201, %select_n3A : vector<16xf32>
        %add3A_227 = arith.constant 16 : i32
        %add3A_228 = arith.addi %mul3A_203, %add3A_227 : i32
        %add3A_229 = arith.constant 128 : i32
        %add3A_230 = arith.addi %add3A_228, %add3A_229 : i32
        %get3A_231 = arith.index_cast %add3A_228 : i32 to index
        %get3A_232 = tpu.vector_load %arg7[%get3A_231] {strides = array<i32>} : memref<8192xf32, #tpu.memory_space<vmem>>, vector<16xf32>,
        %get3A_233 = vector.shape_cast %get3A_232 : vector<16xf32> to vector<16xf32>
        %get3A_234 = arith.index_cast %add3A_228 : i32 to index
        %get3A_235 = tpu.vector_load %arg11[%get3A_234] {strides = array<i32>} : memref<8192xf32, #tpu.memory_space<vmem>>, vector<16xf32>,
        %get3A_236 = vector.shape_cast %get3A_235 : vector<16xf32> to vector<16xf32>
        %get3A_237 = arith.index_cast %add3A_230 : i32 to index
        %get3A_238 = tpu.vector_load %arg7[%get3A_237] {strides = array<i32>} : memref<8192xf32, #tpu.memory_space<vmem>>, vector<16xf32>,
        %get3A_239 = vector.shape_cast %get3A_238 : vector<16xf32> to vector<16xf32>
        %get3A_240 = arith.index_cast %add3A_230 : i32 to index
        %get3A_241 = tpu.vector_load %arg11[%get3A_240] {strides = array<i32>} : memref<8192xf32, #tpu.memory_space<vmem>>, vector<16xf32>,
        %get3A_242 = vector.shape_cast %get3A_241 : vector<16xf32> to vector<16xf32>
        %sub3A_243 = arith.subf %get3A_233, %get3A_236 : vector<16xf32>
        %sub3A_244 = arith.subf %get3A_239, %get3A_242 : vector<16xf32>
        %mul3A_245 = arith.mulf %sub3A_243, %sub3A_243 : vector<16xf32>
        %mul3A_246 = arith.mulf %sub3A_244, %sub3A_244 : vector<16xf32>
        %add3A_247 = arith.addf %mul3A_245, %mul3A_246 : vector<16xf32>
        %ne3A_248 = arith.constant 0.000000e+00 : f32
        %ne3A_249 = vector.broadcast %ne3A_248 : f32 to vector<16xf32>
        %ne3A_250 = arith.cmpf one, %get3A_242, %ne3A_249 : vector<16xf32>
        %jit3A_251 = arith.constant 0.000000e+00 : f32
        %broadcast_in_dim3A_252 = vector.broadcast %jit3A_251 : f32 to vector<16xf32>
        %select_n3A_253 = arith.select %ne3A_250, %add3A_247, %broadcast_in_dim3A_252 : vector<16xi1>, vector<16xf32>
        %add3A_254 = arith.addf %add3A_226, %select_n3A_253 : vector<16xf32>
        %add3A_255 = arith.constant 32 : i32
        %add3A_256 = arith.addi %mul3A_203, %add3A_255 : i32
        %add3A_257 = arith.constant 128 : i32
        %add3A_258 = arith.addi %add3A_256, %add3A_257 : i32
        %get3A_259 = arith.index_cast %add3A_256 : i32 to index
        %get3A_260 = tpu.vector_load %arg7[%get3A_259] {strides = array<i32>} : memref<8192xf32, #tpu.memory_space<vmem>>, vector<16xf32>,
        %get3A_261 = vector.shape_cast %get3A_260 : vector<16xf32> to vector<16xf32>
        %get3A_262 = arith.index_cast %add3A_256 : i32 to index
        %get3A_263 = tpu.vector_load %arg11[%get3A_262] {strides = array<i32>} : memref<8192xf32, #tpu.memory_space<vmem>>, vector<16xf32>,
        %get3A_264 = vector.shape_cast %get3A_263 : vector<16xf32> to vector<16xf32>
        %get3A_265 = arith.index_cast %add3A_258 : i32 to index
        %get3A_266 = tpu.vector_load %arg7[%get3A_265] {strides = array<i32>} : memref<8192xf32, #tpu.memory_space<vmem>>, vector<16xf32>,
        %get3A_267 = vector.shape_cast %get3A_266 : vector<16xf32> to vector<16xf32>
        %get3A_268 = arith.index_cast %add3A_258 : i32 to index
        %get3A_269 = tpu.vector_load %arg11[%get3A_268] {strides = array<i32>} : memref<8192xf32, #tpu.memory_space<vmem>>, vector<16xf32>,
        %get3A_270 = vector.shape_cast %get3A_269 : vector<16xf32> to vector<16xf32>
        %sub3A_271 = arith.subf %get3A_261, %get3A_264 : vector<16xf32>
        %sub3A_272 = arith.subf %get3A_267, %get3A_270 : vector<16xf32>
        %mul3A_273 = arith.mulf %sub3A_271, %sub3A_271 : vector<16xf32>
        %mul3A_274 = arith.mulf %sub3A_272, %sub3A_272 : vector<16xf32>
        %add3A_275 = arith.addf %mul3A_273, %mul3A_274 : vector<16xf32>
        %ne3A_276 = arith.constant 0.000000e+00 : f32
        %ne3A_277 = vector.broadcast %ne3A_276 : f32 to vector<16xf32>
        %ne3A_278 = arith.cmpf one, %get3A_270, %ne3A_277 : vector<16xf32>
        %jit3A_279 = arith.constant 0.000000e+00 : f32
        %broadcast_in_dim3A_280 = vector.broadcast %jit3A_279 : f32 to vector<16xf32>
        %select_n3A_281 = arith.select %ne3A_278, %add3A_275, %broadcast_in_dim3A_280 : vector<16xi1>, vector<16xf32>
        %add3A_282 = arith.addf %add3A_254, %select_n3A_281 : vector<16xf32>
        %add3A_283 = arith.constant 48 : i32
        %add3A_284 = arith.addi %mul3A_203, %add3A_283 : i32
        %add3A_285 = arith.constant 128 : i32
        %add3A_286 = arith.addi %add3A_284, %add3A_285 : i32
        %get3A_287 = arith.index_cast %add3A_284 : i32 to index
        %get3A_288 = tpu.vector_load %arg7[%get3A_287] {strides = array<i32>} : memref<8192xf32, #tpu.memory_space<vmem>>, vector<16xf32>,
        %get3A_289 = vector.shape_cast %get3A_288 : vector<16xf32> to vector<16xf32>
        %get3A_290 = arith.index_cast %add3A_284 : i32 to index
        %get3A_291 = tpu.vector_load %arg11[%get3A_290] {strides = array<i32>} : memref<8192xf32, #tpu.memory_space<vmem>>, vector<16xf32>,
        %get3A_292 = vector.shape_cast %get3A_291 : vector<16xf32> to vector<16xf32>
        %get3A_293 = arith.index_cast %add3A_286 : i32 to index
        %get3A_294 = tpu.vector_load %arg7[%get3A_293] {strides = array<i32>} : memref<8192xf32, #tpu.memory_space<vmem>>, vector<16xf32>,
        %get3A_295 = vector.shape_cast %get3A_294 : vector<16xf32> to vector<16xf32>
        %get3A_296 = arith.index_cast %add3A_286 : i32 to index
        %get3A_297 = tpu.vector_load %arg11[%get3A_296] {strides = array<i32>} : memref<8192xf32, #tpu.memory_space<vmem>>, vector<16xf32>,
        %get3A_298 = vector.shape_cast %get3A_297 : vector<16xf32> to vector<16xf32>
        %sub3A_299 = arith.subf %get3A_289, %get3A_292 : vector<16xf32>
        %sub3A_300 = arith.subf %get3A_295, %get3A_298 : vector<16xf32>
        %mul3A_301 = arith.mulf %sub3A_299, %sub3A_299 : vector<16xf32>
        %mul3A_302 = arith.mulf %sub3A_300, %sub3A_300 : vector<16xf32>
        %add3A_303 = arith.addf %mul3A_301, %mul3A_302 : vector<16xf32>
        %ne3A_304 = arith.constant 0.000000e+00 : f32
        %ne3A_305 = vector.broadcast %ne3A_304 : f32 to vector<16xf32>
        %ne3A_306 = arith.cmpf one, %get3A_298, %ne3A_305 : vector<16xf32>
        %jit3A_307 = arith.constant 0.000000e+00 : f32
        %broadcast_in_dim3A_308 = vector.broadcast %jit3A_307 : f32 to vector<16xf32>
        %select_n3A_309 = arith.select %ne3A_306, %add3A_303, %broadcast_in_dim3A_308 : vector<16xi1>, vector<16xf32>
        %add3A_310 = arith.addf %add3A_282, %select_n3A_309 : vector<16xf32>
        %add3A_311 = arith.constant 64 : i32
        %add3A_312 = arith.addi %mul3A_203, %add3A_311 : i32
        %add3A_313 = arith.constant 128 : i32
        %add3A_314 = arith.addi %add3A_312, %add3A_313 : i32
        %get3A_315 = arith.index_cast %add3A_312 : i32 to index
        %get3A_316 = tpu.vector_load %arg7[%get3A_315] {strides = array<i32>} : memref<8192xf32, #tpu.memory_space<vmem>>, vector<16xf32>,
        %get3A_317 = vector.shape_cast %get3A_316 : vector<16xf32> to vector<16xf32>
        %get3A_318 = arith.index_cast %add3A_312 : i32 to index
        %get3A_319 = tpu.vector_load %arg11[%get3A_318] {strides = array<i32>} : memref<8192xf32, #tpu.memory_space<vmem>>, vector<16xf32>,
        %get3A_320 = vector.shape_cast %get3A_319 : vector<16xf32> to vector<16xf32>
        %get3A_321 = arith.index_cast %add3A_314 : i32 to index
        %get3A_322 = tpu.vector_load %arg7[%get3A_321] {strides = array<i32>} : memref<8192xf32, #tpu.memory_space<vmem>>, vector<16xf32>,
        %get3A_323 = vector.shape_cast %get3A_322 : vector<16xf32> to vector<16xf32>
        %get3A_324 = arith.index_cast %add3A_314 : i32 to index
        %get3A_325 = tpu.vector_load %arg11[%get3A_324] {strides = array<i32>} : memref<8192xf32, #tpu.memory_space<vmem>>, vector<16xf32>,
        %get3A_326 = vector.shape_cast %get3A_325 : vector<16xf32> to vector<16xf32>
        %sub3A_327 = arith.subf %get3A_317, %get3A_320 : vector<16xf32>
        %sub3A_328 = arith.subf %get3A_323, %get3A_326 : vector<16xf32>
        %mul3A_329 = arith.mulf %sub3A_327, %sub3A_327 : vector<16xf32>
        %mul3A_330 = arith.mulf %sub3A_328, %sub3A_328 : vector<16xf32>
        %add3A_331 = arith.addf %mul3A_329, %mul3A_330 : vector<16xf32>
        %ne3A_332 = arith.constant 0.000000e+00 : f32
        %ne3A_333 = vector.broadcast %ne3A_332 : f32 to vector<16xf32>
        %ne3A_334 = arith.cmpf one, %get3A_326, %ne3A_333 : vector<16xf32>
        %jit3A_335 = arith.constant 0.000000e+00 : f32
        %broadcast_in_dim3A_336 = vector.broadcast %jit3A_335 : f32 to vector<16xf32>
        %select_n3A_337 = arith.select %ne3A_334, %add3A_331, %broadcast_in_dim3A_336 : vector<16xi1>, vector<16xf32>
        %add3A_338 = arith.addf %add3A_310, %select_n3A_337 : vector<16xf32>
        %add3A_339 = arith.constant 80 : i32
        %add3A_340 = arith.addi %mul3A_203, %add3A_339 : i32
        %add3A_341 = arith.constant 128 : i32
        %add3A_342 = arith.addi %add3A_340, %add3A_341 : i32
        %get3A_343 = arith.index_cast %add3A_340 : i32 to index
        %get3A_344 = tpu.vector_load %arg7[%get3A_343] {strides = array<i32>} : memref<8192xf32, #tpu.memory_space<vmem>>, vector<16xf32>,
        %get3A_345 = vector.shape_cast %get3A_344 : vector<16xf32> to vector<16xf32>
        %get3A_346 = arith.index_cast %add3A_340 : i32 to index
        %get3A_347 = tpu.vector_load %arg11[%get3A_346] {strides = array<i32>} : memref<8192xf32, #tpu.memory_space<vmem>>, vector<16xf32>,
        %get3A_348 = vector.shape_cast %get3A_347 : vector<16xf32> to vector<16xf32>
        %get3A_349 = arith.index_cast %add3A_342 : i32 to index
        %get3A_350 = tpu.vector_load %arg7[%get3A_349] {strides = array<i32>} : memref<8192xf32, #tpu.memory_space<vmem>>, vector<16xf32>,
        %get3A_351 = vector.shape_cast %get3A_350 : vector<16xf32> to vector<16xf32>
        %get3A_352 = arith.index_cast %add3A_342 : i32 to index
        %get3A_353 = tpu.vector_load %arg11[%get3A_352] {strides = array<i32>} : memref<8192xf32, #tpu.memory_space<vmem>>, vector<16xf32>,
        %get3A_354 = vector.shape_cast %get3A_353 : vector<16xf32> to vector<16xf32>
        %sub3A_355 = arith.subf %get3A_345, %get3A_348 : vector<16xf32>
        %sub3A_356 = arith.subf %get3A_351, %get3A_354 : vector<16xf32>
        %mul3A_357 = arith.mulf %sub3A_355, %sub3A_355 : vector<16xf32>
        %mul3A_358 = arith.mulf %sub3A_356, %sub3A_356 : vector<16xf32>
        %add3A_359 = arith.addf %mul3A_357, %mul3A_358 : vector<16xf32>
        %ne3A_360 = arith.constant 0.000000e+00 : f32
        %ne3A_361 = vector.broadcast %ne3A_360 : f32 to vector<16xf32>
        %ne3A_362 = arith.cmpf one, %get3A_354, %ne3A_361 : vector<16xf32>
        %jit3A_363 = arith.constant 0.000000e+00 : f32
        %broadcast_in_dim3A_364 = vector.broadcast %jit3A_363 : f32 to vector<16xf32>
        %select_n3A_365 = arith.select %ne3A_362, %add3A_359, %broadcast_in_dim3A_364 : vector<16xi1>, vector<16xf32>
        %add3A_366 = arith.addf %add3A_338, %select_n3A_365 : vector<16xf32>
        %add3A_367 = arith.constant 96 : i32
        %add3A_368 = arith.addi %mul3A_203, %add3A_367 : i32
        %add3A_369 = arith.constant 128 : i32
        %add3A_370 = arith.addi %add3A_368, %add3A_369 : i32
        %get3A_371 = arith.index_cast %add3A_368 : i32 to index
        %get3A_372 = tpu.vector_load %arg7[%get3A_371] {strides = array<i32>} : memref<8192xf32, #tpu.memory_space<vmem>>, vector<16xf32>,
        %get3A_373 = vector.shape_cast %get3A_372 : vector<16xf32> to vector<16xf32>
        %get3A_374 = arith.index_cast %add3A_368 : i32 to index
        %get3A_375 = tpu.vector_load %arg11[%get3A_374] {strides = array<i32>} : memref<8192xf32, #tpu.memory_space<vmem>>, vector<16xf32>,
        %get3A_376 = vector.shape_cast %get3A_375 : vector<16xf32> to vector<16xf32>
        %get3A_377 = arith.index_cast %add3A_370 : i32 to index
        %get3A_378 = tpu.vector_load %arg7[%get3A_377] {strides = array<i32>} : memref<8192xf32, #tpu.memory_space<vmem>>, vector<16xf32>,
        %get3A_379 = vector.shape_cast %get3A_378 : vector<16xf32> to vector<16xf32>
        %get3A_380 = arith.index_cast %add3A_370 : i32 to index
        %get3A_381 = tpu.vector_load %arg11[%get3A_380] {strides = array<i32>} : memref<8192xf32, #tpu.memory_space<vmem>>, vector<16xf32>,
        %get3A_382 = vector.shape_cast %get3A_381 : vector<16xf32> to vector<16xf32>
        %sub3A_383 = arith.subf %get3A_373, %get3A_376 : vector<16xf32>
        %sub3A_384 = arith.subf %get3A_379, %get3A_382 : vector<16xf32>
        %mul3A_385 = arith.mulf %sub3A_383, %sub3A_383 : vector<16xf32>
        %mul3A_386 = arith.mulf %sub3A_384, %sub3A_384 : vector<16xf32>
        %add3A_387 = arith.addf %mul3A_385, %mul3A_386 : vector<16xf32>
        %ne3A_388 = arith.constant 0.000000e+00 : f32
        %ne3A_389 = vector.broadcast %ne3A_388 : f32 to vector<16xf32>
        %ne3A_390 = arith.cmpf one, %get3A_382, %ne3A_389 : vector<16xf32>
        %jit3A_391 = arith.constant 0.000000e+00 : f32
        %broadcast_in_dim3A_392 = vector.broadcast %jit3A_391 : f32 to vector<16xf32>
        %select_n3A_393 = arith.select %ne3A_390, %add3A_387, %broadcast_in_dim3A_392 : vector<16xi1>, vector<16xf32>
        %add3A_394 = arith.addf %add3A_366, %select_n3A_393 : vector<16xf32>
        %add3A_395 = arith.constant 112 : i32
        %add3A_396 = arith.addi %mul3A_203, %add3A_395 : i32
        %add3A_397 = arith.constant 128 : i32
        %add3A_398 = arith.addi %add3A_396, %add3A_397 : i32
        %get3A_399 = arith.index_cast %add3A_396 : i32 to index
        %get3A_400 = tpu.vector_load %arg7[%get3A_399] {strides = array<i32>} : memref<8192xf32, #tpu.memory_space<vmem>>, vector<16xf32>,
        %get3A_401 = vector.shape_cast %get3A_400 : vector<16xf32> to vector<16xf32>
        %get3A_402 = arith.index_cast %add3A_396 : i32 to index
        %get3A_403 = tpu.vector_load %arg11[%get3A_402] {strides = array<i32>} : memref<8192xf32, #tpu.memory_space<vmem>>, vector<16xf32>,
        %get3A_404 = vector.shape_cast %get3A_403 : vector<16xf32> to vector<16xf32>
        %get3A_405 = arith.index_cast %add3A_398 : i32 to index
        %get3A_406 = tpu.vector_load %arg7[%get3A_405] {strides = array<i32>} : memref<8192xf32, #tpu.memory_space<vmem>>, vector<16xf32>,
        %get3A_407 = vector.shape_cast %get3A_406 : vector<16xf32> to vector<16xf32>
        %get3A_408 = arith.index_cast %add3A_398 : i32 to index
        %get3A_409 = tpu.vector_load %arg11[%get3A_408] {strides = array<i32>} : memref<8192xf32, #tpu.memory_space<vmem>>, vector<16xf32>,
        %get3A_410 = vector.shape_cast %get3A_409 : vector<16xf32> to vector<16xf32>
        %sub3A_411 = arith.subf %get3A_401, %get3A_404 : vector<16xf32>
        %sub3A_412 = arith.subf %get3A_407, %get3A_410 : vector<16xf32>
        %mul3A_413 = arith.mulf %sub3A_411, %sub3A_411 : vector<16xf32>
        %mul3A_414 = arith.mulf %sub3A_412, %sub3A_412 : vector<16xf32>
        %add3A_415 = arith.addf %mul3A_413, %mul3A_414 : vector<16xf32>
        %ne3A_416 = arith.constant 0.000000e+00 : f32
        %ne3A_417 = vector.broadcast %ne3A_416 : f32 to vector<16xf32>
        %ne3A_418 = arith.cmpf one, %get3A_410, %ne3A_417 : vector<16xf32>
        %jit3A_419 = arith.constant 0.000000e+00 : f32
        %broadcast_in_dim3A_420 = vector.broadcast %jit3A_419 : f32 to vector<16xf32>
        %select_n3A_421 = arith.select %ne3A_418, %add3A_415, %broadcast_in_dim3A_420 : vector<16xi1>, vector<16xf32>
        %add3A_422 = arith.addf %add3A_394, %select_n3A_421 : vector<16xf32>
        scf.yield %add3A_422 : vector<16xf32>
      }
      %scan3A_159 = arith.constant 32 : i32
      %mul3A_160 = arith.constant 4 : i32
      %mul3A_161 = arith.muli %scan3A_90, %mul3A_160 : i32
      %add3A_162 = arith.constant 2 : i32
      %add3A_163 = arith.addi %mul3A_161, %add3A_162 : i32
      %add3A_164 = arith.constant 4 : i32
      %add3A_165 = arith.addi %add3A_163, %add3A_164 : i32
      %mul3A_166 = arith.constant 8192 : i32
      %mul3A_167 = arith.muli %add3A_165, %mul3A_166 : i32
      %add3A_168 = arith.addi %mul3A_2, %mul3A_167 : i32
      %dma_start3A_169 = tpu.memref_slice %arg2[%add3A_168] : memref<8388608xf32, #tpu.memory_space<hbm>> -> memref<8192xf32, #tpu.memory_space<hbm>>
      %dma_start3A_170 = tpu.memref_slice %arg2[%add3A_168] : memref<8388608xf32, #tpu.memory_space<hbm>> -> memref<8192xf32, #tpu.memory_space<hbm>>
      tpu.enqueue_dma source(%dma_start3A_170 : memref<8192xf32, #tpu.memory_space<hbm>>) target(%arg7 : memref<8192xf32, #tpu.memory_space<vmem>>) target_semaphore(%arg16 : memref<!tpu.dma_semaphore, #tpu.memory_space<semaphore_mem>>)
      %dma_start3A_171 = tpu.memref_slice %arg3[%add3A_168] : memref<8388608xf32, #tpu.memory_space<hbm>> -> memref<8192xf32, #tpu.memory_space<hbm>>
      %dma_start3A_172 = tpu.memref_slice %arg3[%add3A_168] : memref<8388608xf32, #tpu.memory_space<hbm>> -> memref<8192xf32, #tpu.memory_space<hbm>>
      tpu.enqueue_dma source(%dma_start3A_172 : memref<8192xf32, #tpu.memory_space<hbm>>) target(%arg11 : memref<8192xf32, #tpu.memory_space<vmem>>) target_semaphore(%arg20 : memref<!tpu.dma_semaphore, #tpu.memory_space<semaphore_mem>>)
      %dma_wait3A_173 = arith.constant 0 : i32
      %dma_wait3A_174 = tpu.memref_slice %arg2[%dma_wait3A_173] : memref<8388608xf32, #tpu.memory_space<hbm>> -> memref<8192xf32, #tpu.memory_space<hbm>>
      %dma_wait3A_175 = arith.constant 0 : i32
      %dma_wait3A_176 = tpu.memref_slice %arg2[%dma_wait3A_175] : memref<8388608xf32, #tpu.memory_space<hbm>> -> memref<8192xf32, #tpu.memory_space<hbm>>
      tpu.wait_dma2 semaphore(%arg17 : memref<!tpu.dma_semaphore, #tpu.memory_space<semaphore_mem>>) src(%dma_wait3A_176 : memref<8192xf32, #tpu.memory_space<hbm>>) dst(%arg8 : memref<8192xf32, #tpu.memory_space<vmem>>)
      %dma_wait3A_177 = arith.constant 0 : i32
      %dma_wait3A_178 = tpu.memref_slice %arg3[%dma_wait3A_177] : memref<8388608xf32, #tpu.memory_space<hbm>> -> memref<8192xf32, #tpu.memory_space<hbm>>
      %dma_wait3A_179 = arith.constant 0 : i32
      %dma_wait3A_180 = tpu.memref_slice %arg3[%dma_wait3A_179] : memref<8388608xf32, #tpu.memory_space<hbm>> -> memref<8192xf32, #tpu.memory_space<hbm>>
      tpu.wait_dma2 semaphore(%arg21 : memref<!tpu.dma_semaphore, #tpu.memory_space<semaphore_mem>>) src(%dma_wait3A_180 : memref<8192xf32, #tpu.memory_space<hbm>>) dst(%arg12 : memref<8192xf32, #tpu.memory_space<vmem>>)
      %scan3A_181 = arith.constant 0 : i32
      %scan3A_182 = arith.constant 32 : i32
      %scan3A_183 = arith.addi %scan3A_181, %scan3A_182 : i32
      %scan3A_184 = arith.constant 1 : i32
      %scan3A_185 = scf.for %scan3A_200 = %scan3A_181 to %scan3A_183 step %scan3A_184 iter_args(%scan3A_201 = %scan3A_158) -> (vector<16xf32>)  : i32 {
        %mul3A_202 = arith.constant 256 : i32
        %mul3A_203 = arith.muli %scan3A_200, %mul3A_202 : i32
        %add3A_204 = arith.constant 0 : i32
        %add3A_205 = arith.addi %mul3A_203, %add3A_204 : i32
        %add3A_206 = arith.constant 128 : i32
        %add3A_207 = arith.addi %add3A_205, %add3A_206 : i32
        %get3A = arith.index_cast %add3A_205 : i32 to index
        %get3A_208 = tpu.vector_load %arg8[%get3A] {strides = array<i32>} : memref<8192xf32, #tpu.memory_space<vmem>>, vector<16xf32>,
        %get3A_209 = vector.shape_cast %get3A_208 : vector<16xf32> to vector<16xf32>
        %get3A_210 = arith.index_cast %add3A_205 : i32 to index
        %get3A_211 = tpu.vector_load %arg12[%get3A_210] {strides = array<i32>} : memref<8192xf32, #tpu.memory_space<vmem>>, vector<16xf32>,
        %get3A_212 = vector.shape_cast %get3A_211 : vector<16xf32> to vector<16xf32>
        %get3A_213 = arith.index_cast %add3A_207 : i32 to index
        %get3A_214 = tpu.vector_load %arg8[%get3A_213] {strides = array<i32>} : memref<8192xf32, #tpu.memory_space<vmem>>, vector<16xf32>,
        %get3A_215 = vector.shape_cast %get3A_214 : vector<16xf32> to vector<16xf32>
        %get3A_216 = arith.index_cast %add3A_207 : i32 to index
        %get3A_217 = tpu.vector_load %arg12[%get3A_216] {strides = array<i32>} : memref<8192xf32, #tpu.memory_space<vmem>>, vector<16xf32>,
        %get3A_218 = vector.shape_cast %get3A_217 : vector<16xf32> to vector<16xf32>
        %sub3A = arith.subf %get3A_209, %get3A_212 : vector<16xf32>
        %sub3A_219 = arith.subf %get3A_215, %get3A_218 : vector<16xf32>
        %mul3A_220 = arith.mulf %sub3A, %sub3A : vector<16xf32>
        %mul3A_221 = arith.mulf %sub3A_219, %sub3A_219 : vector<16xf32>
        %add3A_222 = arith.addf %mul3A_220, %mul3A_221 : vector<16xf32>
        %ne3A = arith.constant 0.000000e+00 : f32
        %ne3A_223 = vector.broadcast %ne3A : f32 to vector<16xf32>
        %ne3A_224 = arith.cmpf one, %get3A_218, %ne3A_223 : vector<16xf32>
        %jit3A = arith.constant 0.000000e+00 : f32
        %broadcast_in_dim3A_225 = vector.broadcast %jit3A : f32 to vector<16xf32>
        %select_n3A = arith.select %ne3A_224, %add3A_222, %broadcast_in_dim3A_225 : vector<16xi1>, vector<16xf32>
        %add3A_226 = arith.addf %scan3A_201, %select_n3A : vector<16xf32>
        %add3A_227 = arith.constant 16 : i32
        %add3A_228 = arith.addi %mul3A_203, %add3A_227 : i32
        %add3A_229 = arith.constant 128 : i32
        %add3A_230 = arith.addi %add3A_228, %add3A_229 : i32
        %get3A_231 = arith.index_cast %add3A_228 : i32 to index
        %get3A_232 = tpu.vector_load %arg8[%get3A_231] {strides = array<i32>} : memref<8192xf32, #tpu.memory_space<vmem>>, vector<16xf32>,
        %get3A_233 = vector.shape_cast %get3A_232 : vector<16xf32> to vector<16xf32>
        %get3A_234 = arith.index_cast %add3A_228 : i32 to index
        %get3A_235 = tpu.vector_load %arg12[%get3A_234] {strides = array<i32>} : memref<8192xf32, #tpu.memory_space<vmem>>, vector<16xf32>,
        %get3A_236 = vector.shape_cast %get3A_235 : vector<16xf32> to vector<16xf32>
        %get3A_237 = arith.index_cast %add3A_230 : i32 to index
        %get3A_238 = tpu.vector_load %arg8[%get3A_237] {strides = array<i32>} : memref<8192xf32, #tpu.memory_space<vmem>>, vector<16xf32>,
        %get3A_239 = vector.shape_cast %get3A_238 : vector<16xf32> to vector<16xf32>
        %get3A_240 = arith.index_cast %add3A_230 : i32 to index
        %get3A_241 = tpu.vector_load %arg12[%get3A_240] {strides = array<i32>} : memref<8192xf32, #tpu.memory_space<vmem>>, vector<16xf32>,
        %get3A_242 = vector.shape_cast %get3A_241 : vector<16xf32> to vector<16xf32>
        %sub3A_243 = arith.subf %get3A_233, %get3A_236 : vector<16xf32>
        %sub3A_244 = arith.subf %get3A_239, %get3A_242 : vector<16xf32>
        %mul3A_245 = arith.mulf %sub3A_243, %sub3A_243 : vector<16xf32>
        %mul3A_246 = arith.mulf %sub3A_244, %sub3A_244 : vector<16xf32>
        %add3A_247 = arith.addf %mul3A_245, %mul3A_246 : vector<16xf32>
        %ne3A_248 = arith.constant 0.000000e+00 : f32
        %ne3A_249 = vector.broadcast %ne3A_248 : f32 to vector<16xf32>
        %ne3A_250 = arith.cmpf one, %get3A_242, %ne3A_249 : vector<16xf32>
        %jit3A_251 = arith.constant 0.000000e+00 : f32
        %broadcast_in_dim3A_252 = vector.broadcast %jit3A_251 : f32 to vector<16xf32>
        %select_n3A_253 = arith.select %ne3A_250, %add3A_247, %broadcast_in_dim3A_252 : vector<16xi1>, vector<16xf32>
        %add3A_254 = arith.addf %add3A_226, %select_n3A_253 : vector<16xf32>
        %add3A_255 = arith.constant 32 : i32
        %add3A_256 = arith.addi %mul3A_203, %add3A_255 : i32
        %add3A_257 = arith.constant 128 : i32
        %add3A_258 = arith.addi %add3A_256, %add3A_257 : i32
        %get3A_259 = arith.index_cast %add3A_256 : i32 to index
        %get3A_260 = tpu.vector_load %arg8[%get3A_259] {strides = array<i32>} : memref<8192xf32, #tpu.memory_space<vmem>>, vector<16xf32>,
        %get3A_261 = vector.shape_cast %get3A_260 : vector<16xf32> to vector<16xf32>
        %get3A_262 = arith.index_cast %add3A_256 : i32 to index
        %get3A_263 = tpu.vector_load %arg12[%get3A_262] {strides = array<i32>} : memref<8192xf32, #tpu.memory_space<vmem>>, vector<16xf32>,
        %get3A_264 = vector.shape_cast %get3A_263 : vector<16xf32> to vector<16xf32>
        %get3A_265 = arith.index_cast %add3A_258 : i32 to index
        %get3A_266 = tpu.vector_load %arg8[%get3A_265] {strides = array<i32>} : memref<8192xf32, #tpu.memory_space<vmem>>, vector<16xf32>,
        %get3A_267 = vector.shape_cast %get3A_266 : vector<16xf32> to vector<16xf32>
        %get3A_268 = arith.index_cast %add3A_258 : i32 to index
        %get3A_269 = tpu.vector_load %arg12[%get3A_268] {strides = array<i32>} : memref<8192xf32, #tpu.memory_space<vmem>>, vector<16xf32>,
        %get3A_270 = vector.shape_cast %get3A_269 : vector<16xf32> to vector<16xf32>
        %sub3A_271 = arith.subf %get3A_261, %get3A_264 : vector<16xf32>
        %sub3A_272 = arith.subf %get3A_267, %get3A_270 : vector<16xf32>
        %mul3A_273 = arith.mulf %sub3A_271, %sub3A_271 : vector<16xf32>
        %mul3A_274 = arith.mulf %sub3A_272, %sub3A_272 : vector<16xf32>
        %add3A_275 = arith.addf %mul3A_273, %mul3A_274 : vector<16xf32>
        %ne3A_276 = arith.constant 0.000000e+00 : f32
        %ne3A_277 = vector.broadcast %ne3A_276 : f32 to vector<16xf32>
        %ne3A_278 = arith.cmpf one, %get3A_270, %ne3A_277 : vector<16xf32>
        %jit3A_279 = arith.constant 0.000000e+00 : f32
        %broadcast_in_dim3A_280 = vector.broadcast %jit3A_279 : f32 to vector<16xf32>
        %select_n3A_281 = arith.select %ne3A_278, %add3A_275, %broadcast_in_dim3A_280 : vector<16xi1>, vector<16xf32>
        %add3A_282 = arith.addf %add3A_254, %select_n3A_281 : vector<16xf32>
        %add3A_283 = arith.constant 48 : i32
        %add3A_284 = arith.addi %mul3A_203, %add3A_283 : i32
        %add3A_285 = arith.constant 128 : i32
        %add3A_286 = arith.addi %add3A_284, %add3A_285 : i32
        %get3A_287 = arith.index_cast %add3A_284 : i32 to index
        %get3A_288 = tpu.vector_load %arg8[%get3A_287] {strides = array<i32>} : memref<8192xf32, #tpu.memory_space<vmem>>, vector<16xf32>,
        %get3A_289 = vector.shape_cast %get3A_288 : vector<16xf32> to vector<16xf32>
        %get3A_290 = arith.index_cast %add3A_284 : i32 to index
        %get3A_291 = tpu.vector_load %arg12[%get3A_290] {strides = array<i32>} : memref<8192xf32, #tpu.memory_space<vmem>>, vector<16xf32>,
        %get3A_292 = vector.shape_cast %get3A_291 : vector<16xf32> to vector<16xf32>
        %get3A_293 = arith.index_cast %add3A_286 : i32 to index
        %get3A_294 = tpu.vector_load %arg8[%get3A_293] {strides = array<i32>} : memref<8192xf32, #tpu.memory_space<vmem>>, vector<16xf32>,
        %get3A_295 = vector.shape_cast %get3A_294 : vector<16xf32> to vector<16xf32>
        %get3A_296 = arith.index_cast %add3A_286 : i32 to index
        %get3A_297 = tpu.vector_load %arg12[%get3A_296] {strides = array<i32>} : memref<8192xf32, #tpu.memory_space<vmem>>, vector<16xf32>,
        %get3A_298 = vector.shape_cast %get3A_297 : vector<16xf32> to vector<16xf32>
        %sub3A_299 = arith.subf %get3A_289, %get3A_292 : vector<16xf32>
        %sub3A_300 = arith.subf %get3A_295, %get3A_298 : vector<16xf32>
        %mul3A_301 = arith.mulf %sub3A_299, %sub3A_299 : vector<16xf32>
        %mul3A_302 = arith.mulf %sub3A_300, %sub3A_300 : vector<16xf32>
        %add3A_303 = arith.addf %mul3A_301, %mul3A_302 : vector<16xf32>
        %ne3A_304 = arith.constant 0.000000e+00 : f32
        %ne3A_305 = vector.broadcast %ne3A_304 : f32 to vector<16xf32>
        %ne3A_306 = arith.cmpf one, %get3A_298, %ne3A_305 : vector<16xf32>
        %jit3A_307 = arith.constant 0.000000e+00 : f32
        %broadcast_in_dim3A_308 = vector.broadcast %jit3A_307 : f32 to vector<16xf32>
        %select_n3A_309 = arith.select %ne3A_306, %add3A_303, %broadcast_in_dim3A_308 : vector<16xi1>, vector<16xf32>
        %add3A_310 = arith.addf %add3A_282, %select_n3A_309 : vector<16xf32>
        %add3A_311 = arith.constant 64 : i32
        %add3A_312 = arith.addi %mul3A_203, %add3A_311 : i32
        %add3A_313 = arith.constant 128 : i32
        %add3A_314 = arith.addi %add3A_312, %add3A_313 : i32
        %get3A_315 = arith.index_cast %add3A_312 : i32 to index
        %get3A_316 = tpu.vector_load %arg8[%get3A_315] {strides = array<i32>} : memref<8192xf32, #tpu.memory_space<vmem>>, vector<16xf32>,
        %get3A_317 = vector.shape_cast %get3A_316 : vector<16xf32> to vector<16xf32>
        %get3A_318 = arith.index_cast %add3A_312 : i32 to index
        %get3A_319 = tpu.vector_load %arg12[%get3A_318] {strides = array<i32>} : memref<8192xf32, #tpu.memory_space<vmem>>, vector<16xf32>,
        %get3A_320 = vector.shape_cast %get3A_319 : vector<16xf32> to vector<16xf32>
        %get3A_321 = arith.index_cast %add3A_314 : i32 to index
        %get3A_322 = tpu.vector_load %arg8[%get3A_321] {strides = array<i32>} : memref<8192xf32, #tpu.memory_space<vmem>>, vector<16xf32>,
        %get3A_323 = vector.shape_cast %get3A_322 : vector<16xf32> to vector<16xf32>
        %get3A_324 = arith.index_cast %add3A_314 : i32 to index
        %get3A_325 = tpu.vector_load %arg12[%get3A_324] {strides = array<i32>} : memref<8192xf32, #tpu.memory_space<vmem>>, vector<16xf32>,
        %get3A_326 = vector.shape_cast %get3A_325 : vector<16xf32> to vector<16xf32>
        %sub3A_327 = arith.subf %get3A_317, %get3A_320 : vector<16xf32>
        %sub3A_328 = arith.subf %get3A_323, %get3A_326 : vector<16xf32>
        %mul3A_329 = arith.mulf %sub3A_327, %sub3A_327 : vector<16xf32>
        %mul3A_330 = arith.mulf %sub3A_328, %sub3A_328 : vector<16xf32>
        %add3A_331 = arith.addf %mul3A_329, %mul3A_330 : vector<16xf32>
        %ne3A_332 = arith.constant 0.000000e+00 : f32
        %ne3A_333 = vector.broadcast %ne3A_332 : f32 to vector<16xf32>
        %ne3A_334 = arith.cmpf one, %get3A_326, %ne3A_333 : vector<16xf32>
        %jit3A_335 = arith.constant 0.000000e+00 : f32
        %broadcast_in_dim3A_336 = vector.broadcast %jit3A_335 : f32 to vector<16xf32>
        %select_n3A_337 = arith.select %ne3A_334, %add3A_331, %broadcast_in_dim3A_336 : vector<16xi1>, vector<16xf32>
        %add3A_338 = arith.addf %add3A_310, %select_n3A_337 : vector<16xf32>
        %add3A_339 = arith.constant 80 : i32
        %add3A_340 = arith.addi %mul3A_203, %add3A_339 : i32
        %add3A_341 = arith.constant 128 : i32
        %add3A_342 = arith.addi %add3A_340, %add3A_341 : i32
        %get3A_343 = arith.index_cast %add3A_340 : i32 to index
        %get3A_344 = tpu.vector_load %arg8[%get3A_343] {strides = array<i32>} : memref<8192xf32, #tpu.memory_space<vmem>>, vector<16xf32>,
        %get3A_345 = vector.shape_cast %get3A_344 : vector<16xf32> to vector<16xf32>
        %get3A_346 = arith.index_cast %add3A_340 : i32 to index
        %get3A_347 = tpu.vector_load %arg12[%get3A_346] {strides = array<i32>} : memref<8192xf32, #tpu.memory_space<vmem>>, vector<16xf32>,
        %get3A_348 = vector.shape_cast %get3A_347 : vector<16xf32> to vector<16xf32>
        %get3A_349 = arith.index_cast %add3A_342 : i32 to index
        %get3A_350 = tpu.vector_load %arg8[%get3A_349] {strides = array<i32>} : memref<8192xf32, #tpu.memory_space<vmem>>, vector<16xf32>,
        %get3A_351 = vector.shape_cast %get3A_350 : vector<16xf32> to vector<16xf32>
        %get3A_352 = arith.index_cast %add3A_342 : i32 to index
        %get3A_353 = tpu.vector_load %arg12[%get3A_352] {strides = array<i32>} : memref<8192xf32, #tpu.memory_space<vmem>>, vector<16xf32>,
        %get3A_354 = vector.shape_cast %get3A_353 : vector<16xf32> to vector<16xf32>
        %sub3A_355 = arith.subf %get3A_345, %get3A_348 : vector<16xf32>
        %sub3A_356 = arith.subf %get3A_351, %get3A_354 : vector<16xf32>
        %mul3A_357 = arith.mulf %sub3A_355, %sub3A_355 : vector<16xf32>
        %mul3A_358 = arith.mulf %sub3A_356, %sub3A_356 : vector<16xf32>
        %add3A_359 = arith.addf %mul3A_357, %mul3A_358 : vector<16xf32>
        %ne3A_360 = arith.constant 0.000000e+00 : f32
        %ne3A_361 = vector.broadcast %ne3A_360 : f32 to vector<16xf32>
        %ne3A_362 = arith.cmpf one, %get3A_354, %ne3A_361 : vector<16xf32>
        %jit3A_363 = arith.constant 0.000000e+00 : f32
        %broadcast_in_dim3A_364 = vector.broadcast %jit3A_363 : f32 to vector<16xf32>
        %select_n3A_365 = arith.select %ne3A_362, %add3A_359, %broadcast_in_dim3A_364 : vector<16xi1>, vector<16xf32>
        %add3A_366 = arith.addf %add3A_338, %select_n3A_365 : vector<16xf32>
        %add3A_367 = arith.constant 96 : i32
        %add3A_368 = arith.addi %mul3A_203, %add3A_367 : i32
        %add3A_369 = arith.constant 128 : i32
        %add3A_370 = arith.addi %add3A_368, %add3A_369 : i32
        %get3A_371 = arith.index_cast %add3A_368 : i32 to index
        %get3A_372 = tpu.vector_load %arg8[%get3A_371] {strides = array<i32>} : memref<8192xf32, #tpu.memory_space<vmem>>, vector<16xf32>,
        %get3A_373 = vector.shape_cast %get3A_372 : vector<16xf32> to vector<16xf32>
        %get3A_374 = arith.index_cast %add3A_368 : i32 to index
        %get3A_375 = tpu.vector_load %arg12[%get3A_374] {strides = array<i32>} : memref<8192xf32, #tpu.memory_space<vmem>>, vector<16xf32>,
        %get3A_376 = vector.shape_cast %get3A_375 : vector<16xf32> to vector<16xf32>
        %get3A_377 = arith.index_cast %add3A_370 : i32 to index
        %get3A_378 = tpu.vector_load %arg8[%get3A_377] {strides = array<i32>} : memref<8192xf32, #tpu.memory_space<vmem>>, vector<16xf32>,
        %get3A_379 = vector.shape_cast %get3A_378 : vector<16xf32> to vector<16xf32>
        %get3A_380 = arith.index_cast %add3A_370 : i32 to index
        %get3A_381 = tpu.vector_load %arg12[%get3A_380] {strides = array<i32>} : memref<8192xf32, #tpu.memory_space<vmem>>, vector<16xf32>,
        %get3A_382 = vector.shape_cast %get3A_381 : vector<16xf32> to vector<16xf32>
        %sub3A_383 = arith.subf %get3A_373, %get3A_376 : vector<16xf32>
        %sub3A_384 = arith.subf %get3A_379, %get3A_382 : vector<16xf32>
        %mul3A_385 = arith.mulf %sub3A_383, %sub3A_383 : vector<16xf32>
        %mul3A_386 = arith.mulf %sub3A_384, %sub3A_384 : vector<16xf32>
        %add3A_387 = arith.addf %mul3A_385, %mul3A_386 : vector<16xf32>
        %ne3A_388 = arith.constant 0.000000e+00 : f32
        %ne3A_389 = vector.broadcast %ne3A_388 : f32 to vector<16xf32>
        %ne3A_390 = arith.cmpf one, %get3A_382, %ne3A_389 : vector<16xf32>
        %jit3A_391 = arith.constant 0.000000e+00 : f32
        %broadcast_in_dim3A_392 = vector.broadcast %jit3A_391 : f32 to vector<16xf32>
        %select_n3A_393 = arith.select %ne3A_390, %add3A_387, %broadcast_in_dim3A_392 : vector<16xi1>, vector<16xf32>
        %add3A_394 = arith.addf %add3A_366, %select_n3A_393 : vector<16xf32>
        %add3A_395 = arith.constant 112 : i32
        %add3A_396 = arith.addi %mul3A_203, %add3A_395 : i32
        %add3A_397 = arith.constant 128 : i32
        %add3A_398 = arith.addi %add3A_396, %add3A_397 : i32
        %get3A_399 = arith.index_cast %add3A_396 : i32 to index
        %get3A_400 = tpu.vector_load %arg8[%get3A_399] {strides = array<i32>} : memref<8192xf32, #tpu.memory_space<vmem>>, vector<16xf32>,
        %get3A_401 = vector.shape_cast %get3A_400 : vector<16xf32> to vector<16xf32>
        %get3A_402 = arith.index_cast %add3A_396 : i32 to index
        %get3A_403 = tpu.vector_load %arg12[%get3A_402] {strides = array<i32>} : memref<8192xf32, #tpu.memory_space<vmem>>, vector<16xf32>,
        %get3A_404 = vector.shape_cast %get3A_403 : vector<16xf32> to vector<16xf32>
        %get3A_405 = arith.index_cast %add3A_398 : i32 to index
        %get3A_406 = tpu.vector_load %arg8[%get3A_405] {strides = array<i32>} : memref<8192xf32, #tpu.memory_space<vmem>>, vector<16xf32>,
        %get3A_407 = vector.shape_cast %get3A_406 : vector<16xf32> to vector<16xf32>
        %get3A_408 = arith.index_cast %add3A_398 : i32 to index
        %get3A_409 = tpu.vector_load %arg12[%get3A_408] {strides = array<i32>} : memref<8192xf32, #tpu.memory_space<vmem>>, vector<16xf32>,
        %get3A_410 = vector.shape_cast %get3A_409 : vector<16xf32> to vector<16xf32>
        %sub3A_411 = arith.subf %get3A_401, %get3A_404 : vector<16xf32>
        %sub3A_412 = arith.subf %get3A_407, %get3A_410 : vector<16xf32>
        %mul3A_413 = arith.mulf %sub3A_411, %sub3A_411 : vector<16xf32>
        %mul3A_414 = arith.mulf %sub3A_412, %sub3A_412 : vector<16xf32>
        %add3A_415 = arith.addf %mul3A_413, %mul3A_414 : vector<16xf32>
        %ne3A_416 = arith.constant 0.000000e+00 : f32
        %ne3A_417 = vector.broadcast %ne3A_416 : f32 to vector<16xf32>
        %ne3A_418 = arith.cmpf one, %get3A_410, %ne3A_417 : vector<16xf32>
        %jit3A_419 = arith.constant 0.000000e+00 : f32
        %broadcast_in_dim3A_420 = vector.broadcast %jit3A_419 : f32 to vector<16xf32>
        %select_n3A_421 = arith.select %ne3A_418, %add3A_415, %broadcast_in_dim3A_420 : vector<16xi1>, vector<16xf32>
        %add3A_422 = arith.addf %add3A_394, %select_n3A_421 : vector<16xf32>
        scf.yield %add3A_422 : vector<16xf32>
      }
      %scan3A_186 = arith.constant 32 : i32
      %mul3A_187 = arith.constant 4 : i32
      %mul3A_188 = arith.muli %scan3A_90, %mul3A_187 : i32
      %add3A_189 = arith.constant 3 : i32
      %add3A_190 = arith.addi %mul3A_188, %add3A_189 : i32
      %add3A_191 = arith.constant 4 : i32
      %add3A_192 = arith.addi %add3A_190, %add3A_191 : i32
      %mul3A_193 = arith.constant 8192 : i32
      %mul3A_194 = arith.muli %add3A_192, %mul3A_193 : i32
      %add3A_195 = arith.addi %mul3A_2, %mul3A_194 : i32
      %dma_start3A_196 = tpu.memref_slice %arg2[%add3A_195] : memref<8388608xf32, #tpu.memory_space<hbm>> -> memref<8192xf32, #tpu.memory_space<hbm>>
      %dma_start3A_197 = tpu.memref_slice %arg2[%add3A_195] : memref<8388608xf32, #tpu.memory_space<hbm>> -> memref<8192xf32, #tpu.memory_space<hbm>>
      tpu.enqueue_dma source(%dma_start3A_197 : memref<8192xf32, #tpu.memory_space<hbm>>) target(%arg8 : memref<8192xf32, #tpu.memory_space<vmem>>) target_semaphore(%arg17 : memref<!tpu.dma_semaphore, #tpu.memory_space<semaphore_mem>>)
      %dma_start3A_198 = tpu.memref_slice %arg3[%add3A_195] : memref<8388608xf32, #tpu.memory_space<hbm>> -> memref<8192xf32, #tpu.memory_space<hbm>>
      %dma_start3A_199 = tpu.memref_slice %arg3[%add3A_195] : memref<8388608xf32, #tpu.memory_space<hbm>> -> memref<8192xf32, #tpu.memory_space<hbm>>
      tpu.enqueue_dma source(%dma_start3A_199 : memref<8192xf32, #tpu.memory_space<hbm>>) target(%arg12 : memref<8192xf32, #tpu.memory_space<vmem>>) target_semaphore(%arg21 : memref<!tpu.dma_semaphore, #tpu.memory_space<semaphore_mem>>)
      scf.yield %scan3A_185 : vector<16xf32>
    }
    %scan3A_31 = arith.constant 4 : i32
    %dma_wait3A = arith.constant 0 : i32
    %dma_wait3A_32 = tpu.memref_slice %arg2[%dma_wait3A] : memref<8388608xf32, #tpu.memory_space<hbm>> -> memref<8192xf32, #tpu.memory_space<hbm>>
    %dma_wait3A_33 = arith.constant 0 : i32
    %dma_wait3A_34 = tpu.memref_slice %arg2[%dma_wait3A_33] : memref<8388608xf32, #tpu.memory_space<hbm>> -> memref<8192xf32, #tpu.memory_space<hbm>>
    tpu.wait_dma2 semaphore(%arg14 : memref<!tpu.dma_semaphore, #tpu.memory_space<semaphore_mem>>) src(%dma_wait3A_34 : memref<8192xf32, #tpu.memory_space<hbm>>) dst(%arg5 : memref<8192xf32, #tpu.memory_space<vmem>>)
    %dma_wait3A_35 = arith.constant 0 : i32
    %dma_wait3A_36 = tpu.memref_slice %arg3[%dma_wait3A_35] : memref<8388608xf32, #tpu.memory_space<hbm>> -> memref<8192xf32, #tpu.memory_space<hbm>>
    %dma_wait3A_37 = arith.constant 0 : i32
    %dma_wait3A_38 = tpu.memref_slice %arg3[%dma_wait3A_37] : memref<8388608xf32, #tpu.memory_space<hbm>> -> memref<8192xf32, #tpu.memory_space<hbm>>
    tpu.wait_dma2 semaphore(%arg18 : memref<!tpu.dma_semaphore, #tpu.memory_space<semaphore_mem>>) src(%dma_wait3A_38 : memref<8192xf32, #tpu.memory_space<hbm>>) dst(%arg9 : memref<8192xf32, #tpu.memory_space<vmem>>)
    %scan3A_39 = arith.constant 0 : i32
    %scan3A_40 = arith.constant 32 : i32
    %scan3A_41 = arith.addi %scan3A_39, %scan3A_40 : i32
    %scan3A_42 = arith.constant 1 : i32
    %scan3A_43 = scf.for %scan3A_90 = %scan3A_39 to %scan3A_41 step %scan3A_42 iter_args(%scan3A_91 = %scan3A_30) -> (vector<16xf32>)  : i32 {
      %mul3A_92 = arith.constant 256 : i32
      %mul3A_93 = arith.muli %scan3A_90, %mul3A_92 : i32
      %add3A_94 = arith.constant 0 : i32
      %add3A_95 = arith.addi %mul3A_93, %add3A_94 : i32
      %add3A_96 = arith.constant 128 : i32
      %add3A_97 = arith.addi %add3A_95, %add3A_96 : i32
      %get3A = arith.index_cast %add3A_95 : i32 to index
      %get3A_98 = tpu.vector_load %arg5[%get3A] {strides = array<i32>} : memref<8192xf32, #tpu.memory_space<vmem>>, vector<16xf32>,
      %get3A_99 = vector.shape_cast %get3A_98 : vector<16xf32> to vector<16xf32>
      %get3A_100 = arith.index_cast %add3A_95 : i32 to index
      %get3A_101 = tpu.vector_load %arg9[%get3A_100] {strides = array<i32>} : memref<8192xf32, #tpu.memory_space<vmem>>, vector<16xf32>,
      %get3A_102 = vector.shape_cast %get3A_101 : vector<16xf32> to vector<16xf32>
      %get3A_103 = arith.index_cast %add3A_97 : i32 to index
      %get3A_104 = tpu.vector_load %arg5[%get3A_103] {strides = array<i32>} : memref<8192xf32, #tpu.memory_space<vmem>>, vector<16xf32>,
      %get3A_105 = vector.shape_cast %get3A_104 : vector<16xf32> to vector<16xf32>
      %get3A_106 = arith.index_cast %add3A_97 : i32 to index
      %get3A_107 = tpu.vector_load %arg9[%get3A_106] {strides = array<i32>} : memref<8192xf32, #tpu.memory_space<vmem>>, vector<16xf32>,
      %get3A_108 = vector.shape_cast %get3A_107 : vector<16xf32> to vector<16xf32>
      %sub3A = arith.subf %get3A_99, %get3A_102 : vector<16xf32>
      %sub3A_109 = arith.subf %get3A_105, %get3A_108 : vector<16xf32>
      %mul3A_110 = arith.mulf %sub3A, %sub3A : vector<16xf32>
      %mul3A_111 = arith.mulf %sub3A_109, %sub3A_109 : vector<16xf32>
      %add3A_112 = arith.addf %mul3A_110, %mul3A_111 : vector<16xf32>
      %ne3A = arith.constant 0.000000e+00 : f32
      %ne3A_113 = vector.broadcast %ne3A : f32 to vector<16xf32>
      %ne3A_114 = arith.cmpf one, %get3A_108, %ne3A_113 : vector<16xf32>
      %jit3A = arith.constant 0.000000e+00 : f32
      %broadcast_in_dim3A_115 = vector.broadcast %jit3A : f32 to vector<16xf32>
      %select_n3A = arith.select %ne3A_114, %add3A_112, %broadcast_in_dim3A_115 : vector<16xi1>, vector<16xf32>
      %add3A_116 = arith.addf %scan3A_91, %select_n3A : vector<16xf32>
      %add3A_117 = arith.constant 16 : i32
      %add3A_118 = arith.addi %mul3A_93, %add3A_117 : i32
      %add3A_119 = arith.constant 128 : i32
      %add3A_120 = arith.addi %add3A_118, %add3A_119 : i32
      %get3A_121 = arith.index_cast %add3A_118 : i32 to index
      %get3A_122 = tpu.vector_load %arg5[%get3A_121] {strides = array<i32>} : memref<8192xf32, #tpu.memory_space<vmem>>, vector<16xf32>,
      %get3A_123 = vector.shape_cast %get3A_122 : vector<16xf32> to vector<16xf32>
      %get3A_124 = arith.index_cast %add3A_118 : i32 to index
      %get3A_125 = tpu.vector_load %arg9[%get3A_124] {strides = array<i32>} : memref<8192xf32, #tpu.memory_space<vmem>>, vector<16xf32>,
      %get3A_126 = vector.shape_cast %get3A_125 : vector<16xf32> to vector<16xf32>
      %get3A_127 = arith.index_cast %add3A_120 : i32 to index
      %get3A_128 = tpu.vector_load %arg5[%get3A_127] {strides = array<i32>} : memref<8192xf32, #tpu.memory_space<vmem>>, vector<16xf32>,
      %get3A_129 = vector.shape_cast %get3A_128 : vector<16xf32> to vector<16xf32>
      %get3A_130 = arith.index_cast %add3A_120 : i32 to index
      %get3A_131 = tpu.vector_load %arg9[%get3A_130] {strides = array<i32>} : memref<8192xf32, #tpu.memory_space<vmem>>, vector<16xf32>,
      %get3A_132 = vector.shape_cast %get3A_131 : vector<16xf32> to vector<16xf32>
      %sub3A_133 = arith.subf %get3A_123, %get3A_126 : vector<16xf32>
      %sub3A_134 = arith.subf %get3A_129, %get3A_132 : vector<16xf32>
      %mul3A_135 = arith.mulf %sub3A_133, %sub3A_133 : vector<16xf32>
      %mul3A_136 = arith.mulf %sub3A_134, %sub3A_134 : vector<16xf32>
      %add3A_137 = arith.addf %mul3A_135, %mul3A_136 : vector<16xf32>
      %ne3A_138 = arith.constant 0.000000e+00 : f32
      %ne3A_139 = vector.broadcast %ne3A_138 : f32 to vector<16xf32>
      %ne3A_140 = arith.cmpf one, %get3A_132, %ne3A_139 : vector<16xf32>
      %jit3A_141 = arith.constant 0.000000e+00 : f32
      %broadcast_in_dim3A_142 = vector.broadcast %jit3A_141 : f32 to vector<16xf32>
      %select_n3A_143 = arith.select %ne3A_140, %add3A_137, %broadcast_in_dim3A_142 : vector<16xi1>, vector<16xf32>
      %add3A_144 = arith.addf %add3A_116, %select_n3A_143 : vector<16xf32>
      %add3A_145 = arith.constant 32 : i32
      %add3A_146 = arith.addi %mul3A_93, %add3A_145 : i32
      %add3A_147 = arith.constant 128 : i32
      %add3A_148 = arith.addi %add3A_146, %add3A_147 : i32
      %get3A_149 = arith.index_cast %add3A_146 : i32 to index
      %get3A_150 = tpu.vector_load %arg5[%get3A_149] {strides = array<i32>} : memref<8192xf32, #tpu.memory_space<vmem>>, vector<16xf32>,
      %get3A_151 = vector.shape_cast %get3A_150 : vector<16xf32> to vector<16xf32>
      %get3A_152 = arith.index_cast %add3A_146 : i32 to index
      %get3A_153 = tpu.vector_load %arg9[%get3A_152] {strides = array<i32>} : memref<8192xf32, #tpu.memory_space<vmem>>, vector<16xf32>,
      %get3A_154 = vector.shape_cast %get3A_153 : vector<16xf32> to vector<16xf32>
      %get3A_155 = arith.index_cast %add3A_148 : i32 to index
      %get3A_156 = tpu.vector_load %arg5[%get3A_155] {strides = array<i32>} : memref<8192xf32, #tpu.memory_space<vmem>>, vector<16xf32>,
      %get3A_157 = vector.shape_cast %get3A_156 : vector<16xf32> to vector<16xf32>
      %get3A_158 = arith.index_cast %add3A_148 : i32 to index
      %get3A_159 = tpu.vector_load %arg9[%get3A_158] {strides = array<i32>} : memref<8192xf32, #tpu.memory_space<vmem>>, vector<16xf32>,
      %get3A_160 = vector.shape_cast %get3A_159 : vector<16xf32> to vector<16xf32>
      %sub3A_161 = arith.subf %get3A_151, %get3A_154 : vector<16xf32>
      %sub3A_162 = arith.subf %get3A_157, %get3A_160 : vector<16xf32>
      %mul3A_163 = arith.mulf %sub3A_161, %sub3A_161 : vector<16xf32>
      %mul3A_164 = arith.mulf %sub3A_162, %sub3A_162 : vector<16xf32>
      %add3A_165 = arith.addf %mul3A_163, %mul3A_164 : vector<16xf32>
      %ne3A_166 = arith.constant 0.000000e+00 : f32
      %ne3A_167 = vector.broadcast %ne3A_166 : f32 to vector<16xf32>
      %ne3A_168 = arith.cmpf one, %get3A_160, %ne3A_167 : vector<16xf32>
      %jit3A_169 = arith.constant 0.000000e+00 : f32
      %broadcast_in_dim3A_170 = vector.broadcast %jit3A_169 : f32 to vector<16xf32>
      %select_n3A_171 = arith.select %ne3A_168, %add3A_165, %broadcast_in_dim3A_170 : vector<16xi1>, vector<16xf32>
      %add3A_172 = arith.addf %add3A_144, %select_n3A_171 : vector<16xf32>
      %add3A_173 = arith.constant 48 : i32
      %add3A_174 = arith.addi %mul3A_93, %add3A_173 : i32
      %add3A_175 = arith.constant 128 : i32
      %add3A_176 = arith.addi %add3A_174, %add3A_175 : i32
      %get3A_177 = arith.index_cast %add3A_174 : i32 to index
      %get3A_178 = tpu.vector_load %arg5[%get3A_177] {strides = array<i32>} : memref<8192xf32, #tpu.memory_space<vmem>>, vector<16xf32>,
      %get3A_179 = vector.shape_cast %get3A_178 : vector<16xf32> to vector<16xf32>
      %get3A_180 = arith.index_cast %add3A_174 : i32 to index
      %get3A_181 = tpu.vector_load %arg9[%get3A_180] {strides = array<i32>} : memref<8192xf32, #tpu.memory_space<vmem>>, vector<16xf32>,
      %get3A_182 = vector.shape_cast %get3A_181 : vector<16xf32> to vector<16xf32>
      %get3A_183 = arith.index_cast %add3A_176 : i32 to index
      %get3A_184 = tpu.vector_load %arg5[%get3A_183] {strides = array<i32>} : memref<8192xf32, #tpu.memory_space<vmem>>, vector<16xf32>,
      %get3A_185 = vector.shape_cast %get3A_184 : vector<16xf32> to vector<16xf32>
      %get3A_186 = arith.index_cast %add3A_176 : i32 to index
      %get3A_187 = tpu.vector_load %arg9[%get3A_186] {strides = array<i32>} : memref<8192xf32, #tpu.memory_space<vmem>>, vector<16xf32>,
      %get3A_188 = vector.shape_cast %get3A_187 : vector<16xf32> to vector<16xf32>
      %sub3A_189 = arith.subf %get3A_179, %get3A_182 : vector<16xf32>
      %sub3A_190 = arith.subf %get3A_185, %get3A_188 : vector<16xf32>
      %mul3A_191 = arith.mulf %sub3A_189, %sub3A_189 : vector<16xf32>
      %mul3A_192 = arith.mulf %sub3A_190, %sub3A_190 : vector<16xf32>
      %add3A_193 = arith.addf %mul3A_191, %mul3A_192 : vector<16xf32>
      %ne3A_194 = arith.constant 0.000000e+00 : f32
      %ne3A_195 = vector.broadcast %ne3A_194 : f32 to vector<16xf32>
      %ne3A_196 = arith.cmpf one, %get3A_188, %ne3A_195 : vector<16xf32>
      %jit3A_197 = arith.constant 0.000000e+00 : f32
      %broadcast_in_dim3A_198 = vector.broadcast %jit3A_197 : f32 to vector<16xf32>
      %select_n3A_199 = arith.select %ne3A_196, %add3A_193, %broadcast_in_dim3A_198 : vector<16xi1>, vector<16xf32>
      %add3A_200 = arith.addf %add3A_172, %select_n3A_199 : vector<16xf32>
      %add3A_201 = arith.constant 64 : i32
      %add3A_202 = arith.addi %mul3A_93, %add3A_201 : i32
      %add3A_203 = arith.constant 128 : i32
      %add3A_204 = arith.addi %add3A_202, %add3A_203 : i32
      %get3A_205 = arith.index_cast %add3A_202 : i32 to index
      %get3A_206 = tpu.vector_load %arg5[%get3A_205] {strides = array<i32>} : memref<8192xf32, #tpu.memory_space<vmem>>, vector<16xf32>,
      %get3A_207 = vector.shape_cast %get3A_206 : vector<16xf32> to vector<16xf32>
      %get3A_208 = arith.index_cast %add3A_202 : i32 to index
      %get3A_209 = tpu.vector_load %arg9[%get3A_208] {strides = array<i32>} : memref<8192xf32, #tpu.memory_space<vmem>>, vector<16xf32>,
      %get3A_210 = vector.shape_cast %get3A_209 : vector<16xf32> to vector<16xf32>
      %get3A_211 = arith.index_cast %add3A_204 : i32 to index
      %get3A_212 = tpu.vector_load %arg5[%get3A_211] {strides = array<i32>} : memref<8192xf32, #tpu.memory_space<vmem>>, vector<16xf32>,
      %get3A_213 = vector.shape_cast %get3A_212 : vector<16xf32> to vector<16xf32>
      %get3A_214 = arith.index_cast %add3A_204 : i32 to index
      %get3A_215 = tpu.vector_load %arg9[%get3A_214] {strides = array<i32>} : memref<8192xf32, #tpu.memory_space<vmem>>, vector<16xf32>,
      %get3A_216 = vector.shape_cast %get3A_215 : vector<16xf32> to vector<16xf32>
      %sub3A_217 = arith.subf %get3A_207, %get3A_210 : vector<16xf32>
      %sub3A_218 = arith.subf %get3A_213, %get3A_216 : vector<16xf32>
      %mul3A_219 = arith.mulf %sub3A_217, %sub3A_217 : vector<16xf32>
      %mul3A_220 = arith.mulf %sub3A_218, %sub3A_218 : vector<16xf32>
      %add3A_221 = arith.addf %mul3A_219, %mul3A_220 : vector<16xf32>
      %ne3A_222 = arith.constant 0.000000e+00 : f32
      %ne3A_223 = vector.broadcast %ne3A_222 : f32 to vector<16xf32>
      %ne3A_224 = arith.cmpf one, %get3A_216, %ne3A_223 : vector<16xf32>
      %jit3A_225 = arith.constant 0.000000e+00 : f32
      %broadcast_in_dim3A_226 = vector.broadcast %jit3A_225 : f32 to vector<16xf32>
      %select_n3A_227 = arith.select %ne3A_224, %add3A_221, %broadcast_in_dim3A_226 : vector<16xi1>, vector<16xf32>
      %add3A_228 = arith.addf %add3A_200, %select_n3A_227 : vector<16xf32>
      %add3A_229 = arith.constant 80 : i32
      %add3A_230 = arith.addi %mul3A_93, %add3A_229 : i32
      %add3A_231 = arith.constant 128 : i32
      %add3A_232 = arith.addi %add3A_230, %add3A_231 : i32
      %get3A_233 = arith.index_cast %add3A_230 : i32 to index
      %get3A_234 = tpu.vector_load %arg5[%get3A_233] {strides = array<i32>} : memref<8192xf32, #tpu.memory_space<vmem>>, vector<16xf32>,
      %get3A_235 = vector.shape_cast %get3A_234 : vector<16xf32> to vector<16xf32>
      %get3A_236 = arith.index_cast %add3A_230 : i32 to index
      %get3A_237 = tpu.vector_load %arg9[%get3A_236] {strides = array<i32>} : memref<8192xf32, #tpu.memory_space<vmem>>, vector<16xf32>,
      %get3A_238 = vector.shape_cast %get3A_237 : vector<16xf32> to vector<16xf32>
      %get3A_239 = arith.index_cast %add3A_232 : i32 to index
      %get3A_240 = tpu.vector_load %arg5[%get3A_239] {strides = array<i32>} : memref<8192xf32, #tpu.memory_space<vmem>>, vector<16xf32>,
      %get3A_241 = vector.shape_cast %get3A_240 : vector<16xf32> to vector<16xf32>
      %get3A_242 = arith.index_cast %add3A_232 : i32 to index
      %get3A_243 = tpu.vector_load %arg9[%get3A_242] {strides = array<i32>} : memref<8192xf32, #tpu.memory_space<vmem>>, vector<16xf32>,
      %get3A_244 = vector.shape_cast %get3A_243 : vector<16xf32> to vector<16xf32>
      %sub3A_245 = arith.subf %get3A_235, %get3A_238 : vector<16xf32>
      %sub3A_246 = arith.subf %get3A_241, %get3A_244 : vector<16xf32>
      %mul3A_247 = arith.mulf %sub3A_245, %sub3A_245 : vector<16xf32>
      %mul3A_248 = arith.mulf %sub3A_246, %sub3A_246 : vector<16xf32>
      %add3A_249 = arith.addf %mul3A_247, %mul3A_248 : vector<16xf32>
      %ne3A_250 = arith.constant 0.000000e+00 : f32
      %ne3A_251 = vector.broadcast %ne3A_250 : f32 to vector<16xf32>
      %ne3A_252 = arith.cmpf one, %get3A_244, %ne3A_251 : vector<16xf32>
      %jit3A_253 = arith.constant 0.000000e+00 : f32
      %broadcast_in_dim3A_254 = vector.broadcast %jit3A_253 : f32 to vector<16xf32>
      %select_n3A_255 = arith.select %ne3A_252, %add3A_249, %broadcast_in_dim3A_254 : vector<16xi1>, vector<16xf32>
      %add3A_256 = arith.addf %add3A_228, %select_n3A_255 : vector<16xf32>
      %add3A_257 = arith.constant 96 : i32
      %add3A_258 = arith.addi %mul3A_93, %add3A_257 : i32
      %add3A_259 = arith.constant 128 : i32
      %add3A_260 = arith.addi %add3A_258, %add3A_259 : i32
      %get3A_261 = arith.index_cast %add3A_258 : i32 to index
      %get3A_262 = tpu.vector_load %arg5[%get3A_261] {strides = array<i32>} : memref<8192xf32, #tpu.memory_space<vmem>>, vector<16xf32>,
      %get3A_263 = vector.shape_cast %get3A_262 : vector<16xf32> to vector<16xf32>
      %get3A_264 = arith.index_cast %add3A_258 : i32 to index
      %get3A_265 = tpu.vector_load %arg9[%get3A_264] {strides = array<i32>} : memref<8192xf32, #tpu.memory_space<vmem>>, vector<16xf32>,
      %get3A_266 = vector.shape_cast %get3A_265 : vector<16xf32> to vector<16xf32>
      %get3A_267 = arith.index_cast %add3A_260 : i32 to index
      %get3A_268 = tpu.vector_load %arg5[%get3A_267] {strides = array<i32>} : memref<8192xf32, #tpu.memory_space<vmem>>, vector<16xf32>,
      %get3A_269 = vector.shape_cast %get3A_268 : vector<16xf32> to vector<16xf32>
      %get3A_270 = arith.index_cast %add3A_260 : i32 to index
      %get3A_271 = tpu.vector_load %arg9[%get3A_270] {strides = array<i32>} : memref<8192xf32, #tpu.memory_space<vmem>>, vector<16xf32>,
      %get3A_272 = vector.shape_cast %get3A_271 : vector<16xf32> to vector<16xf32>
      %sub3A_273 = arith.subf %get3A_263, %get3A_266 : vector<16xf32>
      %sub3A_274 = arith.subf %get3A_269, %get3A_272 : vector<16xf32>
      %mul3A_275 = arith.mulf %sub3A_273, %sub3A_273 : vector<16xf32>
      %mul3A_276 = arith.mulf %sub3A_274, %sub3A_274 : vector<16xf32>
      %add3A_277 = arith.addf %mul3A_275, %mul3A_276 : vector<16xf32>
      %ne3A_278 = arith.constant 0.000000e+00 : f32
      %ne3A_279 = vector.broadcast %ne3A_278 : f32 to vector<16xf32>
      %ne3A_280 = arith.cmpf one, %get3A_272, %ne3A_279 : vector<16xf32>
      %jit3A_281 = arith.constant 0.000000e+00 : f32
      %broadcast_in_dim3A_282 = vector.broadcast %jit3A_281 : f32 to vector<16xf32>
      %select_n3A_283 = arith.select %ne3A_280, %add3A_277, %broadcast_in_dim3A_282 : vector<16xi1>, vector<16xf32>
      %add3A_284 = arith.addf %add3A_256, %select_n3A_283 : vector<16xf32>
      %add3A_285 = arith.constant 112 : i32
      %add3A_286 = arith.addi %mul3A_93, %add3A_285 : i32
      %add3A_287 = arith.constant 128 : i32
      %add3A_288 = arith.addi %add3A_286, %add3A_287 : i32
      %get3A_289 = arith.index_cast %add3A_286 : i32 to index
      %get3A_290 = tpu.vector_load %arg5[%get3A_289] {strides = array<i32>} : memref<8192xf32, #tpu.memory_space<vmem>>, vector<16xf32>,
      %get3A_291 = vector.shape_cast %get3A_290 : vector<16xf32> to vector<16xf32>
      %get3A_292 = arith.index_cast %add3A_286 : i32 to index
      %get3A_293 = tpu.vector_load %arg9[%get3A_292] {strides = array<i32>} : memref<8192xf32, #tpu.memory_space<vmem>>, vector<16xf32>,
      %get3A_294 = vector.shape_cast %get3A_293 : vector<16xf32> to vector<16xf32>
      %get3A_295 = arith.index_cast %add3A_288 : i32 to index
      %get3A_296 = tpu.vector_load %arg5[%get3A_295] {strides = array<i32>} : memref<8192xf32, #tpu.memory_space<vmem>>, vector<16xf32>,
      %get3A_297 = vector.shape_cast %get3A_296 : vector<16xf32> to vector<16xf32>
      %get3A_298 = arith.index_cast %add3A_288 : i32 to index
      %get3A_299 = tpu.vector_load %arg9[%get3A_298] {strides = array<i32>} : memref<8192xf32, #tpu.memory_space<vmem>>, vector<16xf32>,
      %get3A_300 = vector.shape_cast %get3A_299 : vector<16xf32> to vector<16xf32>
      %sub3A_301 = arith.subf %get3A_291, %get3A_294 : vector<16xf32>
      %sub3A_302 = arith.subf %get3A_297, %get3A_300 : vector<16xf32>
      %mul3A_303 = arith.mulf %sub3A_301, %sub3A_301 : vector<16xf32>
      %mul3A_304 = arith.mulf %sub3A_302, %sub3A_302 : vector<16xf32>
      %add3A_305 = arith.addf %mul3A_303, %mul3A_304 : vector<16xf32>
      %ne3A_306 = arith.constant 0.000000e+00 : f32
      %ne3A_307 = vector.broadcast %ne3A_306 : f32 to vector<16xf32>
      %ne3A_308 = arith.cmpf one, %get3A_300, %ne3A_307 : vector<16xf32>
      %jit3A_309 = arith.constant 0.000000e+00 : f32
      %broadcast_in_dim3A_310 = vector.broadcast %jit3A_309 : f32 to vector<16xf32>
      %select_n3A_311 = arith.select %ne3A_308, %add3A_305, %broadcast_in_dim3A_310 : vector<16xi1>, vector<16xf32>
      %add3A_312 = arith.addf %add3A_284, %select_n3A_311 : vector<16xf32>
      scf.yield %add3A_312 : vector<16xf32>
    }
    %scan3A_44 = arith.constant 32 : i32
    %dma_wait3A_45 = arith.constant 0 : i32
    %dma_wait3A_46 = tpu.memref_slice %arg2[%dma_wait3A_45] : memref<8388608xf32, #tpu.memory_space<hbm>> -> memref<8192xf32, #tpu.memory_space<hbm>>
    %dma_wait3A_47 = arith.constant 0 : i32
    %dma_wait3A_48 = tpu.memref_slice %arg2[%dma_wait3A_47] : memref<8388608xf32, #tpu.memory_space<hbm>> -> memref<8192xf32, #tpu.memory_space<hbm>>
    tpu.wait_dma2 semaphore(%arg15 : memref<!tpu.dma_semaphore, #tpu.memory_space<semaphore_mem>>) src(%dma_wait3A_48 : memref<8192xf32, #tpu.memory_space<hbm>>) dst(%arg6 : memref<8192xf32, #tpu.memory_space<vmem>>)
    %dma_wait3A_49 = arith.constant 0 : i32
    %dma_wait3A_50 = tpu.memref_slice %arg3[%dma_wait3A_49] : memref<8388608xf32, #tpu.memory_space<hbm>> -> memref<8192xf32, #tpu.memory_space<hbm>>
    %dma_wait3A_51 = arith.constant 0 : i32
    %dma_wait3A_52 = tpu.memref_slice %arg3[%dma_wait3A_51] : memref<8388608xf32, #tpu.memory_space<hbm>> -> memref<8192xf32, #tpu.memory_space<hbm>>
    tpu.wait_dma2 semaphore(%arg19 : memref<!tpu.dma_semaphore, #tpu.memory_space<semaphore_mem>>) src(%dma_wait3A_52 : memref<8192xf32, #tpu.memory_space<hbm>>) dst(%arg10 : memref<8192xf32, #tpu.memory_space<vmem>>)
    %scan3A_53 = arith.constant 0 : i32
    %scan3A_54 = arith.constant 32 : i32
    %scan3A_55 = arith.addi %scan3A_53, %scan3A_54 : i32
    %scan3A_56 = arith.constant 1 : i32
    %scan3A_57 = scf.for %scan3A_90 = %scan3A_53 to %scan3A_55 step %scan3A_56 iter_args(%scan3A_91 = %scan3A_43) -> (vector<16xf32>)  : i32 {
      %mul3A_92 = arith.constant 256 : i32
      %mul3A_93 = arith.muli %scan3A_90, %mul3A_92 : i32
      %add3A_94 = arith.constant 0 : i32
      %add3A_95 = arith.addi %mul3A_93, %add3A_94 : i32
      %add3A_96 = arith.constant 128 : i32
      %add3A_97 = arith.addi %add3A_95, %add3A_96 : i32
      %get3A = arith.index_cast %add3A_95 : i32 to index
      %get3A_98 = tpu.vector_load %arg6[%get3A] {strides = array<i32>} : memref<8192xf32, #tpu.memory_space<vmem>>, vector<16xf32>,
      %get3A_99 = vector.shape_cast %get3A_98 : vector<16xf32> to vector<16xf32>
      %get3A_100 = arith.index_cast %add3A_95 : i32 to index
      %get3A_101 = tpu.vector_load %arg10[%get3A_100] {strides = array<i32>} : memref<8192xf32, #tpu.memory_space<vmem>>, vector<16xf32>,
      %get3A_102 = vector.shape_cast %get3A_101 : vector<16xf32> to vector<16xf32>
      %get3A_103 = arith.index_cast %add3A_97 : i32 to index
      %get3A_104 = tpu.vector_load %arg6[%get3A_103] {strides = array<i32>} : memref<8192xf32, #tpu.memory_space<vmem>>, vector<16xf32>,
      %get3A_105 = vector.shape_cast %get3A_104 : vector<16xf32> to vector<16xf32>
      %get3A_106 = arith.index_cast %add3A_97 : i32 to index
      %get3A_107 = tpu.vector_load %arg10[%get3A_106] {strides = array<i32>} : memref<8192xf32, #tpu.memory_space<vmem>>, vector<16xf32>,
      %get3A_108 = vector.shape_cast %get3A_107 : vector<16xf32> to vector<16xf32>
      %sub3A = arith.subf %get3A_99, %get3A_102 : vector<16xf32>
      %sub3A_109 = arith.subf %get3A_105, %get3A_108 : vector<16xf32>
      %mul3A_110 = arith.mulf %sub3A, %sub3A : vector<16xf32>
      %mul3A_111 = arith.mulf %sub3A_109, %sub3A_109 : vector<16xf32>
      %add3A_112 = arith.addf %mul3A_110, %mul3A_111 : vector<16xf32>
      %ne3A = arith.constant 0.000000e+00 : f32
      %ne3A_113 = vector.broadcast %ne3A : f32 to vector<16xf32>
      %ne3A_114 = arith.cmpf one, %get3A_108, %ne3A_113 : vector<16xf32>
      %jit3A = arith.constant 0.000000e+00 : f32
      %broadcast_in_dim3A_115 = vector.broadcast %jit3A : f32 to vector<16xf32>
      %select_n3A = arith.select %ne3A_114, %add3A_112, %broadcast_in_dim3A_115 : vector<16xi1>, vector<16xf32>
      %add3A_116 = arith.addf %scan3A_91, %select_n3A : vector<16xf32>
      %add3A_117 = arith.constant 16 : i32
      %add3A_118 = arith.addi %mul3A_93, %add3A_117 : i32
      %add3A_119 = arith.constant 128 : i32
      %add3A_120 = arith.addi %add3A_118, %add3A_119 : i32
      %get3A_121 = arith.index_cast %add3A_118 : i32 to index
      %get3A_122 = tpu.vector_load %arg6[%get3A_121] {strides = array<i32>} : memref<8192xf32, #tpu.memory_space<vmem>>, vector<16xf32>,
      %get3A_123 = vector.shape_cast %get3A_122 : vector<16xf32> to vector<16xf32>
      %get3A_124 = arith.index_cast %add3A_118 : i32 to index
      %get3A_125 = tpu.vector_load %arg10[%get3A_124] {strides = array<i32>} : memref<8192xf32, #tpu.memory_space<vmem>>, vector<16xf32>,
      %get3A_126 = vector.shape_cast %get3A_125 : vector<16xf32> to vector<16xf32>
      %get3A_127 = arith.index_cast %add3A_120 : i32 to index
      %get3A_128 = tpu.vector_load %arg6[%get3A_127] {strides = array<i32>} : memref<8192xf32, #tpu.memory_space<vmem>>, vector<16xf32>,
      %get3A_129 = vector.shape_cast %get3A_128 : vector<16xf32> to vector<16xf32>
      %get3A_130 = arith.index_cast %add3A_120 : i32 to index
      %get3A_131 = tpu.vector_load %arg10[%get3A_130] {strides = array<i32>} : memref<8192xf32, #tpu.memory_space<vmem>>, vector<16xf32>,
      %get3A_132 = vector.shape_cast %get3A_131 : vector<16xf32> to vector<16xf32>
      %sub3A_133 = arith.subf %get3A_123, %get3A_126 : vector<16xf32>
      %sub3A_134 = arith.subf %get3A_129, %get3A_132 : vector<16xf32>
      %mul3A_135 = arith.mulf %sub3A_133, %sub3A_133 : vector<16xf32>
      %mul3A_136 = arith.mulf %sub3A_134, %sub3A_134 : vector<16xf32>
      %add3A_137 = arith.addf %mul3A_135, %mul3A_136 : vector<16xf32>
      %ne3A_138 = arith.constant 0.000000e+00 : f32
      %ne3A_139 = vector.broadcast %ne3A_138 : f32 to vector<16xf32>
      %ne3A_140 = arith.cmpf one, %get3A_132, %ne3A_139 : vector<16xf32>
      %jit3A_141 = arith.constant 0.000000e+00 : f32
      %broadcast_in_dim3A_142 = vector.broadcast %jit3A_141 : f32 to vector<16xf32>
      %select_n3A_143 = arith.select %ne3A_140, %add3A_137, %broadcast_in_dim3A_142 : vector<16xi1>, vector<16xf32>
      %add3A_144 = arith.addf %add3A_116, %select_n3A_143 : vector<16xf32>
      %add3A_145 = arith.constant 32 : i32
      %add3A_146 = arith.addi %mul3A_93, %add3A_145 : i32
      %add3A_147 = arith.constant 128 : i32
      %add3A_148 = arith.addi %add3A_146, %add3A_147 : i32
      %get3A_149 = arith.index_cast %add3A_146 : i32 to index
      %get3A_150 = tpu.vector_load %arg6[%get3A_149] {strides = array<i32>} : memref<8192xf32, #tpu.memory_space<vmem>>, vector<16xf32>,
      %get3A_151 = vector.shape_cast %get3A_150 : vector<16xf32> to vector<16xf32>
      %get3A_152 = arith.index_cast %add3A_146 : i32 to index
      %get3A_153 = tpu.vector_load %arg10[%get3A_152] {strides = array<i32>} : memref<8192xf32, #tpu.memory_space<vmem>>, vector<16xf32>,
      %get3A_154 = vector.shape_cast %get3A_153 : vector<16xf32> to vector<16xf32>
      %get3A_155 = arith.index_cast %add3A_148 : i32 to index
      %get3A_156 = tpu.vector_load %arg6[%get3A_155] {strides = array<i32>} : memref<8192xf32, #tpu.memory_space<vmem>>, vector<16xf32>,
      %get3A_157 = vector.shape_cast %get3A_156 : vector<16xf32> to vector<16xf32>
      %get3A_158 = arith.index_cast %add3A_148 : i32 to index
      %get3A_159 = tpu.vector_load %arg10[%get3A_158] {strides = array<i32>} : memref<8192xf32, #tpu.memory_space<vmem>>, vector<16xf32>,
      %get3A_160 = vector.shape_cast %get3A_159 : vector<16xf32> to vector<16xf32>
      %sub3A_161 = arith.subf %get3A_151, %get3A_154 : vector<16xf32>
      %sub3A_162 = arith.subf %get3A_157, %get3A_160 : vector<16xf32>
      %mul3A_163 = arith.mulf %sub3A_161, %sub3A_161 : vector<16xf32>
      %mul3A_164 = arith.mulf %sub3A_162, %sub3A_162 : vector<16xf32>
      %add3A_165 = arith.addf %mul3A_163, %mul3A_164 : vector<16xf32>
      %ne3A_166 = arith.constant 0.000000e+00 : f32
      %ne3A_167 = vector.broadcast %ne3A_166 : f32 to vector<16xf32>
      %ne3A_168 = arith.cmpf one, %get3A_160, %ne3A_167 : vector<16xf32>
      %jit3A_169 = arith.constant 0.000000e+00 : f32
      %broadcast_in_dim3A_170 = vector.broadcast %jit3A_169 : f32 to vector<16xf32>
      %select_n3A_171 = arith.select %ne3A_168, %add3A_165, %broadcast_in_dim3A_170 : vector<16xi1>, vector<16xf32>
      %add3A_172 = arith.addf %add3A_144, %select_n3A_171 : vector<16xf32>
      %add3A_173 = arith.constant 48 : i32
      %add3A_174 = arith.addi %mul3A_93, %add3A_173 : i32
      %add3A_175 = arith.constant 128 : i32
      %add3A_176 = arith.addi %add3A_174, %add3A_175 : i32
      %get3A_177 = arith.index_cast %add3A_174 : i32 to index
      %get3A_178 = tpu.vector_load %arg6[%get3A_177] {strides = array<i32>} : memref<8192xf32, #tpu.memory_space<vmem>>, vector<16xf32>,
      %get3A_179 = vector.shape_cast %get3A_178 : vector<16xf32> to vector<16xf32>
      %get3A_180 = arith.index_cast %add3A_174 : i32 to index
      %get3A_181 = tpu.vector_load %arg10[%get3A_180] {strides = array<i32>} : memref<8192xf32, #tpu.memory_space<vmem>>, vector<16xf32>,
      %get3A_182 = vector.shape_cast %get3A_181 : vector<16xf32> to vector<16xf32>
      %get3A_183 = arith.index_cast %add3A_176 : i32 to index
      %get3A_184 = tpu.vector_load %arg6[%get3A_183] {strides = array<i32>} : memref<8192xf32, #tpu.memory_space<vmem>>, vector<16xf32>,
      %get3A_185 = vector.shape_cast %get3A_184 : vector<16xf32> to vector<16xf32>
      %get3A_186 = arith.index_cast %add3A_176 : i32 to index
      %get3A_187 = tpu.vector_load %arg10[%get3A_186] {strides = array<i32>} : memref<8192xf32, #tpu.memory_space<vmem>>, vector<16xf32>,
      %get3A_188 = vector.shape_cast %get3A_187 : vector<16xf32> to vector<16xf32>
      %sub3A_189 = arith.subf %get3A_179, %get3A_182 : vector<16xf32>
      %sub3A_190 = arith.subf %get3A_185, %get3A_188 : vector<16xf32>
      %mul3A_191 = arith.mulf %sub3A_189, %sub3A_189 : vector<16xf32>
      %mul3A_192 = arith.mulf %sub3A_190, %sub3A_190 : vector<16xf32>
      %add3A_193 = arith.addf %mul3A_191, %mul3A_192 : vector<16xf32>
      %ne3A_194 = arith.constant 0.000000e+00 : f32
      %ne3A_195 = vector.broadcast %ne3A_194 : f32 to vector<16xf32>
      %ne3A_196 = arith.cmpf one, %get3A_188, %ne3A_195 : vector<16xf32>
      %jit3A_197 = arith.constant 0.000000e+00 : f32
      %broadcast_in_dim3A_198 = vector.broadcast %jit3A_197 : f32 to vector<16xf32>
      %select_n3A_199 = arith.select %ne3A_196, %add3A_193, %broadcast_in_dim3A_198 : vector<16xi1>, vector<16xf32>
      %add3A_200 = arith.addf %add3A_172, %select_n3A_199 : vector<16xf32>
      %add3A_201 = arith.constant 64 : i32
      %add3A_202 = arith.addi %mul3A_93, %add3A_201 : i32
      %add3A_203 = arith.constant 128 : i32
      %add3A_204 = arith.addi %add3A_202, %add3A_203 : i32
      %get3A_205 = arith.index_cast %add3A_202 : i32 to index
      %get3A_206 = tpu.vector_load %arg6[%get3A_205] {strides = array<i32>} : memref<8192xf32, #tpu.memory_space<vmem>>, vector<16xf32>,
      %get3A_207 = vector.shape_cast %get3A_206 : vector<16xf32> to vector<16xf32>
      %get3A_208 = arith.index_cast %add3A_202 : i32 to index
      %get3A_209 = tpu.vector_load %arg10[%get3A_208] {strides = array<i32>} : memref<8192xf32, #tpu.memory_space<vmem>>, vector<16xf32>,
      %get3A_210 = vector.shape_cast %get3A_209 : vector<16xf32> to vector<16xf32>
      %get3A_211 = arith.index_cast %add3A_204 : i32 to index
      %get3A_212 = tpu.vector_load %arg6[%get3A_211] {strides = array<i32>} : memref<8192xf32, #tpu.memory_space<vmem>>, vector<16xf32>,
      %get3A_213 = vector.shape_cast %get3A_212 : vector<16xf32> to vector<16xf32>
      %get3A_214 = arith.index_cast %add3A_204 : i32 to index
      %get3A_215 = tpu.vector_load %arg10[%get3A_214] {strides = array<i32>} : memref<8192xf32, #tpu.memory_space<vmem>>, vector<16xf32>,
      %get3A_216 = vector.shape_cast %get3A_215 : vector<16xf32> to vector<16xf32>
      %sub3A_217 = arith.subf %get3A_207, %get3A_210 : vector<16xf32>
      %sub3A_218 = arith.subf %get3A_213, %get3A_216 : vector<16xf32>
      %mul3A_219 = arith.mulf %sub3A_217, %sub3A_217 : vector<16xf32>
      %mul3A_220 = arith.mulf %sub3A_218, %sub3A_218 : vector<16xf32>
      %add3A_221 = arith.addf %mul3A_219, %mul3A_220 : vector<16xf32>
      %ne3A_222 = arith.constant 0.000000e+00 : f32
      %ne3A_223 = vector.broadcast %ne3A_222 : f32 to vector<16xf32>
      %ne3A_224 = arith.cmpf one, %get3A_216, %ne3A_223 : vector<16xf32>
      %jit3A_225 = arith.constant 0.000000e+00 : f32
      %broadcast_in_dim3A_226 = vector.broadcast %jit3A_225 : f32 to vector<16xf32>
      %select_n3A_227 = arith.select %ne3A_224, %add3A_221, %broadcast_in_dim3A_226 : vector<16xi1>, vector<16xf32>
      %add3A_228 = arith.addf %add3A_200, %select_n3A_227 : vector<16xf32>
      %add3A_229 = arith.constant 80 : i32
      %add3A_230 = arith.addi %mul3A_93, %add3A_229 : i32
      %add3A_231 = arith.constant 128 : i32
      %add3A_232 = arith.addi %add3A_230, %add3A_231 : i32
      %get3A_233 = arith.index_cast %add3A_230 : i32 to index
      %get3A_234 = tpu.vector_load %arg6[%get3A_233] {strides = array<i32>} : memref<8192xf32, #tpu.memory_space<vmem>>, vector<16xf32>,
      %get3A_235 = vector.shape_cast %get3A_234 : vector<16xf32> to vector<16xf32>
      %get3A_236 = arith.index_cast %add3A_230 : i32 to index
      %get3A_237 = tpu.vector_load %arg10[%get3A_236] {strides = array<i32>} : memref<8192xf32, #tpu.memory_space<vmem>>, vector<16xf32>,
      %get3A_238 = vector.shape_cast %get3A_237 : vector<16xf32> to vector<16xf32>
      %get3A_239 = arith.index_cast %add3A_232 : i32 to index
      %get3A_240 = tpu.vector_load %arg6[%get3A_239] {strides = array<i32>} : memref<8192xf32, #tpu.memory_space<vmem>>, vector<16xf32>,
      %get3A_241 = vector.shape_cast %get3A_240 : vector<16xf32> to vector<16xf32>
      %get3A_242 = arith.index_cast %add3A_232 : i32 to index
      %get3A_243 = tpu.vector_load %arg10[%get3A_242] {strides = array<i32>} : memref<8192xf32, #tpu.memory_space<vmem>>, vector<16xf32>,
      %get3A_244 = vector.shape_cast %get3A_243 : vector<16xf32> to vector<16xf32>
      %sub3A_245 = arith.subf %get3A_235, %get3A_238 : vector<16xf32>
      %sub3A_246 = arith.subf %get3A_241, %get3A_244 : vector<16xf32>
      %mul3A_247 = arith.mulf %sub3A_245, %sub3A_245 : vector<16xf32>
      %mul3A_248 = arith.mulf %sub3A_246, %sub3A_246 : vector<16xf32>
      %add3A_249 = arith.addf %mul3A_247, %mul3A_248 : vector<16xf32>
      %ne3A_250 = arith.constant 0.000000e+00 : f32
      %ne3A_251 = vector.broadcast %ne3A_250 : f32 to vector<16xf32>
      %ne3A_252 = arith.cmpf one, %get3A_244, %ne3A_251 : vector<16xf32>
      %jit3A_253 = arith.constant 0.000000e+00 : f32
      %broadcast_in_dim3A_254 = vector.broadcast %jit3A_253 : f32 to vector<16xf32>
      %select_n3A_255 = arith.select %ne3A_252, %add3A_249, %broadcast_in_dim3A_254 : vector<16xi1>, vector<16xf32>
      %add3A_256 = arith.addf %add3A_228, %select_n3A_255 : vector<16xf32>
      %add3A_257 = arith.constant 96 : i32
      %add3A_258 = arith.addi %mul3A_93, %add3A_257 : i32
      %add3A_259 = arith.constant 128 : i32
      %add3A_260 = arith.addi %add3A_258, %add3A_259 : i32
      %get3A_261 = arith.index_cast %add3A_258 : i32 to index
      %get3A_262 = tpu.vector_load %arg6[%get3A_261] {strides = array<i32>} : memref<8192xf32, #tpu.memory_space<vmem>>, vector<16xf32>,
      %get3A_263 = vector.shape_cast %get3A_262 : vector<16xf32> to vector<16xf32>
      %get3A_264 = arith.index_cast %add3A_258 : i32 to index
      %get3A_265 = tpu.vector_load %arg10[%get3A_264] {strides = array<i32>} : memref<8192xf32, #tpu.memory_space<vmem>>, vector<16xf32>,
      %get3A_266 = vector.shape_cast %get3A_265 : vector<16xf32> to vector<16xf32>
      %get3A_267 = arith.index_cast %add3A_260 : i32 to index
      %get3A_268 = tpu.vector_load %arg6[%get3A_267] {strides = array<i32>} : memref<8192xf32, #tpu.memory_space<vmem>>, vector<16xf32>,
      %get3A_269 = vector.shape_cast %get3A_268 : vector<16xf32> to vector<16xf32>
      %get3A_270 = arith.index_cast %add3A_260 : i32 to index
      %get3A_271 = tpu.vector_load %arg10[%get3A_270] {strides = array<i32>} : memref<8192xf32, #tpu.memory_space<vmem>>, vector<16xf32>,
      %get3A_272 = vector.shape_cast %get3A_271 : vector<16xf32> to vector<16xf32>
      %sub3A_273 = arith.subf %get3A_263, %get3A_266 : vector<16xf32>
      %sub3A_274 = arith.subf %get3A_269, %get3A_272 : vector<16xf32>
      %mul3A_275 = arith.mulf %sub3A_273, %sub3A_273 : vector<16xf32>
      %mul3A_276 = arith.mulf %sub3A_274, %sub3A_274 : vector<16xf32>
      %add3A_277 = arith.addf %mul3A_275, %mul3A_276 : vector<16xf32>
      %ne3A_278 = arith.constant 0.000000e+00 : f32
      %ne3A_279 = vector.broadcast %ne3A_278 : f32 to vector<16xf32>
      %ne3A_280 = arith.cmpf one, %get3A_272, %ne3A_279 : vector<16xf32>
      %jit3A_281 = arith.constant 0.000000e+00 : f32
      %broadcast_in_dim3A_282 = vector.broadcast %jit3A_281 : f32 to vector<16xf32>
      %select_n3A_283 = arith.select %ne3A_280, %add3A_277, %broadcast_in_dim3A_282 : vector<16xi1>, vector<16xf32>
      %add3A_284 = arith.addf %add3A_256, %select_n3A_283 : vector<16xf32>
      %add3A_285 = arith.constant 112 : i32
      %add3A_286 = arith.addi %mul3A_93, %add3A_285 : i32
      %add3A_287 = arith.constant 128 : i32
      %add3A_288 = arith.addi %add3A_286, %add3A_287 : i32
      %get3A_289 = arith.index_cast %add3A_286 : i32 to index
      %get3A_290 = tpu.vector_load %arg6[%get3A_289] {strides = array<i32>} : memref<8192xf32, #tpu.memory_space<vmem>>, vector<16xf32>,
      %get3A_291 = vector.shape_cast %get3A_290 : vector<16xf32> to vector<16xf32>
      %get3A_292 = arith.index_cast %add3A_286 : i32 to index
      %get3A_293 = tpu.vector_load %arg10[%get3A_292] {strides = array<i32>} : memref<8192xf32, #tpu.memory_space<vmem>>, vector<16xf32>,
      %get3A_294 = vector.shape_cast %get3A_293 : vector<16xf32> to vector<16xf32>
      %get3A_295 = arith.index_cast %add3A_288 : i32 to index
      %get3A_296 = tpu.vector_load %arg6[%get3A_295] {strides = array<i32>} : memref<8192xf32, #tpu.memory_space<vmem>>, vector<16xf32>,
      %get3A_297 = vector.shape_cast %get3A_296 : vector<16xf32> to vector<16xf32>
      %get3A_298 = arith.index_cast %add3A_288 : i32 to index
      %get3A_299 = tpu.vector_load %arg10[%get3A_298] {strides = array<i32>} : memref<8192xf32, #tpu.memory_space<vmem>>, vector<16xf32>,
      %get3A_300 = vector.shape_cast %get3A_299 : vector<16xf32> to vector<16xf32>
      %sub3A_301 = arith.subf %get3A_291, %get3A_294 : vector<16xf32>
      %sub3A_302 = arith.subf %get3A_297, %get3A_300 : vector<16xf32>
      %mul3A_303 = arith.mulf %sub3A_301, %sub3A_301 : vector<16xf32>
      %mul3A_304 = arith.mulf %sub3A_302, %sub3A_302 : vector<16xf32>
      %add3A_305 = arith.addf %mul3A_303, %mul3A_304 : vector<16xf32>
      %ne3A_306 = arith.constant 0.000000e+00 : f32
      %ne3A_307 = vector.broadcast %ne3A_306 : f32 to vector<16xf32>
      %ne3A_308 = arith.cmpf one, %get3A_300, %ne3A_307 : vector<16xf32>
      %jit3A_309 = arith.constant 0.000000e+00 : f32
      %broadcast_in_dim3A_310 = vector.broadcast %jit3A_309 : f32 to vector<16xf32>
      %select_n3A_311 = arith.select %ne3A_308, %add3A_305, %broadcast_in_dim3A_310 : vector<16xi1>, vector<16xf32>
      %add3A_312 = arith.addf %add3A_284, %select_n3A_311 : vector<16xf32>
      scf.yield %add3A_312 : vector<16xf32>
    }
    %scan3A_58 = arith.constant 32 : i32
    %dma_wait3A_59 = arith.constant 0 : i32
    %dma_wait3A_60 = tpu.memref_slice %arg2[%dma_wait3A_59] : memref<8388608xf32, #tpu.memory_space<hbm>> -> memref<8192xf32, #tpu.memory_space<hbm>>
    %dma_wait3A_61 = arith.constant 0 : i32
    %dma_wait3A_62 = tpu.memref_slice %arg2[%dma_wait3A_61] : memref<8388608xf32, #tpu.memory_space<hbm>> -> memref<8192xf32, #tpu.memory_space<hbm>>
    tpu.wait_dma2 semaphore(%arg16 : memref<!tpu.dma_semaphore, #tpu.memory_space<semaphore_mem>>) src(%dma_wait3A_62 : memref<8192xf32, #tpu.memory_space<hbm>>) dst(%arg7 : memref<8192xf32, #tpu.memory_space<vmem>>)
    %dma_wait3A_63 = arith.constant 0 : i32
    %dma_wait3A_64 = tpu.memref_slice %arg3[%dma_wait3A_63] : memref<8388608xf32, #tpu.memory_space<hbm>> -> memref<8192xf32, #tpu.memory_space<hbm>>
    %dma_wait3A_65 = arith.constant 0 : i32
    %dma_wait3A_66 = tpu.memref_slice %arg3[%dma_wait3A_65] : memref<8388608xf32, #tpu.memory_space<hbm>> -> memref<8192xf32, #tpu.memory_space<hbm>>
    tpu.wait_dma2 semaphore(%arg20 : memref<!tpu.dma_semaphore, #tpu.memory_space<semaphore_mem>>) src(%dma_wait3A_66 : memref<8192xf32, #tpu.memory_space<hbm>>) dst(%arg11 : memref<8192xf32, #tpu.memory_space<vmem>>)
    %scan3A_67 = arith.constant 0 : i32
    %scan3A_68 = arith.constant 32 : i32
    %scan3A_69 = arith.addi %scan3A_67, %scan3A_68 : i32
    %scan3A_70 = arith.constant 1 : i32
    %scan3A_71 = scf.for %scan3A_90 = %scan3A_67 to %scan3A_69 step %scan3A_70 iter_args(%scan3A_91 = %scan3A_57) -> (vector<16xf32>)  : i32 {
      %mul3A_92 = arith.constant 256 : i32
      %mul3A_93 = arith.muli %scan3A_90, %mul3A_92 : i32
      %add3A_94 = arith.constant 0 : i32
      %add3A_95 = arith.addi %mul3A_93, %add3A_94 : i32
      %add3A_96 = arith.constant 128 : i32
      %add3A_97 = arith.addi %add3A_95, %add3A_96 : i32
      %get3A = arith.index_cast %add3A_95 : i32 to index
      %get3A_98 = tpu.vector_load %arg7[%get3A] {strides = array<i32>} : memref<8192xf32, #tpu.memory_space<vmem>>, vector<16xf32>,
      %get3A_99 = vector.shape_cast %get3A_98 : vector<16xf32> to vector<16xf32>
      %get3A_100 = arith.index_cast %add3A_95 : i32 to index
      %get3A_101 = tpu.vector_load %arg11[%get3A_100] {strides = array<i32>} : memref<8192xf32, #tpu.memory_space<vmem>>, vector<16xf32>,
      %get3A_102 = vector.shape_cast %get3A_101 : vector<16xf32> to vector<16xf32>
      %get3A_103 = arith.index_cast %add3A_97 : i32 to index
      %get3A_104 = tpu.vector_load %arg7[%get3A_103] {strides = array<i32>} : memref<8192xf32, #tpu.memory_space<vmem>>, vector<16xf32>,
      %get3A_105 = vector.shape_cast %get3A_104 : vector<16xf32> to vector<16xf32>
      %get3A_106 = arith.index_cast %add3A_97 : i32 to index
      %get3A_107 = tpu.vector_load %arg11[%get3A_106] {strides = array<i32>} : memref<8192xf32, #tpu.memory_space<vmem>>, vector<16xf32>,
      %get3A_108 = vector.shape_cast %get3A_107 : vector<16xf32> to vector<16xf32>
      %sub3A = arith.subf %get3A_99, %get3A_102 : vector<16xf32>
      %sub3A_109 = arith.subf %get3A_105, %get3A_108 : vector<16xf32>
      %mul3A_110 = arith.mulf %sub3A, %sub3A : vector<16xf32>
      %mul3A_111 = arith.mulf %sub3A_109, %sub3A_109 : vector<16xf32>
      %add3A_112 = arith.addf %mul3A_110, %mul3A_111 : vector<16xf32>
      %ne3A = arith.constant 0.000000e+00 : f32
      %ne3A_113 = vector.broadcast %ne3A : f32 to vector<16xf32>
      %ne3A_114 = arith.cmpf one, %get3A_108, %ne3A_113 : vector<16xf32>
      %jit3A = arith.constant 0.000000e+00 : f32
      %broadcast_in_dim3A_115 = vector.broadcast %jit3A : f32 to vector<16xf32>
      %select_n3A = arith.select %ne3A_114, %add3A_112, %broadcast_in_dim3A_115 : vector<16xi1>, vector<16xf32>
      %add3A_116 = arith.addf %scan3A_91, %select_n3A : vector<16xf32>
      %add3A_117 = arith.constant 16 : i32
      %add3A_118 = arith.addi %mul3A_93, %add3A_117 : i32
      %add3A_119 = arith.constant 128 : i32
      %add3A_120 = arith.addi %add3A_118, %add3A_119 : i32
      %get3A_121 = arith.index_cast %add3A_118 : i32 to index
      %get3A_122 = tpu.vector_load %arg7[%get3A_121] {strides = array<i32>} : memref<8192xf32, #tpu.memory_space<vmem>>, vector<16xf32>,
      %get3A_123 = vector.shape_cast %get3A_122 : vector<16xf32> to vector<16xf32>
      %get3A_124 = arith.index_cast %add3A_118 : i32 to index
      %get3A_125 = tpu.vector_load %arg11[%get3A_124] {strides = array<i32>} : memref<8192xf32, #tpu.memory_space<vmem>>, vector<16xf32>,
      %get3A_126 = vector.shape_cast %get3A_125 : vector<16xf32> to vector<16xf32>
      %get3A_127 = arith.index_cast %add3A_120 : i32 to index
      %get3A_128 = tpu.vector_load %arg7[%get3A_127] {strides = array<i32>} : memref<8192xf32, #tpu.memory_space<vmem>>, vector<16xf32>,
      %get3A_129 = vector.shape_cast %get3A_128 : vector<16xf32> to vector<16xf32>
      %get3A_130 = arith.index_cast %add3A_120 : i32 to index
      %get3A_131 = tpu.vector_load %arg11[%get3A_130] {strides = array<i32>} : memref<8192xf32, #tpu.memory_space<vmem>>, vector<16xf32>,
      %get3A_132 = vector.shape_cast %get3A_131 : vector<16xf32> to vector<16xf32>
      %sub3A_133 = arith.subf %get3A_123, %get3A_126 : vector<16xf32>
      %sub3A_134 = arith.subf %get3A_129, %get3A_132 : vector<16xf32>
      %mul3A_135 = arith.mulf %sub3A_133, %sub3A_133 : vector<16xf32>
      %mul3A_136 = arith.mulf %sub3A_134, %sub3A_134 : vector<16xf32>
      %add3A_137 = arith.addf %mul3A_135, %mul3A_136 : vector<16xf32>
      %ne3A_138 = arith.constant 0.000000e+00 : f32
      %ne3A_139 = vector.broadcast %ne3A_138 : f32 to vector<16xf32>
      %ne3A_140 = arith.cmpf one, %get3A_132, %ne3A_139 : vector<16xf32>
      %jit3A_141 = arith.constant 0.000000e+00 : f32
      %broadcast_in_dim3A_142 = vector.broadcast %jit3A_141 : f32 to vector<16xf32>
      %select_n3A_143 = arith.select %ne3A_140, %add3A_137, %broadcast_in_dim3A_142 : vector<16xi1>, vector<16xf32>
      %add3A_144 = arith.addf %add3A_116, %select_n3A_143 : vector<16xf32>
      %add3A_145 = arith.constant 32 : i32
      %add3A_146 = arith.addi %mul3A_93, %add3A_145 : i32
      %add3A_147 = arith.constant 128 : i32
      %add3A_148 = arith.addi %add3A_146, %add3A_147 : i32
      %get3A_149 = arith.index_cast %add3A_146 : i32 to index
      %get3A_150 = tpu.vector_load %arg7[%get3A_149] {strides = array<i32>} : memref<8192xf32, #tpu.memory_space<vmem>>, vector<16xf32>,
      %get3A_151 = vector.shape_cast %get3A_150 : vector<16xf32> to vector<16xf32>
      %get3A_152 = arith.index_cast %add3A_146 : i32 to index
      %get3A_153 = tpu.vector_load %arg11[%get3A_152] {strides = array<i32>} : memref<8192xf32, #tpu.memory_space<vmem>>, vector<16xf32>,
      %get3A_154 = vector.shape_cast %get3A_153 : vector<16xf32> to vector<16xf32>
      %get3A_155 = arith.index_cast %add3A_148 : i32 to index
      %get3A_156 = tpu.vector_load %arg7[%get3A_155] {strides = array<i32>} : memref<8192xf32, #tpu.memory_space<vmem>>, vector<16xf32>,
      %get3A_157 = vector.shape_cast %get3A_156 : vector<16xf32> to vector<16xf32>
      %get3A_158 = arith.index_cast %add3A_148 : i32 to index
      %get3A_159 = tpu.vector_load %arg11[%get3A_158] {strides = array<i32>} : memref<8192xf32, #tpu.memory_space<vmem>>, vector<16xf32>,
      %get3A_160 = vector.shape_cast %get3A_159 : vector<16xf32> to vector<16xf32>
      %sub3A_161 = arith.subf %get3A_151, %get3A_154 : vector<16xf32>
      %sub3A_162 = arith.subf %get3A_157, %get3A_160 : vector<16xf32>
      %mul3A_163 = arith.mulf %sub3A_161, %sub3A_161 : vector<16xf32>
      %mul3A_164 = arith.mulf %sub3A_162, %sub3A_162 : vector<16xf32>
      %add3A_165 = arith.addf %mul3A_163, %mul3A_164 : vector<16xf32>
      %ne3A_166 = arith.constant 0.000000e+00 : f32
      %ne3A_167 = vector.broadcast %ne3A_166 : f32 to vector<16xf32>
      %ne3A_168 = arith.cmpf one, %get3A_160, %ne3A_167 : vector<16xf32>
      %jit3A_169 = arith.constant 0.000000e+00 : f32
      %broadcast_in_dim3A_170 = vector.broadcast %jit3A_169 : f32 to vector<16xf32>
      %select_n3A_171 = arith.select %ne3A_168, %add3A_165, %broadcast_in_dim3A_170 : vector<16xi1>, vector<16xf32>
      %add3A_172 = arith.addf %add3A_144, %select_n3A_171 : vector<16xf32>
      %add3A_173 = arith.constant 48 : i32
      %add3A_174 = arith.addi %mul3A_93, %add3A_173 : i32
      %add3A_175 = arith.constant 128 : i32
      %add3A_176 = arith.addi %add3A_174, %add3A_175 : i32
      %get3A_177 = arith.index_cast %add3A_174 : i32 to index
      %get3A_178 = tpu.vector_load %arg7[%get3A_177] {strides = array<i32>} : memref<8192xf32, #tpu.memory_space<vmem>>, vector<16xf32>,
      %get3A_179 = vector.shape_cast %get3A_178 : vector<16xf32> to vector<16xf32>
      %get3A_180 = arith.index_cast %add3A_174 : i32 to index
      %get3A_181 = tpu.vector_load %arg11[%get3A_180] {strides = array<i32>} : memref<8192xf32, #tpu.memory_space<vmem>>, vector<16xf32>,
      %get3A_182 = vector.shape_cast %get3A_181 : vector<16xf32> to vector<16xf32>
      %get3A_183 = arith.index_cast %add3A_176 : i32 to index
      %get3A_184 = tpu.vector_load %arg7[%get3A_183] {strides = array<i32>} : memref<8192xf32, #tpu.memory_space<vmem>>, vector<16xf32>,
      %get3A_185 = vector.shape_cast %get3A_184 : vector<16xf32> to vector<16xf32>
      %get3A_186 = arith.index_cast %add3A_176 : i32 to index
      %get3A_187 = tpu.vector_load %arg11[%get3A_186] {strides = array<i32>} : memref<8192xf32, #tpu.memory_space<vmem>>, vector<16xf32>,
      %get3A_188 = vector.shape_cast %get3A_187 : vector<16xf32> to vector<16xf32>
      %sub3A_189 = arith.subf %get3A_179, %get3A_182 : vector<16xf32>
      %sub3A_190 = arith.subf %get3A_185, %get3A_188 : vector<16xf32>
      %mul3A_191 = arith.mulf %sub3A_189, %sub3A_189 : vector<16xf32>
      %mul3A_192 = arith.mulf %sub3A_190, %sub3A_190 : vector<16xf32>
      %add3A_193 = arith.addf %mul3A_191, %mul3A_192 : vector<16xf32>
      %ne3A_194 = arith.constant 0.000000e+00 : f32
      %ne3A_195 = vector.broadcast %ne3A_194 : f32 to vector<16xf32>
      %ne3A_196 = arith.cmpf one, %get3A_188, %ne3A_195 : vector<16xf32>
      %jit3A_197 = arith.constant 0.000000e+00 : f32
      %broadcast_in_dim3A_198 = vector.broadcast %jit3A_197 : f32 to vector<16xf32>
      %select_n3A_199 = arith.select %ne3A_196, %add3A_193, %broadcast_in_dim3A_198 : vector<16xi1>, vector<16xf32>
      %add3A_200 = arith.addf %add3A_172, %select_n3A_199 : vector<16xf32>
      %add3A_201 = arith.constant 64 : i32
      %add3A_202 = arith.addi %mul3A_93, %add3A_201 : i32
      %add3A_203 = arith.constant 128 : i32
      %add3A_204 = arith.addi %add3A_202, %add3A_203 : i32
      %get3A_205 = arith.index_cast %add3A_202 : i32 to index
      %get3A_206 = tpu.vector_load %arg7[%get3A_205] {strides = array<i32>} : memref<8192xf32, #tpu.memory_space<vmem>>, vector<16xf32>,
      %get3A_207 = vector.shape_cast %get3A_206 : vector<16xf32> to vector<16xf32>
      %get3A_208 = arith.index_cast %add3A_202 : i32 to index
      %get3A_209 = tpu.vector_load %arg11[%get3A_208] {strides = array<i32>} : memref<8192xf32, #tpu.memory_space<vmem>>, vector<16xf32>,
      %get3A_210 = vector.shape_cast %get3A_209 : vector<16xf32> to vector<16xf32>
      %get3A_211 = arith.index_cast %add3A_204 : i32 to index
      %get3A_212 = tpu.vector_load %arg7[%get3A_211] {strides = array<i32>} : memref<8192xf32, #tpu.memory_space<vmem>>, vector<16xf32>,
      %get3A_213 = vector.shape_cast %get3A_212 : vector<16xf32> to vector<16xf32>
      %get3A_214 = arith.index_cast %add3A_204 : i32 to index
      %get3A_215 = tpu.vector_load %arg11[%get3A_214] {strides = array<i32>} : memref<8192xf32, #tpu.memory_space<vmem>>, vector<16xf32>,
      %get3A_216 = vector.shape_cast %get3A_215 : vector<16xf32> to vector<16xf32>
      %sub3A_217 = arith.subf %get3A_207, %get3A_210 : vector<16xf32>
      %sub3A_218 = arith.subf %get3A_213, %get3A_216 : vector<16xf32>
      %mul3A_219 = arith.mulf %sub3A_217, %sub3A_217 : vector<16xf32>
      %mul3A_220 = arith.mulf %sub3A_218, %sub3A_218 : vector<16xf32>
      %add3A_221 = arith.addf %mul3A_219, %mul3A_220 : vector<16xf32>
      %ne3A_222 = arith.constant 0.000000e+00 : f32
      %ne3A_223 = vector.broadcast %ne3A_222 : f32 to vector<16xf32>
      %ne3A_224 = arith.cmpf one, %get3A_216, %ne3A_223 : vector<16xf32>
      %jit3A_225 = arith.constant 0.000000e+00 : f32
      %broadcast_in_dim3A_226 = vector.broadcast %jit3A_225 : f32 to vector<16xf32>
      %select_n3A_227 = arith.select %ne3A_224, %add3A_221, %broadcast_in_dim3A_226 : vector<16xi1>, vector<16xf32>
      %add3A_228 = arith.addf %add3A_200, %select_n3A_227 : vector<16xf32>
      %add3A_229 = arith.constant 80 : i32
      %add3A_230 = arith.addi %mul3A_93, %add3A_229 : i32
      %add3A_231 = arith.constant 128 : i32
      %add3A_232 = arith.addi %add3A_230, %add3A_231 : i32
      %get3A_233 = arith.index_cast %add3A_230 : i32 to index
      %get3A_234 = tpu.vector_load %arg7[%get3A_233] {strides = array<i32>} : memref<8192xf32, #tpu.memory_space<vmem>>, vector<16xf32>,
      %get3A_235 = vector.shape_cast %get3A_234 : vector<16xf32> to vector<16xf32>
      %get3A_236 = arith.index_cast %add3A_230 : i32 to index
      %get3A_237 = tpu.vector_load %arg11[%get3A_236] {strides = array<i32>} : memref<8192xf32, #tpu.memory_space<vmem>>, vector<16xf32>,
      %get3A_238 = vector.shape_cast %get3A_237 : vector<16xf32> to vector<16xf32>
      %get3A_239 = arith.index_cast %add3A_232 : i32 to index
      %get3A_240 = tpu.vector_load %arg7[%get3A_239] {strides = array<i32>} : memref<8192xf32, #tpu.memory_space<vmem>>, vector<16xf32>,
      %get3A_241 = vector.shape_cast %get3A_240 : vector<16xf32> to vector<16xf32>
      %get3A_242 = arith.index_cast %add3A_232 : i32 to index
      %get3A_243 = tpu.vector_load %arg11[%get3A_242] {strides = array<i32>} : memref<8192xf32, #tpu.memory_space<vmem>>, vector<16xf32>,
      %get3A_244 = vector.shape_cast %get3A_243 : vector<16xf32> to vector<16xf32>
      %sub3A_245 = arith.subf %get3A_235, %get3A_238 : vector<16xf32>
      %sub3A_246 = arith.subf %get3A_241, %get3A_244 : vector<16xf32>
      %mul3A_247 = arith.mulf %sub3A_245, %sub3A_245 : vector<16xf32>
      %mul3A_248 = arith.mulf %sub3A_246, %sub3A_246 : vector<16xf32>
      %add3A_249 = arith.addf %mul3A_247, %mul3A_248 : vector<16xf32>
      %ne3A_250 = arith.constant 0.000000e+00 : f32
      %ne3A_251 = vector.broadcast %ne3A_250 : f32 to vector<16xf32>
      %ne3A_252 = arith.cmpf one, %get3A_244, %ne3A_251 : vector<16xf32>
      %jit3A_253 = arith.constant 0.000000e+00 : f32
      %broadcast_in_dim3A_254 = vector.broadcast %jit3A_253 : f32 to vector<16xf32>
      %select_n3A_255 = arith.select %ne3A_252, %add3A_249, %broadcast_in_dim3A_254 : vector<16xi1>, vector<16xf32>
      %add3A_256 = arith.addf %add3A_228, %select_n3A_255 : vector<16xf32>
      %add3A_257 = arith.constant 96 : i32
      %add3A_258 = arith.addi %mul3A_93, %add3A_257 : i32
      %add3A_259 = arith.constant 128 : i32
      %add3A_260 = arith.addi %add3A_258, %add3A_259 : i32
      %get3A_261 = arith.index_cast %add3A_258 : i32 to index
      %get3A_262 = tpu.vector_load %arg7[%get3A_261] {strides = array<i32>} : memref<8192xf32, #tpu.memory_space<vmem>>, vector<16xf32>,
      %get3A_263 = vector.shape_cast %get3A_262 : vector<16xf32> to vector<16xf32>
      %get3A_264 = arith.index_cast %add3A_258 : i32 to index
      %get3A_265 = tpu.vector_load %arg11[%get3A_264] {strides = array<i32>} : memref<8192xf32, #tpu.memory_space<vmem>>, vector<16xf32>,
      %get3A_266 = vector.shape_cast %get3A_265 : vector<16xf32> to vector<16xf32>
      %get3A_267 = arith.index_cast %add3A_260 : i32 to index
      %get3A_268 = tpu.vector_load %arg7[%get3A_267] {strides = array<i32>} : memref<8192xf32, #tpu.memory_space<vmem>>, vector<16xf32>,
      %get3A_269 = vector.shape_cast %get3A_268 : vector<16xf32> to vector<16xf32>
      %get3A_270 = arith.index_cast %add3A_260 : i32 to index
      %get3A_271 = tpu.vector_load %arg11[%get3A_270] {strides = array<i32>} : memref<8192xf32, #tpu.memory_space<vmem>>, vector<16xf32>,
      %get3A_272 = vector.shape_cast %get3A_271 : vector<16xf32> to vector<16xf32>
      %sub3A_273 = arith.subf %get3A_263, %get3A_266 : vector<16xf32>
      %sub3A_274 = arith.subf %get3A_269, %get3A_272 : vector<16xf32>
      %mul3A_275 = arith.mulf %sub3A_273, %sub3A_273 : vector<16xf32>
      %mul3A_276 = arith.mulf %sub3A_274, %sub3A_274 : vector<16xf32>
      %add3A_277 = arith.addf %mul3A_275, %mul3A_276 : vector<16xf32>
      %ne3A_278 = arith.constant 0.000000e+00 : f32
      %ne3A_279 = vector.broadcast %ne3A_278 : f32 to vector<16xf32>
      %ne3A_280 = arith.cmpf one, %get3A_272, %ne3A_279 : vector<16xf32>
      %jit3A_281 = arith.constant 0.000000e+00 : f32
      %broadcast_in_dim3A_282 = vector.broadcast %jit3A_281 : f32 to vector<16xf32>
      %select_n3A_283 = arith.select %ne3A_280, %add3A_277, %broadcast_in_dim3A_282 : vector<16xi1>, vector<16xf32>
      %add3A_284 = arith.addf %add3A_256, %select_n3A_283 : vector<16xf32>
      %add3A_285 = arith.constant 112 : i32
      %add3A_286 = arith.addi %mul3A_93, %add3A_285 : i32
      %add3A_287 = arith.constant 128 : i32
      %add3A_288 = arith.addi %add3A_286, %add3A_287 : i32
      %get3A_289 = arith.index_cast %add3A_286 : i32 to index
      %get3A_290 = tpu.vector_load %arg7[%get3A_289] {strides = array<i32>} : memref<8192xf32, #tpu.memory_space<vmem>>, vector<16xf32>,
      %get3A_291 = vector.shape_cast %get3A_290 : vector<16xf32> to vector<16xf32>
      %get3A_292 = arith.index_cast %add3A_286 : i32 to index
      %get3A_293 = tpu.vector_load %arg11[%get3A_292] {strides = array<i32>} : memref<8192xf32, #tpu.memory_space<vmem>>, vector<16xf32>,
      %get3A_294 = vector.shape_cast %get3A_293 : vector<16xf32> to vector<16xf32>
      %get3A_295 = arith.index_cast %add3A_288 : i32 to index
      %get3A_296 = tpu.vector_load %arg7[%get3A_295] {strides = array<i32>} : memref<8192xf32, #tpu.memory_space<vmem>>, vector<16xf32>,
      %get3A_297 = vector.shape_cast %get3A_296 : vector<16xf32> to vector<16xf32>
      %get3A_298 = arith.index_cast %add3A_288 : i32 to index
      %get3A_299 = tpu.vector_load %arg11[%get3A_298] {strides = array<i32>} : memref<8192xf32, #tpu.memory_space<vmem>>, vector<16xf32>,
      %get3A_300 = vector.shape_cast %get3A_299 : vector<16xf32> to vector<16xf32>
      %sub3A_301 = arith.subf %get3A_291, %get3A_294 : vector<16xf32>
      %sub3A_302 = arith.subf %get3A_297, %get3A_300 : vector<16xf32>
      %mul3A_303 = arith.mulf %sub3A_301, %sub3A_301 : vector<16xf32>
      %mul3A_304 = arith.mulf %sub3A_302, %sub3A_302 : vector<16xf32>
      %add3A_305 = arith.addf %mul3A_303, %mul3A_304 : vector<16xf32>
      %ne3A_306 = arith.constant 0.000000e+00 : f32
      %ne3A_307 = vector.broadcast %ne3A_306 : f32 to vector<16xf32>
      %ne3A_308 = arith.cmpf one, %get3A_300, %ne3A_307 : vector<16xf32>
      %jit3A_309 = arith.constant 0.000000e+00 : f32
      %broadcast_in_dim3A_310 = vector.broadcast %jit3A_309 : f32 to vector<16xf32>
      %select_n3A_311 = arith.select %ne3A_308, %add3A_305, %broadcast_in_dim3A_310 : vector<16xi1>, vector<16xf32>
      %add3A_312 = arith.addf %add3A_284, %select_n3A_311 : vector<16xf32>
      scf.yield %add3A_312 : vector<16xf32>
    }
    %scan3A_72 = arith.constant 32 : i32
    %dma_wait3A_73 = arith.constant 0 : i32
    %dma_wait3A_74 = tpu.memref_slice %arg2[%dma_wait3A_73] : memref<8388608xf32, #tpu.memory_space<hbm>> -> memref<8192xf32, #tpu.memory_space<hbm>>
    %dma_wait3A_75 = arith.constant 0 : i32
    %dma_wait3A_76 = tpu.memref_slice %arg2[%dma_wait3A_75] : memref<8388608xf32, #tpu.memory_space<hbm>> -> memref<8192xf32, #tpu.memory_space<hbm>>
    tpu.wait_dma2 semaphore(%arg17 : memref<!tpu.dma_semaphore, #tpu.memory_space<semaphore_mem>>) src(%dma_wait3A_76 : memref<8192xf32, #tpu.memory_space<hbm>>) dst(%arg8 : memref<8192xf32, #tpu.memory_space<vmem>>)
    %dma_wait3A_77 = arith.constant 0 : i32
    %dma_wait3A_78 = tpu.memref_slice %arg3[%dma_wait3A_77] : memref<8388608xf32, #tpu.memory_space<hbm>> -> memref<8192xf32, #tpu.memory_space<hbm>>
    %dma_wait3A_79 = arith.constant 0 : i32
    %dma_wait3A_80 = tpu.memref_slice %arg3[%dma_wait3A_79] : memref<8388608xf32, #tpu.memory_space<hbm>> -> memref<8192xf32, #tpu.memory_space<hbm>>
    tpu.wait_dma2 semaphore(%arg21 : memref<!tpu.dma_semaphore, #tpu.memory_space<semaphore_mem>>) src(%dma_wait3A_80 : memref<8192xf32, #tpu.memory_space<hbm>>) dst(%arg12 : memref<8192xf32, #tpu.memory_space<vmem>>)
    %scan3A_81 = arith.constant 0 : i32
    %scan3A_82 = arith.constant 32 : i32
    %scan3A_83 = arith.addi %scan3A_81, %scan3A_82 : i32
    %scan3A_84 = arith.constant 1 : i32
    %scan3A_85 = scf.for %scan3A_90 = %scan3A_81 to %scan3A_83 step %scan3A_84 iter_args(%scan3A_91 = %scan3A_71) -> (vector<16xf32>)  : i32 {
      %mul3A_92 = arith.constant 256 : i32
      %mul3A_93 = arith.muli %scan3A_90, %mul3A_92 : i32
      %add3A_94 = arith.constant 0 : i32
      %add3A_95 = arith.addi %mul3A_93, %add3A_94 : i32
      %add3A_96 = arith.constant 128 : i32
      %add3A_97 = arith.addi %add3A_95, %add3A_96 : i32
      %get3A = arith.index_cast %add3A_95 : i32 to index
      %get3A_98 = tpu.vector_load %arg8[%get3A] {strides = array<i32>} : memref<8192xf32, #tpu.memory_space<vmem>>, vector<16xf32>,
      %get3A_99 = vector.shape_cast %get3A_98 : vector<16xf32> to vector<16xf32>
      %get3A_100 = arith.index_cast %add3A_95 : i32 to index
      %get3A_101 = tpu.vector_load %arg12[%get3A_100] {strides = array<i32>} : memref<8192xf32, #tpu.memory_space<vmem>>, vector<16xf32>,
      %get3A_102 = vector.shape_cast %get3A_101 : vector<16xf32> to vector<16xf32>
      %get3A_103 = arith.index_cast %add3A_97 : i32 to index
      %get3A_104 = tpu.vector_load %arg8[%get3A_103] {strides = array<i32>} : memref<8192xf32, #tpu.memory_space<vmem>>, vector<16xf32>,
      %get3A_105 = vector.shape_cast %get3A_104 : vector<16xf32> to vector<16xf32>
      %get3A_106 = arith.index_cast %add3A_97 : i32 to index
      %get3A_107 = tpu.vector_load %arg12[%get3A_106] {strides = array<i32>} : memref<8192xf32, #tpu.memory_space<vmem>>, vector<16xf32>,
      %get3A_108 = vector.shape_cast %get3A_107 : vector<16xf32> to vector<16xf32>
      %sub3A = arith.subf %get3A_99, %get3A_102 : vector<16xf32>
      %sub3A_109 = arith.subf %get3A_105, %get3A_108 : vector<16xf32>
      %mul3A_110 = arith.mulf %sub3A, %sub3A : vector<16xf32>
      %mul3A_111 = arith.mulf %sub3A_109, %sub3A_109 : vector<16xf32>
      %add3A_112 = arith.addf %mul3A_110, %mul3A_111 : vector<16xf32>
      %ne3A = arith.constant 0.000000e+00 : f32
      %ne3A_113 = vector.broadcast %ne3A : f32 to vector<16xf32>
      %ne3A_114 = arith.cmpf one, %get3A_108, %ne3A_113 : vector<16xf32>
      %jit3A = arith.constant 0.000000e+00 : f32
      %broadcast_in_dim3A_115 = vector.broadcast %jit3A : f32 to vector<16xf32>
      %select_n3A = arith.select %ne3A_114, %add3A_112, %broadcast_in_dim3A_115 : vector<16xi1>, vector<16xf32>
      %add3A_116 = arith.addf %scan3A_91, %select_n3A : vector<16xf32>
      %add3A_117 = arith.constant 16 : i32
      %add3A_118 = arith.addi %mul3A_93, %add3A_117 : i32
      %add3A_119 = arith.constant 128 : i32
      %add3A_120 = arith.addi %add3A_118, %add3A_119 : i32
      %get3A_121 = arith.index_cast %add3A_118 : i32 to index
      %get3A_122 = tpu.vector_load %arg8[%get3A_121] {strides = array<i32>} : memref<8192xf32, #tpu.memory_space<vmem>>, vector<16xf32>,
      %get3A_123 = vector.shape_cast %get3A_122 : vector<16xf32> to vector<16xf32>
      %get3A_124 = arith.index_cast %add3A_118 : i32 to index
      %get3A_125 = tpu.vector_load %arg12[%get3A_124] {strides = array<i32>} : memref<8192xf32, #tpu.memory_space<vmem>>, vector<16xf32>,
      %get3A_126 = vector.shape_cast %get3A_125 : vector<16xf32> to vector<16xf32>
      %get3A_127 = arith.index_cast %add3A_120 : i32 to index
      %get3A_128 = tpu.vector_load %arg8[%get3A_127] {strides = array<i32>} : memref<8192xf32, #tpu.memory_space<vmem>>, vector<16xf32>,
      %get3A_129 = vector.shape_cast %get3A_128 : vector<16xf32> to vector<16xf32>
      %get3A_130 = arith.index_cast %add3A_120 : i32 to index
      %get3A_131 = tpu.vector_load %arg12[%get3A_130] {strides = array<i32>} : memref<8192xf32, #tpu.memory_space<vmem>>, vector<16xf32>,
      %get3A_132 = vector.shape_cast %get3A_131 : vector<16xf32> to vector<16xf32>
      %sub3A_133 = arith.subf %get3A_123, %get3A_126 : vector<16xf32>
      %sub3A_134 = arith.subf %get3A_129, %get3A_132 : vector<16xf32>
      %mul3A_135 = arith.mulf %sub3A_133, %sub3A_133 : vector<16xf32>
      %mul3A_136 = arith.mulf %sub3A_134, %sub3A_134 : vector<16xf32>
      %add3A_137 = arith.addf %mul3A_135, %mul3A_136 : vector<16xf32>
      %ne3A_138 = arith.constant 0.000000e+00 : f32
      %ne3A_139 = vector.broadcast %ne3A_138 : f32 to vector<16xf32>
      %ne3A_140 = arith.cmpf one, %get3A_132, %ne3A_139 : vector<16xf32>
      %jit3A_141 = arith.constant 0.000000e+00 : f32
      %broadcast_in_dim3A_142 = vector.broadcast %jit3A_141 : f32 to vector<16xf32>
      %select_n3A_143 = arith.select %ne3A_140, %add3A_137, %broadcast_in_dim3A_142 : vector<16xi1>, vector<16xf32>
      %add3A_144 = arith.addf %add3A_116, %select_n3A_143 : vector<16xf32>
      %add3A_145 = arith.constant 32 : i32
      %add3A_146 = arith.addi %mul3A_93, %add3A_145 : i32
      %add3A_147 = arith.constant 128 : i32
      %add3A_148 = arith.addi %add3A_146, %add3A_147 : i32
      %get3A_149 = arith.index_cast %add3A_146 : i32 to index
      %get3A_150 = tpu.vector_load %arg8[%get3A_149] {strides = array<i32>} : memref<8192xf32, #tpu.memory_space<vmem>>, vector<16xf32>,
      %get3A_151 = vector.shape_cast %get3A_150 : vector<16xf32> to vector<16xf32>
      %get3A_152 = arith.index_cast %add3A_146 : i32 to index
      %get3A_153 = tpu.vector_load %arg12[%get3A_152] {strides = array<i32>} : memref<8192xf32, #tpu.memory_space<vmem>>, vector<16xf32>,
      %get3A_154 = vector.shape_cast %get3A_153 : vector<16xf32> to vector<16xf32>
      %get3A_155 = arith.index_cast %add3A_148 : i32 to index
      %get3A_156 = tpu.vector_load %arg8[%get3A_155] {strides = array<i32>} : memref<8192xf32, #tpu.memory_space<vmem>>, vector<16xf32>,
      %get3A_157 = vector.shape_cast %get3A_156 : vector<16xf32> to vector<16xf32>
      %get3A_158 = arith.index_cast %add3A_148 : i32 to index
      %get3A_159 = tpu.vector_load %arg12[%get3A_158] {strides = array<i32>} : memref<8192xf32, #tpu.memory_space<vmem>>, vector<16xf32>,
      %get3A_160 = vector.shape_cast %get3A_159 : vector<16xf32> to vector<16xf32>
      %sub3A_161 = arith.subf %get3A_151, %get3A_154 : vector<16xf32>
      %sub3A_162 = arith.subf %get3A_157, %get3A_160 : vector<16xf32>
      %mul3A_163 = arith.mulf %sub3A_161, %sub3A_161 : vector<16xf32>
      %mul3A_164 = arith.mulf %sub3A_162, %sub3A_162 : vector<16xf32>
      %add3A_165 = arith.addf %mul3A_163, %mul3A_164 : vector<16xf32>
      %ne3A_166 = arith.constant 0.000000e+00 : f32
      %ne3A_167 = vector.broadcast %ne3A_166 : f32 to vector<16xf32>
      %ne3A_168 = arith.cmpf one, %get3A_160, %ne3A_167 : vector<16xf32>
      %jit3A_169 = arith.constant 0.000000e+00 : f32
      %broadcast_in_dim3A_170 = vector.broadcast %jit3A_169 : f32 to vector<16xf32>
      %select_n3A_171 = arith.select %ne3A_168, %add3A_165, %broadcast_in_dim3A_170 : vector<16xi1>, vector<16xf32>
      %add3A_172 = arith.addf %add3A_144, %select_n3A_171 : vector<16xf32>
      %add3A_173 = arith.constant 48 : i32
      %add3A_174 = arith.addi %mul3A_93, %add3A_173 : i32
      %add3A_175 = arith.constant 128 : i32
      %add3A_176 = arith.addi %add3A_174, %add3A_175 : i32
      %get3A_177 = arith.index_cast %add3A_174 : i32 to index
      %get3A_178 = tpu.vector_load %arg8[%get3A_177] {strides = array<i32>} : memref<8192xf32, #tpu.memory_space<vmem>>, vector<16xf32>,
      %get3A_179 = vector.shape_cast %get3A_178 : vector<16xf32> to vector<16xf32>
      %get3A_180 = arith.index_cast %add3A_174 : i32 to index
      %get3A_181 = tpu.vector_load %arg12[%get3A_180] {strides = array<i32>} : memref<8192xf32, #tpu.memory_space<vmem>>, vector<16xf32>,
      %get3A_182 = vector.shape_cast %get3A_181 : vector<16xf32> to vector<16xf32>
      %get3A_183 = arith.index_cast %add3A_176 : i32 to index
      %get3A_184 = tpu.vector_load %arg8[%get3A_183] {strides = array<i32>} : memref<8192xf32, #tpu.memory_space<vmem>>, vector<16xf32>,
      %get3A_185 = vector.shape_cast %get3A_184 : vector<16xf32> to vector<16xf32>
      %get3A_186 = arith.index_cast %add3A_176 : i32 to index
      %get3A_187 = tpu.vector_load %arg12[%get3A_186] {strides = array<i32>} : memref<8192xf32, #tpu.memory_space<vmem>>, vector<16xf32>,
      %get3A_188 = vector.shape_cast %get3A_187 : vector<16xf32> to vector<16xf32>
      %sub3A_189 = arith.subf %get3A_179, %get3A_182 : vector<16xf32>
      %sub3A_190 = arith.subf %get3A_185, %get3A_188 : vector<16xf32>
      %mul3A_191 = arith.mulf %sub3A_189, %sub3A_189 : vector<16xf32>
      %mul3A_192 = arith.mulf %sub3A_190, %sub3A_190 : vector<16xf32>
      %add3A_193 = arith.addf %mul3A_191, %mul3A_192 : vector<16xf32>
      %ne3A_194 = arith.constant 0.000000e+00 : f32
      %ne3A_195 = vector.broadcast %ne3A_194 : f32 to vector<16xf32>
      %ne3A_196 = arith.cmpf one, %get3A_188, %ne3A_195 : vector<16xf32>
      %jit3A_197 = arith.constant 0.000000e+00 : f32
      %broadcast_in_dim3A_198 = vector.broadcast %jit3A_197 : f32 to vector<16xf32>
      %select_n3A_199 = arith.select %ne3A_196, %add3A_193, %broadcast_in_dim3A_198 : vector<16xi1>, vector<16xf32>
      %add3A_200 = arith.addf %add3A_172, %select_n3A_199 : vector<16xf32>
      %add3A_201 = arith.constant 64 : i32
      %add3A_202 = arith.addi %mul3A_93, %add3A_201 : i32
      %add3A_203 = arith.constant 128 : i32
      %add3A_204 = arith.addi %add3A_202, %add3A_203 : i32
      %get3A_205 = arith.index_cast %add3A_202 : i32 to index
      %get3A_206 = tpu.vector_load %arg8[%get3A_205] {strides = array<i32>} : memref<8192xf32, #tpu.memory_space<vmem>>, vector<16xf32>,
      %get3A_207 = vector.shape_cast %get3A_206 : vector<16xf32> to vector<16xf32>
      %get3A_208 = arith.index_cast %add3A_202 : i32 to index
      %get3A_209 = tpu.vector_load %arg12[%get3A_208] {strides = array<i32>} : memref<8192xf32, #tpu.memory_space<vmem>>, vector<16xf32>,
      %get3A_210 = vector.shape_cast %get3A_209 : vector<16xf32> to vector<16xf32>
      %get3A_211 = arith.index_cast %add3A_204 : i32 to index
      %get3A_212 = tpu.vector_load %arg8[%get3A_211] {strides = array<i32>} : memref<8192xf32, #tpu.memory_space<vmem>>, vector<16xf32>,
      %get3A_213 = vector.shape_cast %get3A_212 : vector<16xf32> to vector<16xf32>
      %get3A_214 = arith.index_cast %add3A_204 : i32 to index
      %get3A_215 = tpu.vector_load %arg12[%get3A_214] {strides = array<i32>} : memref<8192xf32, #tpu.memory_space<vmem>>, vector<16xf32>,
      %get3A_216 = vector.shape_cast %get3A_215 : vector<16xf32> to vector<16xf32>
      %sub3A_217 = arith.subf %get3A_207, %get3A_210 : vector<16xf32>
      %sub3A_218 = arith.subf %get3A_213, %get3A_216 : vector<16xf32>
      %mul3A_219 = arith.mulf %sub3A_217, %sub3A_217 : vector<16xf32>
      %mul3A_220 = arith.mulf %sub3A_218, %sub3A_218 : vector<16xf32>
      %add3A_221 = arith.addf %mul3A_219, %mul3A_220 : vector<16xf32>
      %ne3A_222 = arith.constant 0.000000e+00 : f32
      %ne3A_223 = vector.broadcast %ne3A_222 : f32 to vector<16xf32>
      %ne3A_224 = arith.cmpf one, %get3A_216, %ne3A_223 : vector<16xf32>
      %jit3A_225 = arith.constant 0.000000e+00 : f32
      %broadcast_in_dim3A_226 = vector.broadcast %jit3A_225 : f32 to vector<16xf32>
      %select_n3A_227 = arith.select %ne3A_224, %add3A_221, %broadcast_in_dim3A_226 : vector<16xi1>, vector<16xf32>
      %add3A_228 = arith.addf %add3A_200, %select_n3A_227 : vector<16xf32>
      %add3A_229 = arith.constant 80 : i32
      %add3A_230 = arith.addi %mul3A_93, %add3A_229 : i32
      %add3A_231 = arith.constant 128 : i32
      %add3A_232 = arith.addi %add3A_230, %add3A_231 : i32
      %get3A_233 = arith.index_cast %add3A_230 : i32 to index
      %get3A_234 = tpu.vector_load %arg8[%get3A_233] {strides = array<i32>} : memref<8192xf32, #tpu.memory_space<vmem>>, vector<16xf32>,
      %get3A_235 = vector.shape_cast %get3A_234 : vector<16xf32> to vector<16xf32>
      %get3A_236 = arith.index_cast %add3A_230 : i32 to index
      %get3A_237 = tpu.vector_load %arg12[%get3A_236] {strides = array<i32>} : memref<8192xf32, #tpu.memory_space<vmem>>, vector<16xf32>,
      %get3A_238 = vector.shape_cast %get3A_237 : vector<16xf32> to vector<16xf32>
      %get3A_239 = arith.index_cast %add3A_232 : i32 to index
      %get3A_240 = tpu.vector_load %arg8[%get3A_239] {strides = array<i32>} : memref<8192xf32, #tpu.memory_space<vmem>>, vector<16xf32>,
      %get3A_241 = vector.shape_cast %get3A_240 : vector<16xf32> to vector<16xf32>
      %get3A_242 = arith.index_cast %add3A_232 : i32 to index
      %get3A_243 = tpu.vector_load %arg12[%get3A_242] {strides = array<i32>} : memref<8192xf32, #tpu.memory_space<vmem>>, vector<16xf32>,
      %get3A_244 = vector.shape_cast %get3A_243 : vector<16xf32> to vector<16xf32>
      %sub3A_245 = arith.subf %get3A_235, %get3A_238 : vector<16xf32>
      %sub3A_246 = arith.subf %get3A_241, %get3A_244 : vector<16xf32>
      %mul3A_247 = arith.mulf %sub3A_245, %sub3A_245 : vector<16xf32>
      %mul3A_248 = arith.mulf %sub3A_246, %sub3A_246 : vector<16xf32>
      %add3A_249 = arith.addf %mul3A_247, %mul3A_248 : vector<16xf32>
      %ne3A_250 = arith.constant 0.000000e+00 : f32
      %ne3A_251 = vector.broadcast %ne3A_250 : f32 to vector<16xf32>
      %ne3A_252 = arith.cmpf one, %get3A_244, %ne3A_251 : vector<16xf32>
      %jit3A_253 = arith.constant 0.000000e+00 : f32
      %broadcast_in_dim3A_254 = vector.broadcast %jit3A_253 : f32 to vector<16xf32>
      %select_n3A_255 = arith.select %ne3A_252, %add3A_249, %broadcast_in_dim3A_254 : vector<16xi1>, vector<16xf32>
      %add3A_256 = arith.addf %add3A_228, %select_n3A_255 : vector<16xf32>
      %add3A_257 = arith.constant 96 : i32
      %add3A_258 = arith.addi %mul3A_93, %add3A_257 : i32
      %add3A_259 = arith.constant 128 : i32
      %add3A_260 = arith.addi %add3A_258, %add3A_259 : i32
      %get3A_261 = arith.index_cast %add3A_258 : i32 to index
      %get3A_262 = tpu.vector_load %arg8[%get3A_261] {strides = array<i32>} : memref<8192xf32, #tpu.memory_space<vmem>>, vector<16xf32>,
      %get3A_263 = vector.shape_cast %get3A_262 : vector<16xf32> to vector<16xf32>
      %get3A_264 = arith.index_cast %add3A_258 : i32 to index
      %get3A_265 = tpu.vector_load %arg12[%get3A_264] {strides = array<i32>} : memref<8192xf32, #tpu.memory_space<vmem>>, vector<16xf32>,
      %get3A_266 = vector.shape_cast %get3A_265 : vector<16xf32> to vector<16xf32>
      %get3A_267 = arith.index_cast %add3A_260 : i32 to index
      %get3A_268 = tpu.vector_load %arg8[%get3A_267] {strides = array<i32>} : memref<8192xf32, #tpu.memory_space<vmem>>, vector<16xf32>,
      %get3A_269 = vector.shape_cast %get3A_268 : vector<16xf32> to vector<16xf32>
      %get3A_270 = arith.index_cast %add3A_260 : i32 to index
      %get3A_271 = tpu.vector_load %arg12[%get3A_270] {strides = array<i32>} : memref<8192xf32, #tpu.memory_space<vmem>>, vector<16xf32>,
      %get3A_272 = vector.shape_cast %get3A_271 : vector<16xf32> to vector<16xf32>
      %sub3A_273 = arith.subf %get3A_263, %get3A_266 : vector<16xf32>
      %sub3A_274 = arith.subf %get3A_269, %get3A_272 : vector<16xf32>
      %mul3A_275 = arith.mulf %sub3A_273, %sub3A_273 : vector<16xf32>
      %mul3A_276 = arith.mulf %sub3A_274, %sub3A_274 : vector<16xf32>
      %add3A_277 = arith.addf %mul3A_275, %mul3A_276 : vector<16xf32>
      %ne3A_278 = arith.constant 0.000000e+00 : f32
      %ne3A_279 = vector.broadcast %ne3A_278 : f32 to vector<16xf32>
      %ne3A_280 = arith.cmpf one, %get3A_272, %ne3A_279 : vector<16xf32>
      %jit3A_281 = arith.constant 0.000000e+00 : f32
      %broadcast_in_dim3A_282 = vector.broadcast %jit3A_281 : f32 to vector<16xf32>
      %select_n3A_283 = arith.select %ne3A_280, %add3A_277, %broadcast_in_dim3A_282 : vector<16xi1>, vector<16xf32>
      %add3A_284 = arith.addf %add3A_256, %select_n3A_283 : vector<16xf32>
      %add3A_285 = arith.constant 112 : i32
      %add3A_286 = arith.addi %mul3A_93, %add3A_285 : i32
      %add3A_287 = arith.constant 128 : i32
      %add3A_288 = arith.addi %add3A_286, %add3A_287 : i32
      %get3A_289 = arith.index_cast %add3A_286 : i32 to index
      %get3A_290 = tpu.vector_load %arg8[%get3A_289] {strides = array<i32>} : memref<8192xf32, #tpu.memory_space<vmem>>, vector<16xf32>,
      %get3A_291 = vector.shape_cast %get3A_290 : vector<16xf32> to vector<16xf32>
      %get3A_292 = arith.index_cast %add3A_286 : i32 to index
      %get3A_293 = tpu.vector_load %arg12[%get3A_292] {strides = array<i32>} : memref<8192xf32, #tpu.memory_space<vmem>>, vector<16xf32>,
      %get3A_294 = vector.shape_cast %get3A_293 : vector<16xf32> to vector<16xf32>
      %get3A_295 = arith.index_cast %add3A_288 : i32 to index
      %get3A_296 = tpu.vector_load %arg8[%get3A_295] {strides = array<i32>} : memref<8192xf32, #tpu.memory_space<vmem>>, vector<16xf32>,
      %get3A_297 = vector.shape_cast %get3A_296 : vector<16xf32> to vector<16xf32>
      %get3A_298 = arith.index_cast %add3A_288 : i32 to index
      %get3A_299 = tpu.vector_load %arg12[%get3A_298] {strides = array<i32>} : memref<8192xf32, #tpu.memory_space<vmem>>, vector<16xf32>,
      %get3A_300 = vector.shape_cast %get3A_299 : vector<16xf32> to vector<16xf32>
      %sub3A_301 = arith.subf %get3A_291, %get3A_294 : vector<16xf32>
      %sub3A_302 = arith.subf %get3A_297, %get3A_300 : vector<16xf32>
      %mul3A_303 = arith.mulf %sub3A_301, %sub3A_301 : vector<16xf32>
      %mul3A_304 = arith.mulf %sub3A_302, %sub3A_302 : vector<16xf32>
      %add3A_305 = arith.addf %mul3A_303, %mul3A_304 : vector<16xf32>
      %ne3A_306 = arith.constant 0.000000e+00 : f32
      %ne3A_307 = vector.broadcast %ne3A_306 : f32 to vector<16xf32>
      %ne3A_308 = arith.cmpf one, %get3A_300, %ne3A_307 : vector<16xf32>
      %jit3A_309 = arith.constant 0.000000e+00 : f32
      %broadcast_in_dim3A_310 = vector.broadcast %jit3A_309 : f32 to vector<16xf32>
      %select_n3A_311 = arith.select %ne3A_308, %add3A_305, %broadcast_in_dim3A_310 : vector<16xi1>, vector<16xf32>
      %add3A_312 = arith.addf %add3A_284, %select_n3A_311 : vector<16xf32>
      scf.yield %add3A_312 : vector<16xf32>
    }
    %scan3A_86 = arith.constant 32 : i32
    %swap3A = arith.constant 0 : index
    %swap3A_87 = tpu.vector_load %arg13[%swap3A] {strides = array<i32>} : memref<16xf32, #tpu.memory_space<vmem>>, vector<16xf32>,
    %swap3A_88 = vector.shape_cast %swap3A_87 : vector<16xf32> to vector<16xf32>
    %swap3A_89 = vector.shape_cast %scan3A_85 : vector<16xf32> to vector<16xf32>
    tpu.vector_store %arg13[%swap3A], %swap3A_89 {strides = array<i32>} : memref<16xf32, #tpu.memory_space<vmem>>, vector<16xf32>,
    "tpu.region"() ({
      %run_scoped3A = tpu.sem_alloc : memref<!tpu.dma_semaphore, #tpu.memory_space<semaphore_mem>>
      %dma_start3A_90 = arith.constant 0 : i32
      %dma_start3A_91 = tpu.memref_slice %arg4[%add3A, %dma_start3A_90] : memref<16x16xf32, #tpu.memory_space<hbm>> -> memref<1x16xf32, #tpu.memory_space<hbm>>
      %dma_start3A_92 = tpu.memref_squeeze %dma_start3A_91 : memref<1x16xf32, #tpu.memory_space<hbm>> -> memref<16xf32, #tpu.memory_space<hbm>>
      %dma_start3A_93 = arith.constant 0 : i32
      %dma_start3A_94 = tpu.memref_slice %arg4[%add3A, %dma_start3A_93] : memref<16x16xf32, #tpu.memory_space<hbm>> -> memref<1x16xf32, #tpu.memory_space<hbm>>
      %dma_start3A_95 = tpu.memref_squeeze %dma_start3A_94 : memref<1x16xf32, #tpu.memory_space<hbm>> -> memref<16xf32, #tpu.memory_space<hbm>>
      tpu.enqueue_dma source(%arg13 : memref<16xf32, #tpu.memory_space<vmem>>) target(%dma_start3A_95 : memref<16xf32, #tpu.memory_space<hbm>>) target_semaphore(%run_scoped3A : memref<!tpu.dma_semaphore, #tpu.memory_space<semaphore_mem>>)
      %dma_wait3A_96 = arith.constant 0 : i32
      %dma_wait3A_97 = tpu.memref_slice %arg4[%add3A, %dma_wait3A_96] : memref<16x16xf32, #tpu.memory_space<hbm>> -> memref<1x16xf32, #tpu.memory_space<hbm>>
      %dma_wait3A_98 = tpu.memref_squeeze %dma_wait3A_97 : memref<1x16xf32, #tpu.memory_space<hbm>> -> memref<16xf32, #tpu.memory_space<hbm>>
      %dma_wait3A_99 = arith.constant 0 : i32
      %dma_wait3A_100 = tpu.memref_slice %arg4[%add3A, %dma_wait3A_99] : memref<16x16xf32, #tpu.memory_space<hbm>> -> memref<1x16xf32, #tpu.memory_space<hbm>>
      %dma_wait3A_101 = tpu.memref_squeeze %dma_wait3A_100 : memref<1x16xf32, #tpu.memory_space<hbm>> -> memref<16xf32, #tpu.memory_space<hbm>>
      tpu.wait_dma2 semaphore(%run_scoped3A : memref<!tpu.dma_semaphore, #tpu.memory_space<semaphore_mem>>) src(%arg13 : memref<16xf32, #tpu.memory_space<vmem>>) dst(%dma_wait3A_101 : memref<16xf32, #tpu.memory_space<hbm>>)
      tpu.yield
    }) : () -> ()
    return
  }
}

module attributes {stable_mosaic.version = 14 : i64} {
  func.func @_tc_body(%arg0: i32, %arg1: memref<64x2x4096xf32, #tpu.memory_space<vmem>>, %arg2: memref<64x2x4096xf32, #tpu.memory_space<vmem>>, %arg3: memref<1x1xf32, #tpu.memory_space<smem>>) attributes {dimension_semantics = [#tpu.dimension_semantics<arbitrary>], iteration_bounds = array<i64: 11>, scalar_prefetch = 0 : i64, scratch_operands = 0 : i64, tpu.core_type = #tpu.core_type<tc>, window_params = [{transform_indices = @transform_0, window_bounds = array<i64: 64, 2, 4096>}, {transform_indices = @transform_1, window_bounds = array<i64: 64, 2, 4096>}, {transform_indices = @transform_2, window_bounds = array<i64: 1, 1>}]} {
    %get3A = arith.constant 0 : index
    %get3A_0 = arith.constant 0 : index
    %get3A_1 = arith.constant 0 : index
    %get3A_2 = vector.load %arg1[%get3A, %get3A_0, %get3A_1] : memref<64x2x4096xf32, #tpu.memory_space<vmem>>, vector<64x1x4096xf32>
    %get3A_3 = vector.shape_cast %get3A_2 : vector<64x1x4096xf32> to vector<64x4096xf32>
    %get3A_4 = arith.constant 0 : index
    %get3A_5 = arith.constant 1 : index
    %get3A_6 = arith.constant 0 : index
    %get3A_7 = vector.load %arg1[%get3A_4, %get3A_5, %get3A_6] : memref<64x2x4096xf32, #tpu.memory_space<vmem>>, vector<64x1x4096xf32>
    %get3A_8 = vector.shape_cast %get3A_7 : vector<64x1x4096xf32> to vector<64x4096xf32>
    %get3A_9 = arith.constant 0 : index
    %get3A_10 = arith.constant 0 : index
    %get3A_11 = arith.constant 0 : index
    %get3A_12 = vector.load %arg2[%get3A_9, %get3A_10, %get3A_11] : memref<64x2x4096xf32, #tpu.memory_space<vmem>>, vector<64x1x4096xf32>
    %get3A_13 = vector.shape_cast %get3A_12 : vector<64x1x4096xf32> to vector<64x4096xf32>
    %get3A_14 = arith.constant 0 : index
    %get3A_15 = arith.constant 1 : index
    %get3A_16 = arith.constant 0 : index
    %get3A_17 = vector.load %arg2[%get3A_14, %get3A_15, %get3A_16] : memref<64x2x4096xf32, #tpu.memory_space<vmem>>, vector<64x1x4096xf32>
    %get3A_18 = vector.shape_cast %get3A_17 : vector<64x1x4096xf32> to vector<64x4096xf32>
    %ne3A = arith.constant 0.000000e+00 : f32
    %ne3A_19 = vector.broadcast %ne3A : f32 to vector<64x4096xf32>
    %ne3A_20 = arith.cmpf one, %get3A_18, %ne3A_19 : vector<64x4096xf32>
    %sub3A = arith.subf %get3A_3, %get3A_13 : vector<64x4096xf32>
    %integer_pow3A = arith.mulf %sub3A, %sub3A : vector<64x4096xf32>
    %sub3A_21 = arith.subf %get3A_8, %get3A_18 : vector<64x4096xf32>
    %integer_pow3A_22 = arith.mulf %sub3A_21, %sub3A_21 : vector<64x4096xf32>
    %add3A = arith.addf %integer_pow3A, %integer_pow3A_22 : vector<64x4096xf32>
    %jit3A = arith.constant 0.000000e+00 : f32
    %broadcast_in_dim3A = vector.broadcast %jit3A : f32 to vector<64x4096xf32>
    %select_n3A = arith.select %ne3A_20, %add3A, %broadcast_in_dim3A : vector<64x4096xi1>, vector<64x4096xf32>
    %reduce_sum3A = vector.shape_cast %select_n3A : vector<64x4096xf32> to vector<1x64x4096xf32>
    %reduce_sum3A_23 = arith.constant dense<0.000000e+00> : vector<1xf32>
    %reduce_sum3A_24 = vector.multi_reduction <add>, %reduce_sum3A, %reduce_sum3A_23 [1, 2] : vector<1x64x4096xf32> to vector<1xf32>
    %reduce_sum3A_25 = vector.shape_cast %reduce_sum3A_24 : vector<1xf32> to vector<1x1x1xf32>
    %reduce_sum3A_26 = vector.extract %reduce_sum3A_25[0, 0, 0] : f32 from vector<1x1x1xf32>
    %eq3A = arith.constant 0 : i32
    %eq3A_27 = arith.cmpi eq, %arg0, %eq3A : i32
    %convert_element_type3A = arith.extui %eq3A_27 : i1 to i32
    %cond3A = arith.constant 0 : i32
    %cond3A_28 = arith.cmpi ne, %convert_element_type3A, %cond3A : i32
    scf.if %cond3A_28 {
      %swap3A_35 = arith.constant 0.000000e+00 : f32
      %swap3A_36 = arith.constant 0 : index
      %swap3A_37 = arith.constant 0 : index
      %swap3A_38 = memref.load %arg3[%swap3A_36, %swap3A_37] : memref<1x1xf32, #tpu.memory_space<smem>>
      memref.store %swap3A_35, %arg3[%swap3A_36, %swap3A_37] : memref<1x1xf32, #tpu.memory_space<smem>>
    } else {
    }
    %get3A_29 = arith.constant 0 : index
    %get3A_30 = arith.constant 0 : index
    %get3A_31 = memref.load %arg3[%get3A_29, %get3A_30] : memref<1x1xf32, #tpu.memory_space<smem>>
    %add3A_32 = arith.addf %get3A_31, %reduce_sum3A_26 : f32
    %swap3A = arith.constant 0 : index
    %swap3A_33 = arith.constant 0 : index
    %swap3A_34 = memref.load %arg3[%swap3A, %swap3A_33] : memref<1x1xf32, #tpu.memory_space<smem>>
    memref.store %add3A_32, %arg3[%swap3A, %swap3A_33] : memref<1x1xf32, #tpu.memory_space<smem>>
    return
  }
  func.func @transform_0(%arg0: i32) -> (i32, i32, i32) {
    %add3A = arith.constant 5 : i32
    %add3A_0 = arith.addi %arg0, %add3A : i32
    %c0_i32 = arith.constant 0 : i32
    %c0_i32_1 = arith.constant 0 : i32
    %c0_i32_2 = arith.constant 0 : i32
    return %add3A_0, %c0_i32, %c0_i32_1 : i32, i32, i32
  }
  func.func @transform_1(%arg0: i32) -> (i32, i32, i32) {
    %add3A = arith.constant 5 : i32
    %add3A_0 = arith.addi %arg0, %add3A : i32
    %c0_i32 = arith.constant 0 : i32
    %c0_i32_1 = arith.constant 0 : i32
    %c0_i32_2 = arith.constant 0 : i32
    return %add3A_0, %c0_i32, %c0_i32_1 : i32, i32, i32
  }
  func.func @transform_2(%arg0: i32) -> (i32, i32) {
    %c0_i32 = arith.constant 0 : i32
    %c0_i32_0 = arith.constant 0 : i32
    %c0_i32_1 = arith.constant 0 : i32
    return %c0_i32, %c0_i32_0 : i32, i32
  }
}

</mosaic_0001>

<sc_bundles>
// kernel: kernel.4.cloned.1.call-start
scs
__scs_entry_jumppad:
0x0: {  	(pc) =	sbr.rel $0x88, $3  }
0x1: {  	(tag) =	ssettag $0x0;
	lr =	simm.s32 $0x1  }
0x2: {  	[smem:$0x3F9F] =	sst lr;
	_ =	strace $0xD0000000  }
0x3: {  	_ = 	snop  }
0x4: {  	_ = 	snop  }
0x5: {  	_ = 	snop  }
0x6: {  	_ = 	snop  }
0x7: {  	_ = 	snop  }
__scs_overlays_trampoline_lowered:
0x8: {  	[smem:$0x3FAE] =	sst s0  }
0x9: {  	[smem:$0x3FAF] =	sst s1  }
0xa: {  	[smem:$0x3FB0] =	sst s2  }
0xb: {  	[smem:$0x3FB1] =	sst s3  }
0xc: {  	[smem:$0x3FB2] =	sst s4  }
0xd: {  	[smem:$0x3FB3] =	sst s5  }
0xe: {  	[smem:$0x3FB4] =	sst s6  }
0xf: {  	[smem:$0x3FB5] =	sst s7  }
0x10: {  	[smem:$0x3FB6] =	sst s8  }
0x11: {  	[smem:$0x3FB7] =	sst s9;
	s0 =	simm.s32 @!p0 $0x0  }
0x12: {  	s1 =	sld [smem:$0x3F9D];
	s0 =	simm.s32 @p0 $0x1  }
0x13: {  	[smem:$0x3FB8] =	sst s0;
	s0 =	simm.s32 @!p1 $0x0  }
0x14: {  	s2 =	sld [smem:$0x3F9C];
	s0 =	simm.s32 @p1 $0x1  }
0x15: {  	[smem:$0x3FB9] =	sst s0;
	s0 =	simm.s32 @!p2 $0x0  }
0x16: {  	s3 =	sld [smem:$0x3FDB];
	s0 =	simm.s32 @p2 $0x1  }
0x17: {  	s4 =	simm.s32 $0x1BF5;
	[smem:$0x3FBB] =	sst s0  }
0x18: {  	s0 =	sld [smem:$0x3F9E];
	_ =	swait.ge [sflag:s4], $0x0  }
0x19: {  	s7 =	sld [smem:$0x3F9F]  }
0x1a: {  	s8 =	sadd.s32 $0xFFFFE003, lr  }
0x1b: {  	s9 =	sadd.s32 $0xFFFFFEF7, lr;
	s5 =	simm.s32 $0xFFFFFFFF;
	p2 =	slt.u32 s8, $0xFFFFF086  }
0x1c: {  	p1 =	slt.u32 s9, $0xF7A;
	s5 =	simm.s32 @!p2 $0x0  }
0x1d: {  	s5 =	simm.s32 @p1 $0x1;
	p0 =	seq.s32 s7, s2  }
0x1e: {  	s7 =	smul.u32 @!p0 $0xF7A, s2;
	p2 =	seq.s32 @!p0 s5, $0x0  }
0x1f: {  	s9 =	smul.u32 $0xF7A, s1;
	s8 =	simm.s32 @!p0 $0x1BF5;
	p2 =	por !p2, p0  }
0x20: {  	[sflag:s8] =	ssyncset.s32 @!p0 $0xFFFFF086;
	s6 =	sadd.s32 @!p0 s3, s7;
	s7 =	simm.s32 @!p0 $0x108  }
0x21: {  	s3 =	sadd.s32 s3, s9;
	s6 =	sadd.s32 @!p0 $0x88, s6;
	s7 =	simm.s32 @p2 $0x1082  }
0x22: {  	[simem:s7], [sflag:s8] =	dma.local @!p0 [hbm:s6], $0xF7A  }
0x23: {  	s9 =	sor.u32 $0xD0000000, s2;
	s6 =	simm.s32 $0x108;
	_ =	swait.ge @!p0 [sflag:s8], $0x0  }
0x24: {  	s3 =	sadd.s32 $0x88, s3;
	s6 =	simm.s32 @!p1 $0x1082;
	[sflag:s4] =	ssyncset.s32 $0xFFFFF086  }
0x25: {  	[simem:s6], [sflag:s4] =	dma.local [hbm:s3], $0xF7A  }
0x26: {  	[smem:$0x3F9F] =	sst s1;
	(tag) =	ssettag s2;
	_ =	strace s9  }
0x27: {  	s1 =	sld [smem:$0x3FAF]  }
0x28: {  	s2 =	sld [smem:$0x3FB0]  }
0x29: {  	s4 =	sld [smem:$0x3FB2]  }
0x2a: {  	p0 =	seq.s32 s5, $0x0;
	s5 =	sld [smem:$0x3FB3]  }
0x2b: {  	s6 =	sld [smem:$0x3FB4]  }
0x2c: {  	s7 =	sld [smem:$0x3FB5]  }
0x2d: {  	s3 =	simm.s32 $0x108;
	s8 =	sld [smem:$0x3FB6]  }
0x2e: {  	s3 =	simm.s32 @!p0 $0x1082;
	s9 =	sld [smem:$0x3FB7]  }
0x2f: {  	lr =	sadd.s32 s0, s3;
	s0 =	sld [smem:$0x3FAE]  }
0x30: {  	s3 =	sld [smem:$0x3FB1]  }
0x31: {  	[smem:$0x3FBA] =	sst s10  }
0x32: {  	s10 =	sld [smem:$0x3FB8];
	_ =	sdelay $0x3  }
0x33: {  	p0 =	seq.s32 s10, $0x1;
	s10 =	sld [smem:$0x3FBA];
	_ =	sdelay $0x3  }
0x34: {  	[smem:$0x3FBA] =	sst s10  }
0x35: {  	s10 =	sld [smem:$0x3FB9];
	_ =	sdelay $0x3  }
0x36: {  	p1 =	seq.s32 s10, $0x1;
	s10 =	sld [smem:$0x3FBA];
	_ =	sdelay $0x3  }
0x37: {  	[smem:$0x3FBA] =	sst s10  }
0x38: {  	s10 =	sld [smem:$0x3FBB]  }
0x39: {  	_ = 	snop;
	(pc) =	sbr.ind lr, $3  }
0x3a: {  	_ = 	snop  }
0x3b: {  	_ = 	snop  }
0x3c: {  	p2 =	seq.s32 s10, $0x1;
	s10 =	sld [smem:$0x3FBA]  }
0x3d: {  	_ =	shalt  }
0x3e: {  	_ =	shalt  }
0x3f: {  	_ =	shalt  }
0x40: {  	_ =	shalt  }
0x41: {  	_ =	shalt  }
0x42: {  	_ =	shalt  }
0x43: {  	_ =	shalt  }
0x44: {  	_ =	shalt  }
0x45: {  	_ =	shalt  }
0x46: {  	_ =	shalt  }
0x47: {  	_ =	shalt  }
0x48: {  	_ =	shalt  }
0x49: {  	_ =	shalt  }
0x4a: {  	_ =	shalt  }
0x4b: {  	_ =	shalt  }
0x4c: {  	_ =	shalt  }
0x4d: {  	_ =	shalt  }
0x4e: {  	_ =	shalt  }
0x4f: {  	_ =	shalt  }
0x50: {  	_ =	shalt  }
0x51: {  	_ =	shalt  }
0x52: {  	_ =	shalt  }
0x53: {  	_ =	shalt  }
0x54: {  	_ =	shalt  }
0x55: {  	_ =	shalt  }
0x56: {  	_ =	shalt  }
0x57: {  	_ =	shalt  }
0x58: {  	_ =	shalt  }
0x59: {  	_ =	shalt  }
0x5a: {  	_ =	shalt  }
0x5b: {  	_ =	shalt  }
0x5c: {  	_ =	shalt  }
0x5d: {  	_ =	shalt  }
0x5e: {  	_ =	shalt  }
0x5f: {  	_ =	shalt  }
0x60: {  	_ =	shalt  }
0x61: {  	_ =	shalt  }
0x62: {  	_ =	shalt  }
0x63: {  	_ =	shalt  }
0x64: {  	_ =	shalt  }
0x65: {  	_ =	shalt  }
0x66: {  	_ =	shalt  }
0x67: {  	_ =	shalt  }
0x68: {  	_ =	shalt  }
0x69: {  	_ =	shalt  }
0x6a: {  	_ =	shalt  }
0x6b: {  	_ =	shalt  }
0x6c: {  	_ =	shalt  }
0x6d: {  	_ =	shalt  }
0x6e: {  	_ =	shalt  }
0x6f: {  	_ =	shalt  }
0x70: {  	_ =	shalt  }
0x71: {  	_ =	shalt  }
0x72: {  	_ =	shalt  }
0x73: {  	_ =	shalt  }
0x74: {  	_ =	shalt  }
0x75: {  	_ =	shalt  }
0x76: {  	_ =	shalt  }
0x77: {  	_ =	shalt  }
0x78: {  	_ =	shalt  }
0x79: {  	_ =	shalt  }
0x7a: {  	_ =	shalt  }
0x7b: {  	_ =	shalt  }
0x7c: {  	_ =	shalt  }
0x7d: {  	_ =	shalt  }
0x7e: {  	_ =	shalt  }
0x7f: {  	_ =	shalt  }
0x80: {  	_ =	shalt  }
0x81: {  	_ =	shalt  }
0x82: {  	_ =	shalt  }
0x83: {  	_ =	shalt  }
0x84: {  	_ =	shalt  }
0x85: {  	_ =	shalt  }
0x86: {  	_ =	shalt  }
0x87: {  	_ =	shalt  }
.Lfunc_end0:
.L_simem_size_0:
called_computation_lowered:
.L_overlay_start_0:
0x88: {  	s0 =	sld [smem:$0x3FD9]  }
0x89: {  	s1 =	sld [smem:$0x3FFE];
	_ =	sdelay $0x3  }
0x8a: {  	s0 =	sadd.s32 s1, s0  }
0x8b: {  	[smem:$0x3FC6] =	sst s0  }
0x8c: {  	_ = 	snop  }
0x8d: {  	s0 =	sld [smem:$0x3FC9]  }
0x8e: {  	s16 =	sld [smem:$0x3FC8];
	(tm) =	ssettm $0x1  }
0x8f: {  	s2 =	sld [smem:$0x3FFB];
	_ =	sdelay $0x3  }
0x90: {  	_ =	strace s2  }
0x91: {  	s2 =	sld [smem:$0x3FFC];
	_ =	sdelay $0x3  }
0x92: {  	_ =	strace s2  }
0x93: {  	s2 =	sld [smem:$0x3FFD];
	_ =	sdelay $0x3  }
0x94: {  	_ =	strace s2  }
0x95: {  	_ =	strace $0x8FFFFFFF  }
0x96: {  	s17 =	sld [smem:$0x3FDB];
	_ =	sdelay $0x1  }
0x97: {  	s3 =	simm.s32 $_scs_section_size  }
0x98: {  	s4 =	simm.s32 $_size__tile_overlayer_lowered;
	s5 =	simm.s32 $_tile_overlayer_lowered  }
0x99: {  	s20 =	simm.s32 $0x1BFF;
	s19 =	sshll.u32 s5, $0x1;
	s2 =	sadd.s32 s3, s17  }
0x9a: {  	s6 =	simm.s32 $0x0;
	s18 =	sshll.u32 s4, $0x1;
	s4 =	sadd.s32 s19, s2  }
0x9b: {  	[timem:s6], [sflag:s20] =	dma.local [hbm:s4], s18  }
0x9c: {  	_ =	swait.ge [sflag:s20], s18  }
0x9d: {  	s3 =	ssub.s32 $0x0, s18;
	[sflag:s20] =	ssyncset.done $0x0  }
0x9e: {  	[sflag:s20] =	ssyncadd.s32 s3;
	_ =	sdelay $0x1  }
0x9f: {  	s21 =	simm.s32 $0x1B8B  }
0xa0: {  	_ =	swait.ge [sflag:s21], $0x1  }
0xa1: {  	[sflag:s21] =	ssyncset.done $0x0  }
0xa2: {  	s23 =	simm.s32 $0x1B8E;
	s22 =	sld [smem:$0x3FFE];
	[sflag:s21] =	ssyncadd.s32 $0xFFFFFFFF  }
0xa3: {  	s24 =	simm.s32 $execute0_lowered;
	[smem:$0x3FD2] =	sst s23  }
0xa4: {  	s4 =	sshll.u32 s24, $0x1;
	_ =	strace $0x80000046;
	[dreg:$0x1] =	wrdreg $0xFFFFFFFF  }
0xa5: {  	s25 =	simm.s32 $_size_execute0_lowered;
	s2 =	sadd.s32 s2, s4;
	[dreg:$0x0] =	wrdreg $0x0  }
0xa6: {  	s4 =	sshll.u32 s25, $0x1;
	[dreg:$0x2] =	wrdreg s2  }
0xa7: {  	[dreg:$0x3] =	wrdreg s4  }
0xa8: {  	[dreg:$0x4] =	wrdreg $0xC0  }
0xa9: {  	_ =	task [dreg:s6], $0x5FFFF  }
0xaa: {  	[dreg:$0x1] =	wrdreg $0xFFFFFFFF  }
0xab: {  	[dreg:$0x0] =	wrdreg $0x60  }
0xac: {  	[dreg:$0x2] =	wrdreg s0  }
0xad: {  	[dreg:$0x3] =	wrdreg s16  }
0xae: {  	[dreg:$0x4] =	wrdreg s22  }
0xaf: {  	[dreg:$0x5] =	wrdreg $0x9  }
0xb0: {  	_ =	task.clear_ibuf [dreg:s6], $0x6FFFF;
	_ =	strace $0x90000046  }
0xb1: {  	s26 =	simm.s32 $0x9;
	_ =	strace $0x80000048  }
0xb2: {  	_ =	swait.ge [sflag:s26], $0x1  }
0xb3: {  	[sflag:s26] =	ssyncadd.s32 $0xFFFFFFFF  }
0xb4: {  	_ =	strace $0x90000048  }
0xb5: {  	_ =	sfence  }
0xb6: {  	s28 =	sld [smem:$0x0];
	_ =	sdelay $0x1  }
0xb7: {  	s29 =	srdreg.scid  }
0xb8: {  	s30 =	sshll.u32 s29, $0xD;
	s31 =	sshrl.u32 s29, $0x2  }
0xb9: {  	s1 =	sand.u32 $0x1, s29;
	s2 =	sand.u32 $0x4000, s30;
	s0 =	sadd.s32 s31, s28  }
0xba: {  	s1 =	sor.u32 s2, s1;
	s0 =	sshll.u32 s0, $0x11  }
0xbb: {  	s0 =	sor.u32 s0, s1  }
0xbc: {  	s0 =	sadd.s32 $0x8F2B, s0  }
0xbd: {  	[sflag:s0] =	ssyncadd.remote.s32 $0x1  }
0xbe: {  	_ =	sfence.sel $0xFFFF  }
0xbf: {  	[dreg:$0x0] =	wrdreg $0xFFFFFFFF;
	(pc) =	sbr.abs _section_cstart, $3  }
0xc0: {  	[dreg:$0x1] =	wrdreg $0xFFFFFFFF  }
0xc1: {  	_ =	task.clear_ibuf [dreg:s6], $0x2FFFF;
	_ =	strace $0x9FFFFFFF  }
0xc2: {  	(tm) =	ssettm $0x7FFFFFFF  }
0xc3: {  	_ =	shalt  }
tec
execute0_lowered:
.L_overlay_start_1:
0x0: {  	(tag) =	ssettag $0x1  }
0x1: {  	s3 =	rddreg [dreg:$0x0]  }
0x2: {  	s4 =	rddreg [dreg:$0x1]  }
0x3: {  	s2 =	rddreg [dreg:$0x2]  }
0x4: {  	s0 =	stileid.u32;
	s1 =	rddreg [dreg:$0x3]  }
0x5: {  	s5 =	simm.s32 $0x0;
	s13 =	simm.s32 $0x6000;
	s15 =	smul.u32 $0x28000, s0  }
0x6: {  	s16 =	simm.s32 $0xE000;
	s18 =	simm.s32 $0x5;
	s19 =	simm.s32 $0x2  }
0x7: {  	s20 =	simm.s32 $0x6;
	[smem:$0x7FF] =	sst s5;
	s9 =	sshrl.u32 s15, $0x3  }
0x8: {  	s21 =	simm.s32 $0x3;
	_ =	strace $0x80000047;
	s6 =	sadd.s32 s3, s9  }
0x9: {  	[tilespmem:s5], [sflag:$0x1] =	stream.linear.gather [hbm4b:s6+s5], $0x2000, $0x38;
	[tilespmem:$0x10080] =	vst v63  }
0xa: {  	s7 =	sadd.s32 s4, s9;
	s8 =	sor.u32 $0x400, s9;
	s6 =	simm.s32 $0x8000  }
0xb: {  	[tilespmem:s6], [sflag:$0x5] =	stream.linear.gather [hbm4b:s7+s5], $0x2000, $0x38;
	[tilespmem:$0x10080] =	vst v63  }
0xc: {  	s22 =	simm.s32 $0x7;
	s10 =	sadd.s32 s3, s8;
	s7 =	simm.s32 $0x2000  }
0xd: {  	[tilespmem:s7], [sflag:$0x2] =	stream.linear.gather [hbm4b:s10+s5], $0x2000, $0x38;
	[tilespmem:$0x10080] =	vst v63  }
0xe: {  	s11 =	sor.u32 $0x800, s9;
	s30 =	sadd.s32 s4, s8;
	s8 =	simm.s32 $0xA000  }
0xf: {  	[tilespmem:s8], [sflag:$0x6] =	stream.linear.gather [hbm4b:s30+s5], $0x2000, $0x38;
	[tilespmem:$0x10080] =	vst v63  }
0x10: {  	s31 =	sor.u32 $0xC00, s9;
	s9 =	simm.s32 $0x4000;
	s12 =	sadd.s32 s3, s11  }
0x11: {  	[tilespmem:s9], [sflag:$0x3] =	stream.linear.gather [hbm4b:s12+s5], $0x2000, $0x38;
	[tilespmem:$0x10080] =	vst v63  }
0x12: {  	s23 =	simm.s32 $0x4;
	s11 =	sadd.s32 s4, s11;
	s10 =	simm.s32 $0xC000  }
0x13: {  	[tilespmem:s10], [sflag:$0x7] =	stream.linear.gather [hbm4b:s11+s5], $0x2000, $0x38;
	[tilespmem:$0x10080] =	vst v63  }
0x14: {  	s24 =	simm.s32 $0x8;
	s25 =	simm.s32 $0x0;
	s14 =	sadd.s32 s3, s31  }
0x15: {  	[tilespmem:s13], [sflag:$0x4] =	stream.linear.gather [hbm4b:s14+s5], $0x2000, $0x38;
	[tilespmem:$0x10080] =	vst v63  }
0x16: {  	s17 =	sadd.s32 s4, s31;
	s12 =	sadd.s32 $0xA000, s15;
	s11 =	sadd.s32 $0x8000, s15  }
0x17: {  	[tilespmem:s16], [sflag:$0x8] =	stream.linear.gather [hbm4b:s17+s5], $0x2000, $0x38;
	[tilespmem:$0x10080] =	vst v63  }
0x18: {  	v0 =	vimm.f32 $0.0e+00;
	s14 =	sadd.s32 $0xC000, s15;
	s15 =	sadd.s32 $0xE000, s15;
	s17 =	simm.s32 $0x1  }
.LBB2_1:
0x19: {  	_ =	swait.ge [sflag:s17], $0x2000  }
0x1a: {  	[sflag:s17] =	ssyncset.done $0x0  }
0x1b: {  	[sflag:s17] =	ssyncadd.s32 $0xFFFFE000  }
0x1c: {  	_ =	swait.ge [sflag:s18], $0x2000  }
0x1d: {  	[sflag:s18] =	ssyncset.done $0x0  }
0x1e: {  	s28 =	simm.s32 $0x0;
	[sflag:s18] =	ssyncadd.s32 $0xFFFFE000  }
0x1f: {  	v1 =	vld [tilespmem:s28+$0x70]  }
0x20: {  	v3 =	vld [tilespmem:s28+$0x8070]  }
0x21: {  	v4 =	vld [tilespmem:s28+$0xF0]  }
0x22: {  	v2 =	vld [tilespmem:s28+$0x80F0]  }
0x23: {  	v5 =	vld [tilespmem:s28+$0x60]  }
0x24: {  	v6 =	vld [tilespmem:s28+$0x8060]  }
0x25: {  	v7 =	vld [tilespmem:s28+$0xE0]  }
0x26: {  	v9 =	vld [tilespmem:s28+$0x80E0]  }
0x27: {  	v8 =	vld [tilespmem:s28+$0x50]  }
0x28: {  	v13 =	vld [tilespmem:s28+$0x8050]  }
0x29: {  	v11 =	vld [tilespmem:s28+$0xD0]  }
0x2a: {  	v15 =	vld [tilespmem:s28+$0x80D0]  }
0x2b: {  	v14 =	vld [tilespmem:s28+$0x40]  }
0x2c: {  	v18 =	vld [tilespmem:s28+$0x8040]  }
0x2d: {  	v17 =	vld [tilespmem:s28+$0xC0]  }
0x2e: {  	v21 =	vld [tilespmem:s28+$0x80C0]  }
0x2f: {  	v16 =	vld [tilespmem:s28+$0x30]  }
0x30: {  	v20 =	vld [tilespmem:s28+$0x8030]  }
0x31: {  	v10 =	vld [tilespmem:s28+$0x80B0]  }
0x32: {  	v19 =	vld [tilespmem:s28+$0x20]  }
0x33: {  	v23 =	vld [tilespmem:s28+$0x8020]  }
0x34: {  	v12 =	vld [tilespmem:s28+$0x80A0]  }
0x35: {  	v24 =	vld [tilespmem:s28+$0x10]  }
0x36: {  	v22 =	vld [tilespmem:s28+$0x8090]  }
0x37: {  	v25 =	vld [tilespmem:s28+$0x0]  }
0x38: {  	v26 =	vld [tilespmem:s28+$0x8000];
	vm0 =	vlt.f32 v9, $0.0e+00  }
0x39: {  	s26 =	simm.s32 $0x400;
	v27 =	vld [tilespmem:s28+$0x80];
	vm2 =	vlt.f32 v15, $0.0e+00;
	vm3 =	vgt.f32 v15, $0.0e+00;
	vm1 =	vgt.f32 v9, $0.0e+00  }
.LBB2_2:
0x3a: {  	p0 =	sne.s32 s26, $0x7C00;
	v28 =	vld [tilespmem:s28+$0x8080];
	vm4 =	vlt.f32 v21, $0.0e+00;
	v29 =	vsub.f32 v1, v3;
	v30 =	vsub.f32 v4, v2  }
0x3b: {  	vm5 =	vgt.f32 v21, $0.0e+00;
	v31 =	vsub.f32 v5, v6;
	v32 =	vsub.f32 v7, v9;
	v4 =	vld [tilespmem:s28+$0x8010]  }
0x3c: {  	vm6 =	vlt.f32 v10, $0.0e+00;
	vm7 =	vgt.f32 v10, $0.0e+00;
	v33 =	vsub.f32 v8, v13;
	v5 =	vld [tilespmem:s28+$0x90]  }
0x3d: {  	s29 =	sshra.s32 s26, $0x2;
	vm8 =	vlt.f32 v12, $0.0e+00;
	vm9 =	vgt.f32 v12, $0.0e+00;
	v34 =	vsub.f32 v11, v15;
	v6 =	vld [tilespmem:s28+$0xA0]  }
0x3e: {  	v11 =	vsub.f32 v14, v18;
	v14 =	vsub.f32 v17, v21;
	vm10 =	vlt.f32 v22, $0.0e+00;
	v1 =	vld [tilespmem:s29+$0x70]  }
0x3f: {  	vm11 =	vgt.f32 v22, $0.0e+00;
	v7 =	vsub.f32 v25, v26;
	v8 =	vsub.f32 v27, v28;
	v9 =	vld [tilespmem:s28+$0xB0];
	s28 =	smov.u32 s29  }
0x40: {  	v15 =	vsub.f32 v16, v20;
	vm12 =	vlt.f32 v28, $0.0e+00;
	v3 =	vld [tilespmem:s28+$0x8070];
	v13 =	vsub.f32 v24, v4  }
0x41: {  	v7 =	vmul.f32 v7, v7;
	v4 =	vld [tilespmem:s28+$0xF0];
	v8 =	vmul.f32 v8, v8;
	v16 =	vsub.f32 v5, v22  }
0x42: {  	v17 =	vsub.f32 v19, v23;
	vm13 =	vgt.f32 v28, $0.0e+00;
	v22 =	vld [tilespmem:s28+$0x80F0];
	v12 =	vsub.f32 v6, v12  }
0x43: {  	v13 =	vmul.f32 v13, v13;
	v5 =	vld [tilespmem:s28+$0x60];
	v8 =	vadd.f32 v8, v7;
	v16 =	vmul.f32 v16, v16  }
0x44: {  	v17 =	vmul.f32 v17, v17;
	vm12 =	vmor vm13, vm12;
	v6 =	vld [tilespmem:s28+$0x8060];
	v10 =	vsub.f32 v9, v10  }
0x45: {  	v12 =	vmul.f32 v12, v12;
	v7 =	vld [tilespmem:s28+$0xE0];
	v8 =	vnsel vm12, $0x0, v8;
	v13 =	vadd.f32 v16, v13  }
0x46: {  	vm10 =	vmor vm11, vm10;
	v15 =	vmul.f32 v15, v15;
	v9 =	vld [tilespmem:s28+$0x80E0];
	v0 =	vadd.f32 v8, v0  }
0x47: {  	v12 =	vadd.f32 v12, v17;
	v10 =	vmul.f32 v10, v10;
	v8 =	vld [tilespmem:s28+$0x50];
	v16 =	vnsel vm10, $0x0, v13  }
0x48: {  	vm8 =	vmor vm9, vm8;
	v13 =	vld [tilespmem:s28+$0x8050];
	v0 =	vadd.f32 v16, v0;
	v16 =	vmul.f32 v11, v11  }
0x49: {  	v17 =	vmul.f32 v14, v14;
	v12 =	vnsel vm8, $0x0, v12;
	v10 =	vadd.f32 v10, v15;
	v11 =	vld [tilespmem:s28+$0xD0]  }
0x4a: {  	vm6 =	vmor vm7, vm6;
	v15 =	vld [tilespmem:s28+$0x80D0];
	v0 =	vadd.f32 v12, v0;
	v12 =	vmul.f32 v33, v33  }
0x4b: {  	v19 =	vmul.f32 v34, v34;
	v10 =	vnsel vm6, $0x0, v10;
	v16 =	vadd.f32 v17, v16;
	v14 =	vld [tilespmem:s28+$0x40]  }
0x4c: {  	vm4 =	vmor vm5, vm4;
	v18 =	vld [tilespmem:s28+$0x8040];
	v0 =	vadd.f32 v10, v0;
	v10 =	vmul.f32 v31, v31  }
0x4d: {  	v16 =	vnsel vm4, $0x0, v16;
	v12 =	vadd.f32 v19, v12;
	v19 =	vmul.f32 v32, v32;
	v17 =	vld [tilespmem:s28+$0xC0]  }
0x4e: {  	vm2 =	vmor vm3, vm2;
	v23 =	vmul.f32 v29, v29;
	v21 =	vld [tilespmem:s28+$0x80C0];
	v0 =	vadd.f32 v16, v0  }
0x4f: {  	v24 =	vmul.f32 v30, v30;
	v12 =	vnsel vm2, $0x0, v12;
	v19 =	vadd.f32 v19, v10;
	v16 =	vld [tilespmem:s28+$0x30]  }
0x50: {  	vm0 =	vmor vm1, vm0;
	vm1 =	vlt.f32 v2, $0.0e+00;
	v20 =	vld [tilespmem:s28+$0x8030];
	v0 =	vadd.f32 v12, v0  }
0x51: {  	v24 =	vadd.f32 v24, v23;
	v12 =	vnsel vm0, $0x0, v19;
	vm0 =	vgt.f32 v2, $0.0e+00;
	v2 =	vmovc v22;
	v10 =	vld [tilespmem:s28+$0x80B0]  }
0x52: {  	vm0 =	vmor vm0, vm1;
	v19 =	vld [tilespmem:s28+$0x20];
	v0 =	vadd.f32 v12, v0  }
0x53: {  	v22 =	vnsel vm0, $0x0, v24;
	v23 =	vld [tilespmem:s28+$0x8020]  }
0x54: {  	v12 =	vld [tilespmem:s28+$0x80A0];
	v0 =	vadd.f32 v22, v0  }
.Ltmp0:
0x55: {  	v24 =	vld [tilespmem:s28+$0x10];
	(pc) =	sbr.rel @p0 .LBB2_2-.Ltmp0, $4  }
0x56: {  	v22 =	vld [tilespmem:s28+$0x8090]  }
0x57: {  	v25 =	vld [tilespmem:s28+$0x0]  }
0x58: {  	vm0 =	vlt.f32 v9, $0.0e+00;
	v26 =	vld [tilespmem:s28+$0x8000]  }
0x59: {  	s26 =	sadd.s32 $0x400, s26;
	vm2 =	vlt.f32 v15, $0.0e+00;
	vm3 =	vgt.f32 v15, $0.0e+00;
	vm1 =	vgt.f32 v9, $0.0e+00;
	v27 =	vld [tilespmem:s28+$0x80]  }
0x5a: {  	v28 =	vld [tilespmem:s28+$0x8080]  }
0x5b: {  	v29 =	vld [tilespmem:s28+$0x8010];
	s26 =	sshll.u32 s25, $0xF  }
0x5c: {  	v30 =	vld [tilespmem:s28+$0x90];
	s29 =	sadd.s32 s26, s11  }
0x5d: {  	v31 =	vld [tilespmem:s28+$0xA0];
	s29 =	sshrl.u32 s29, $0x3  }
0x5e: {  	v32 =	vld [tilespmem:s28+$0xB0];
	s30 =	simm.s32 $0x0;
	s28 =	sadd.s32 s3, s29  }
0x5f: {  	[tilespmem:s30], [sflag:$0x1] =	stream.linear.gather [hbm4b:s28+s30], $0x2000, $0x38;
	[tilespmem:$0x10080] =	vst v63  }
0x60: {  	s28 =	sadd.s32 s4, s29  }
0x61: {  	[tilespmem:s6], [sflag:$0x5] =	stream.linear.gather [hbm4b:s28+s30], $0x2000, $0x38;
	[tilespmem:$0x10080] =	vst v63  }
0x62: {  	_ =	swait.ge [sflag:s19], $0x2000  }
0x63: {  	[sflag:s19] =	ssyncset.done $0x0  }
0x64: {  	v33 =	vsub.f32 v1, v3;
	[sflag:s19] =	ssyncadd.s32 $0xFFFFE000  }
0x65: {  	v34 =	vsub.f32 v5, v6;
	v35 =	vsub.f32 v7, v9;
	_ =	swait.ge [sflag:s20], $0x2000  }
0x66: {  	v36 =	vsub.f32 v8, v13;
	vm4 =	vlt.f32 v21, $0.0e+00;
	v37 =	vsub.f32 v11, v15;
	[sflag:s20] =	ssyncset.done $0x0  }
0x67: {  	v38 =	vsub.f32 v4, v2;
	vm5 =	vgt.f32 v21, $0.0e+00;
	v15 =	vsub.f32 v14, v18;
	s28 =	simm.s32 $0x0;
	[sflag:s20] =	ssyncadd.s32 $0xFFFFE000  }
0x68: {  	vm6 =	vlt.f32 v10, $0.0e+00;
	vm7 =	vgt.f32 v10, $0.0e+00;
	v17 =	vsub.f32 v17, v21;
	v3 =	vld [tilespmem:s28+$0x2070]  }
0x69: {  	v13 =	vsub.f32 v16, v20;
	vm8 =	vlt.f32 v12, $0.0e+00;
	v16 =	vsub.f32 v19, v23;
	v5 =	vld [tilespmem:s28+$0xA070]  }
0x6a: {  	vm11 =	vgt.f32 v12, $0.0e+00;
	v6 =	vsub.f32 v25, v26;
	v7 =	vsub.f32 v27, v28;
	v4 =	vld [tilespmem:s28+$0x20F0]  }
0x6b: {  	vm14 =	vlt.f32 v22, $0.0e+00;
	vm15 =	vgt.f32 v22, $0.0e+00;
	v16 =	vmul.f32 v16, v16;
	v1 =	vld [tilespmem:s28+$0xA0F0]  }
0x6c: {  	vm8 =	vmor vm11, vm8;
	v8 =	vmul.f32 v6, v6;
	v11 =	vmul.f32 v7, v7;
	v6 =	vld [tilespmem:s28+$0x2060]  }
0x6d: {  	v17 =	vmul.f32 v17, v17;
	v9 =	vsub.f32 v24, v29;
	v14 =	vsub.f32 v30, v22;
	v7 =	vld [tilespmem:s28+$0xA060]  }
0x6e: {  	vm9 =	vlt.f32 v28, $0.0e+00;
	vm10 =	vgt.f32 v28, $0.0e+00;
	v11 =	vadd.f32 v11, v8;
	v8 =	vld [tilespmem:s28+$0x20E0]  }
0x6f: {  	v19 =	vsub.f32 v31, v12;
	v18 =	vmul.f32 v9, v9;
	v14 =	vmul.f32 v14, v14;
	v9 =	vld [tilespmem:s28+$0xA0E0]  }
0x70: {  	v23 =	vmul.f32 v37, v37;
	v20 =	vsub.f32 v32, v10;
	vm9 =	vmor vm10, vm9;
	v10 =	vld [tilespmem:s28+$0x2050]  }
0x71: {  	v14 =	vadd.f32 v14, v18;
	v18 =	vmul.f32 v19, v19;
	v21 =	vnsel vm9, $0x0, v11;
	v11 =	vld [tilespmem:s28+$0xA050]  }
0x72: {  	v25 =	vmul.f32 v35, v35;
	v12 =	vmul.f32 v13, v13;
	v19 =	vadd.f32 v21, v0;
	v0 =	vld [tilespmem:s28+$0x20D0]  }
0x73: {  	v24 =	vmul.f32 v34, v34;
	vm9 =	vmor vm15, vm14;
	v16 =	vadd.f32 v18, v16;
	v13 =	vld [tilespmem:s28+$0xA0D0]  }
0x74: {  	v18 =	vmul.f32 v20, v20;
	v20 =	vmul.f32 v15, v15;
	v21 =	vnsel vm9, $0x0, v14;
	v14 =	vld [tilespmem:s28+$0x2040]  }
0x75: {  	v26 =	vmul.f32 v33, v33;
	v22 =	vmul.f32 v36, v36;
	v24 =	vadd.f32 v25, v24;
	v15 =	vld [tilespmem:s28+$0xA040]  }
0x76: {  	v25 =	vmul.f32 v38, v38;
	v20 =	vadd.f32 v17, v20;
	v17 =	vld [tilespmem:s28+$0x2030];
	v19 =	vadd.f32 v21, v19  }
0x77: {  	v23 =	vadd.f32 v23, v22;
	v12 =	vadd.f32 v18, v12;
	v22 =	vld [tilespmem:s28+$0x2020];
	v21 =	vnsel vm8, $0x0, v16  }
0x78: {  	vm6 =	vmor vm7, vm6;
	v26 =	vadd.f32 v25, v26;
	v25 =	vld [tilespmem:s28+$0x2010];
	v18 =	vadd.f32 v21, v19  }
0x79: {  	v27 =	vld [tilespmem:s28+$0xA000];
	v12 =	vnsel vm6, $0x0, v12  }
0x7a: {  	vm4 =	vmor vm5, vm4;
	v28 =	vld [tilespmem:s28+$0x2080];
	v18 =	vadd.f32 v12, v18  }
0x7b: {  	v16 =	vld [tilespmem:s28+$0x20C0];
	v20 =	vnsel vm4, $0x0, v20  }
0x7c: {  	vm2 =	vmor vm3, vm2;
	v19 =	vld [tilespmem:s28+$0xA0C0];
	v18 =	vadd.f32 v20, v18  }
0x7d: {  	v21 =	vld [tilespmem:s28+$0xA030];
	v20 =	vnsel vm2, $0x0, v23  }
0x7e: {  	vm0 =	vmor vm1, vm0;
	v12 =	vld [tilespmem:s28+$0xA0B0];
	v18 =	vadd.f32 v20, v18  }
0x7f: {  	vm1 =	vlt.f32 v2, $0.0e+00;
	v24 =	vnsel vm0, $0x0, v24;
	vm0 =	vgt.f32 v2, $0.0e+00;
	v23 =	vld [tilespmem:s28+$0xA020]  }
0x80: {  	vm0 =	vmor vm0, vm1;
	v20 =	vld [tilespmem:s28+$0xA0A0];
	v2 =	vadd.f32 v24, v18  }
0x81: {  	vm3 =	vgt.f32 v13, $0.0e+00;
	vm1 =	vgt.f32 v9, $0.0e+00;
	v24 =	vld [tilespmem:s28+$0xA090];
	v18 =	vnsel vm0, $0x0, v26  }
0x82: {  	s29 =	simm.s32 $0x400;
	vm2 =	vlt.f32 v13, $0.0e+00;
	v26 =	vld [tilespmem:s28+$0x2000];
	vm0 =	vlt.f32 v9, $0.0e+00;
	v18 =	vadd.f32 v18, v2  }
.LBB2_4:
0x83: {  	p0 =	sne.s32 s29, $0x7C00;
	v2 =	vld [tilespmem:s28+$0xA080];
	vm4 =	vlt.f32 v19, $0.0e+00;
	v29 =	vsub.f32 v3, v5;
	v30 =	vsub.f32 v4, v1  }
0x84: {  	vm5 =	vgt.f32 v19, $0.0e+00;
	v31 =	vsub.f32 v6, v7;
	v32 =	vsub.f32 v8, v9;
	v4 =	vld [tilespmem:s28+$0xA010]  }
0x85: {  	vm6 =	vlt.f32 v12, $0.0e+00;
	vm7 =	vgt.f32 v12, $0.0e+00;
	v33 =	vsub.f32 v10, v11;
	v6 =	vld [tilespmem:s28+$0x2090]  }
0x86: {  	s30 =	sshra.s32 s29, $0x2;
	vm8 =	vlt.f32 v20, $0.0e+00;
	vm9 =	vgt.f32 v20, $0.0e+00;
	v34 =	vsub.f32 v0, v13;
	v7 =	vld [tilespmem:s28+$0x20A0]  }
0x87: {  	v0 =	vsub.f32 v14, v15;
	v13 =	vsub.f32 v16, v19;
	vm10 =	vlt.f32 v24, $0.0e+00;
	v3 =	vld [tilespmem:s30+$0x2070]  }
0x88: {  	vm11 =	vgt.f32 v24, $0.0e+00;
	v8 =	vsub.f32 v26, v27;
	v9 =	vsub.f32 v28, v2;
	v10 =	vld [tilespmem:s28+$0x20B0];
	s28 =	smov.u32 s30  }
0x89: {  	v14 =	vsub.f32 v17, v21;
	vm12 =	vlt.f32 v2, $0.0e+00;
	v5 =	vld [tilespmem:s28+$0xA070];
	v11 =	vsub.f32 v25, v4  }
0x8a: {  	v8 =	vmul.f32 v8, v8;
	v4 =	vld [tilespmem:s28+$0x20F0];
	v9 =	vmul.f32 v9, v9;
	v15 =	vsub.f32 v6, v24  }
0x8b: {  	vm13 =	vgt.f32 v2, $0.0e+00;
	v2 =	vsub.f32 v22, v23;
	v24 =	vld [tilespmem:s28+$0xA0F0];
	v16 =	vsub.f32 v7, v20  }
0x8c: {  	v11 =	vmul.f32 v11, v11;
	v6 =	vld [tilespmem:s28+$0x2060];
	v9 =	vadd.f32 v9, v8;
	v15 =	vmul.f32 v15, v15  }
0x8d: {  	vm12 =	vmor vm13, vm12;
	v2 =	vmul.f32 v2, v2;
	v7 =	vld [tilespmem:s28+$0xA060];
	v12 =	vsub.f32 v10, v12  }
0x8e: {  	v8 =	vld [tilespmem:s28+$0x20E0];
	v10 =	vnsel vm12, $0x0, v9;
	v11 =	vadd.f32 v15, v11;
	v15 =	vmul.f32 v16, v16  }
0x8f: {  	vm10 =	vmor vm11, vm10;
	v14 =	vmul.f32 v14, v14;
	v9 =	vld [tilespmem:s28+$0xA0E0];
	v16 =	vadd.f32 v10, v18  }
0x90: {  	v12 =	vmul.f32 v12, v12;
	v10 =	vld [tilespmem:s28+$0x2050];
	v17 =	vnsel vm10, $0x0, v11;
	v2 =	vadd.f32 v15, v2  }
0x91: {  	vm8 =	vmor vm9, vm8;
	v11 =	vld [tilespmem:s28+$0xA050];
	v15 =	vadd.f32 v17, v16;
	v16 =	vmul.f32 v0, v0  }
0x92: {  	v12 =	vadd.f32 v12, v14;
	v17 =	vmul.f32 v13, v13;
	v0 =	vld [tilespmem:s28+$0x20D0];
	v2 =	vnsel vm8, $0x0, v2  }
0x93: {  	vm6 =	vmor vm7, vm6;
	v18 =	vmul.f32 v33, v33;
	v13 =	vld [tilespmem:s28+$0xA0D0];
	v2 =	vadd.f32 v2, v15  }
0x94: {  	v19 =	vmul.f32 v34, v34;
	v12 =	vnsel vm6, $0x0, v12;
	v17 =	vadd.f32 v17, v16;
	v14 =	vld [tilespmem:s28+$0x2040]  }
0x95: {  	vm4 =	vmor vm5, vm4;
	v15 =	vld [tilespmem:s28+$0xA040];
	v2 =	vadd.f32 v12, v2;
	v12 =	vmul.f32 v31, v31  }
0x96: {  	v20 =	vmul.f32 v32, v32;
	v18 =	vadd.f32 v19, v18;
	v17 =	vnsel vm4, $0x0, v17;
	v16 =	vld [tilespmem:s28+$0x20C0]  }
0x97: {  	vm2 =	vmor vm3, vm2;
	v22 =	vmul.f32 v29, v29;
	v19 =	vld [tilespmem:s28+$0xA0C0];
	v2 =	vadd.f32 v17, v2  }
0x98: {  	v23 =	vmul.f32 v30, v30;
	v18 =	vnsel vm2, $0x0, v18;
	v20 =	vadd.f32 v20, v12;
	v17 =	vld [tilespmem:s28+$0x2030]  }
0x99: {  	vm0 =	vmor vm1, vm0;
	vm1 =	vlt.f32 v1, $0.0e+00;
	v21 =	vld [tilespmem:s28+$0xA030];
	v2 =	vadd.f32 v18, v2  }
0x9a: {  	v18 =	vnsel vm0, $0x0, v20;
	v20 =	vadd.f32 v23, v22;
	vm0 =	vgt.f32 v1, $0.0e+00;
	v1 =	vmovc v24;
	v12 =	vld [tilespmem:s28+$0xA0B0]  }
0x9b: {  	vm0 =	vmor vm0, vm1;
	v22 =	vld [tilespmem:s28+$0x2020];
	v2 =	vadd.f32 v18, v2  }
0x9c: {  	v18 =	vnsel vm0, $0x0, v20;
	v23 =	vld [tilespmem:s28+$0xA020]  }
0x9d: {  	v20 =	vld [tilespmem:s28+$0xA0A0];
	v18 =	vadd.f32 v18, v2  }
.Ltmp1:
0x9e: {  	v25 =	vld [tilespmem:s28+$0x2010];
	(pc) =	sbr.rel @p0 .LBB2_4-.Ltmp1, $4  }
0x9f: {  	v24 =	vld [tilespmem:s28+$0xA090]  }
0xa0: {  	v26 =	vld [tilespmem:s28+$0x2000]  }
0xa1: {  	vm0 =	vlt.f32 v9, $0.0e+00;
	v27 =	vld [tilespmem:s28+$0xA000]  }
0xa2: {  	s29 =	sadd.s32 $0x400, s29;
	vm2 =	vlt.f32 v13, $0.0e+00;
	vm3 =	vgt.f32 v13, $0.0e+00;
	vm1 =	vgt.f32 v9, $0.0e+00;
	v28 =	vld [tilespmem:s28+$0x2080]  }
0xa3: {  	v29 =	vld [tilespmem:s28+$0xA080]  }
0xa4: {  	v30 =	vld [tilespmem:s28+$0xA010]  }
0xa5: {  	v31 =	vld [tilespmem:s28+$0x2090];
	s29 =	sadd.s32 s26, s12  }
0xa6: {  	v32 =	vld [tilespmem:s28+$0x20A0];
	s29 =	sshrl.u32 s29, $0x3  }
0xa7: {  	v33 =	vld [tilespmem:s28+$0x20B0];
	s30 =	simm.s32 $0x0;
	s28 =	sadd.s32 s3, s29  }
0xa8: {  	[tilespmem:s7], [sflag:$0x2] =	stream.linear.gather [hbm4b:s28+s30], $0x2000, $0x38;
	[tilespmem:$0x10080] =	vst v63  }
0xa9: {  	s28 =	sadd.s32 s4, s29  }
0xaa: {  	[tilespmem:s8], [sflag:$0x6] =	stream.linear.gather [hbm4b:s28+s30], $0x2000, $0x38;
	[tilespmem:$0x10080] =	vst v63  }
0xab: {  	_ =	swait.ge [sflag:s21], $0x2000  }
0xac: {  	v34 =	vsub.f32 v3, v5;
	v35 =	vsub.f32 v6, v7;
	[sflag:s21] =	ssyncset.done $0x0  }
0xad: {  	v36 =	vsub.f32 v8, v9;
	v37 =	vsub.f32 v10, v11;
	vm4 =	vlt.f32 v19, $0.0e+00;
	[sflag:s21] =	ssyncadd.s32 $0xFFFFE000  }
0xae: {  	v38 =	vsub.f32 v0, v13;
	v39 =	vsub.f32 v4, v1;
	vm5 =	vgt.f32 v19, $0.0e+00;
	_ =	swait.ge [sflag:s22], $0x2000  }
0xaf: {  	v15 =	vsub.f32 v14, v15;
	vm6 =	vlt.f32 v12, $0.0e+00;
	vm7 =	vgt.f32 v12, $0.0e+00;
	[sflag:s22] =	ssyncset.done $0x0  }
0xb0: {  	v16 =	vsub.f32 v16, v19;
	v13 =	vsub.f32 v17, v21;
	vm8 =	vlt.f32 v20, $0.0e+00;
	s28 =	simm.s32 $0x0;
	[sflag:s22] =	ssyncadd.s32 $0xFFFFE000  }
0xb1: {  	v11 =	vsub.f32 v22, v23;
	vm11 =	vgt.f32 v20, $0.0e+00;
	vm0 =	vmor vm1, vm0;
	v2 =	vld [tilespmem:s28+$0x4070]  }
0xb2: {  	vm1 =	vlt.f32 v1, $0.0e+00;
	vm14 =	vlt.f32 v24, $0.0e+00;
	vm15 =	vgt.f32 v24, $0.0e+00;
	v4 =	vld [tilespmem:s28+$0xC070]  }
0xb3: {  	v21 =	vmul.f32 v11, v11;
	v5 =	vsub.f32 v26, v27;
	v6 =	vsub.f32 v28, v29;
	v3 =	vld [tilespmem:s28+$0x40F0]  }
0xb4: {  	vm8 =	vmor vm11, vm8;
	v22 =	vmul.f32 v37, v37;
	v23 =	vmul.f32 v38, v38;
	v0 =	vld [tilespmem:s28+$0xC0F0]  }
0xb5: {  	v8 =	vsub.f32 v25, v30;
	v7 =	vmul.f32 v5, v5;
	v9 =	vmul.f32 v6, v6;
	v5 =	vld [tilespmem:s28+$0x4060]  }
0xb6: {  	v10 =	vsub.f32 v31, v24;
	vm9 =	vlt.f32 v29, $0.0e+00;
	v17 =	vsub.f32 v32, v20;
	v6 =	vld [tilespmem:s28+$0xC060]  }
0xb7: {  	vm10 =	vgt.f32 v29, $0.0e+00;
	v12 =	vsub.f32 v33, v12;
	v9 =	vadd.f32 v9, v7;
	v7 =	vld [tilespmem:s28+$0x40E0]  }
0xb8: {  	vm9 =	vmor vm10, vm9;
	v14 =	vmul.f32 v8, v8;
	v10 =	vmul.f32 v10, v10;
	v8 =	vld [tilespmem:s28+$0xC0E0]  }
0xb9: {  	v24 =	vmul.f32 v35, v35;
	v25 =	vmul.f32 v36, v36;
	v19 =	vnsel vm9, $0x0, v9;
	v9 =	vld [tilespmem:s28+$0x4050]  }
0xba: {  	v26 =	vmul.f32 v34, v34;
	v23 =	vadd.f32 v23, v22;
	v14 =	vadd.f32 v10, v14;
	v10 =	vld [tilespmem:s28+$0xC050]  }
0xbb: {  	v17 =	vmul.f32 v17, v17;
	v12 =	vmul.f32 v12, v12;
	v24 =	vadd.f32 v25, v24;
	v11 =	vld [tilespmem:s28+$0x40D0]  }
0xbc: {  	vm9 =	vmor vm15, vm14;
	v18 =	vadd.f32 v19, v18;
	v19 =	vmul.f32 v13, v13;
	v13 =	vld [tilespmem:s28+$0xC0D0]  }
0xbd: {  	v25 =	vmul.f32 v39, v39;
	v17 =	vadd.f32 v17, v21;
	v20 =	vnsel vm9, $0x0, v14;
	v14 =	vld [tilespmem:s28+$0x4040]  }
0xbe: {  	v21 =	vmul.f32 v16, v16;
	v24 =	vnsel vm0, $0x0, v24;
	vm0 =	vgt.f32 v1, $0.0e+00;
	v16 =	vld [tilespmem:s28+$0x40C0]  }
0xbf: {  	v25 =	vadd.f32 v25, v26;
	vm0 =	vmor vm0, vm1;
	v22 =	vld [tilespmem:s28+$0x4020];
	v18 =	vadd.f32 v20, v18  }
0xc0: {  	v17 =	vnsel vm8, $0x0, v17;
	v1 =	vld [tilespmem:s28+$0x4010];
	v20 =	vmul.f32 v15, v15;
	v12 =	vadd.f32 v12, v19  }
0xc1: {  	vm6 =	vmor vm7, vm6;
	v26 =	vnsel vm0, $0x0, v25;
	v25 =	vld [tilespmem:s28+$0x4000];
	v18 =	vadd.f32 v17, v18  }
0xc2: {  	v27 =	vld [tilespmem:s28+$0x4080];
	v12 =	vnsel vm6, $0x0, v12;
	v20 =	vadd.f32 v21, v20  }
0xc3: {  	vm4 =	vmor vm5, vm4;
	v15 =	vld [tilespmem:s28+$0xC040];
	v18 =	vadd.f32 v12, v18  }
0xc4: {  	v19 =	vld [tilespmem:s28+$0xC0C0];
	v20 =	vnsel vm4, $0x0, v20  }
0xc5: {  	vm2 =	vmor vm3, vm2;
	v17 =	vld [tilespmem:s28+$0x4030];
	v18 =	vadd.f32 v20, v18  }
0xc6: {  	v21 =	vld [tilespmem:s28+$0xC030];
	v20 =	vnsel vm2, $0x0, v23  }
0xc7: {  	v12 =	vld [tilespmem:s28+$0xC0B0];
	v18 =	vadd.f32 v20, v18  }
0xc8: {  	v23 =	vld [tilespmem:s28+$0xC020]  }
0xc9: {  	v20 =	vld [tilespmem:s28+$0xC0A0];
	v18 =	vadd.f32 v24, v18  }
0xca: {  	vm0 =	vlt.f32 v8, $0.0e+00;
	vm3 =	vgt.f32 v13, $0.0e+00;
	v24 =	vld [tilespmem:s28+$0xC090]  }
0xcb: {  	s29 =	simm.s32 $0x400;
	vm1 =	vgt.f32 v8, $0.0e+00;
	vm2 =	vlt.f32 v13, $0.0e+00;
	v18 =	vadd.f32 v26, v18;
	v26 =	vld [tilespmem:s28+$0xC000]  }
.LBB2_6:
0xcc: {  	p0 =	sne.s32 s29, $0x7C00;
	v28 =	vld [tilespmem:s28+$0xC080];
	vm4 =	vlt.f32 v19, $0.0e+00;
	v29 =	vsub.f32 v2, v4;
	v30 =	vsub.f32 v3, v0  }
0xcd: {  	vm5 =	vgt.f32 v19, $0.0e+00;
	v31 =	vsub.f32 v5, v6;
	v32 =	vsub.f32 v7, v8;
	v3 =	vld [tilespmem:s28+$0xC010]  }
0xce: {  	vm6 =	vlt.f32 v12, $0.0e+00;
	vm7 =	vgt.f32 v12, $0.0e+00;
	v33 =	vsub.f32 v9, v10;
	v5 =	vld [tilespmem:s28+$0x4090]  }
0xcf: {  	s30 =	sshra.s32 s29, $0x2;
	vm8 =	vlt.f32 v20, $0.0e+00;
	vm9 =	vgt.f32 v20, $0.0e+00;
	v34 =	vsub.f32 v11, v13;
	v6 =	vld [tilespmem:s28+$0x40A0]  }
0xd0: {  	v11 =	vsub.f32 v14, v15;
	v13 =	vsub.f32 v16, v19;
	vm10 =	vlt.f32 v24, $0.0e+00;
	v2 =	vld [tilespmem:s30+$0x4070]  }
0xd1: {  	vm11 =	vgt.f32 v24, $0.0e+00;
	v7 =	vsub.f32 v25, v26;
	v8 =	vsub.f32 v27, v28;
	v9 =	vld [tilespmem:s28+$0x40B0];
	s28 =	smov.u32 s30  }
0xd2: {  	v10 =	vsub.f32 v17, v21;
	vm12 =	vlt.f32 v28, $0.0e+00;
	v4 =	vld [tilespmem:s28+$0xC070];
	v1 =	vsub.f32 v1, v3  }
0xd3: {  	v7 =	vmul.f32 v7, v7;
	v3 =	vld [tilespmem:s28+$0x40F0];
	v8 =	vmul.f32 v8, v8;
	v14 =	vsub.f32 v5, v24  }
0xd4: {  	v15 =	vsub.f32 v22, v23;
	vm13 =	vgt.f32 v28, $0.0e+00;
	v24 =	vld [tilespmem:s28+$0xC0F0];
	v16 =	vsub.f32 v6, v20  }
0xd5: {  	v1 =	vmul.f32 v1, v1;
	v5 =	vld [tilespmem:s28+$0x4060];
	v8 =	vadd.f32 v8, v7;
	v14 =	vmul.f32 v14, v14  }
0xd6: {  	v15 =	vmul.f32 v15, v15;
	vm12 =	vmor vm13, vm12;
	v6 =	vld [tilespmem:s28+$0xC060];
	v12 =	vsub.f32 v9, v12  }
0xd7: {  	v7 =	vld [tilespmem:s28+$0x40E0];
	v9 =	vnsel vm12, $0x0, v8;
	v1 =	vadd.f32 v14, v1;
	v14 =	vmul.f32 v16, v16  }
0xd8: {  	vm10 =	vmor vm11, vm10;
	v17 =	vmul.f32 v10, v10;
	v8 =	vld [tilespmem:s28+$0xC0E0];
	v16 =	vadd.f32 v9, v18  }
0xd9: {  	v12 =	vmul.f32 v12, v12;
	v9 =	vld [tilespmem:s28+$0x4050];
	v1 =	vnsel vm10, $0x0, v1;
	v14 =	vadd.f32 v14, v15  }
0xda: {  	vm8 =	vmor vm9, vm8;
	v15 =	vmul.f32 v11, v11;
	v10 =	vld [tilespmem:s28+$0xC050];
	v1 =	vadd.f32 v1, v16  }
0xdb: {  	v12 =	vadd.f32 v12, v17;
	v16 =	vmul.f32 v13, v13;
	v11 =	vld [tilespmem:s28+$0x40D0];
	v14 =	vnsel vm8, $0x0, v14  }
0xdc: {  	vm6 =	vmor vm7, vm6;
	v17 =	vmul.f32 v33, v33;
	v13 =	vld [tilespmem:s28+$0xC0D0];
	v1 =	vadd.f32 v14, v1  }
0xdd: {  	v19 =	vmul.f32 v34, v34;
	v12 =	vnsel vm6, $0x0, v12;
	v18 =	vadd.f32 v16, v15;
	v14 =	vld [tilespmem:s28+$0x4040]  }
0xde: {  	vm4 =	vmor vm5, vm4;
	v15 =	vld [tilespmem:s28+$0xC040];
	v1 =	vadd.f32 v12, v1;
	v12 =	vmul.f32 v31, v31  }
0xdf: {  	v21 =	vmul.f32 v32, v32;
	v20 =	vadd.f32 v19, v17;
	v18 =	vnsel vm4, $0x0, v18;
	v16 =	vld [tilespmem:s28+$0x40C0]  }
0xe0: {  	vm2 =	vmor vm3, vm2;
	v19 =	vld [tilespmem:s28+$0xC0C0];
	v1 =	vadd.f32 v18, v1;
	v18 =	vmul.f32 v29, v29  }
0xe1: {  	v23 =	vmul.f32 v30, v30;
	v20 =	vnsel vm2, $0x0, v20;
	v22 =	vadd.f32 v21, v12;
	v17 =	vld [tilespmem:s28+$0x4030]  }
0xe2: {  	vm0 =	vmor vm1, vm0;
	vm1 =	vlt.f32 v0, $0.0e+00;
	v21 =	vld [tilespmem:s28+$0xC030];
	v1 =	vadd.f32 v20, v1  }
0xe3: {  	v20 =	vnsel vm0, $0x0, v22;
	v18 =	vadd.f32 v23, v18;
	vm0 =	vgt.f32 v0, $0.0e+00;
	v0 =	vmovc v24;
	v12 =	vld [tilespmem:s28+$0xC0B0]  }
0xe4: {  	vm0 =	vmor vm0, vm1;
	v22 =	vld [tilespmem:s28+$0x4020];
	v1 =	vadd.f32 v20, v1  }
0xe5: {  	v18 =	vnsel vm0, $0x0, v18;
	v23 =	vld [tilespmem:s28+$0xC020]  }
0xe6: {  	v20 =	vld [tilespmem:s28+$0xC0A0];
	v18 =	vadd.f32 v18, v1  }
.Ltmp2:
0xe7: {  	v1 =	vld [tilespmem:s28+$0x4010];
	(pc) =	sbr.rel @p0 .LBB2_6-.Ltmp2, $4  }
0xe8: {  	v24 =	vld [tilespmem:s28+$0xC090]  }
0xe9: {  	v25 =	vld [tilespmem:s28+$0x4000]  }
0xea: {  	vm0 =	vlt.f32 v8, $0.0e+00;
	v26 =	vld [tilespmem:s28+$0xC000]  }
0xeb: {  	s29 =	sadd.s32 $0x400, s29;
	vm2 =	vlt.f32 v13, $0.0e+00;
	vm3 =	vgt.f32 v13, $0.0e+00;
	vm1 =	vgt.f32 v8, $0.0e+00;
	v27 =	vld [tilespmem:s28+$0x4080]  }
0xec: {  	v28 =	vld [tilespmem:s28+$0xC080]  }
0xed: {  	v29 =	vld [tilespmem:s28+$0xC010]  }
0xee: {  	v30 =	vld [tilespmem:s28+$0x4090];
	s29 =	sadd.s32 s26, s14  }
0xef: {  	v31 =	vld [tilespmem:s28+$0x40A0];
	s29 =	sshrl.u32 s29, $0x3  }
0xf0: {  	v32 =	vld [tilespmem:s28+$0x40B0];
	s30 =	simm.s32 $0x0;
	s28 =	sadd.s32 s3, s29  }
0xf1: {  	[tilespmem:s9], [sflag:$0x3] =	stream.linear.gather [hbm4b:s28+s30], $0x2000, $0x38;
	[tilespmem:$0x10080] =	vst v63  }
0xf2: {  	s28 =	sadd.s32 s4, s29  }
0xf3: {  	[tilespmem:s10], [sflag:$0x7] =	stream.linear.gather [hbm4b:s28+s30], $0x2000, $0x38;
	[tilespmem:$0x10080] =	vst v63  }
0xf4: {  	v33 =	vsub.f32 v2, v4;
	v34 =	vsub.f32 v5, v6;
	_ =	swait.ge [sflag:s23], $0x2000  }
0xf5: {  	v35 =	vsub.f32 v7, v8;
	v36 =	vsub.f32 v9, v10;
	[sflag:s23] =	ssyncset.done $0x0  }
0xf6: {  	vm4 =	vlt.f32 v19, $0.0e+00;
	v37 =	vsub.f32 v11, v13;
	v38 =	vsub.f32 v3, v0;
	[sflag:s23] =	ssyncadd.s32 $0xFFFFE000  }
0xf7: {  	vm5 =	vgt.f32 v19, $0.0e+00;
	v14 =	vsub.f32 v14, v15;
	vm6 =	vlt.f32 v12, $0.0e+00;
	_ =	swait.ge [sflag:s24], $0x2000  }
0xf8: {  	vm7 =	vgt.f32 v12, $0.0e+00;
	v16 =	vsub.f32 v16, v19;
	v13 =	vsub.f32 v17, v21;
	[sflag:s24] =	ssyncset.done $0x0  }
0xf9: {  	vm8 =	vlt.f32 v20, $0.0e+00;
	v15 =	vsub.f32 v22, v23;
	vm11 =	vgt.f32 v20, $0.0e+00;
	s28 =	simm.s32 $0x0;
	[sflag:s24] =	ssyncadd.s32 $0xFFFFE000  }
0xfa: {  	vm0 =	vmor vm1, vm0;
	vm1 =	vlt.f32 v0, $0.0e+00;
	vm14 =	vlt.f32 v24, $0.0e+00;
	v2 =	vld [tilespmem:s28+$0x6070]  }
0xfb: {  	vm15 =	vgt.f32 v24, $0.0e+00;
	v15 =	vmul.f32 v15, v15;
	v14 =	vmul.f32 v14, v14;
	v3 =	vld [tilespmem:s28+$0xE070]  }
0xfc: {  	v22 =	vmul.f32 v36, v36;
	v5 =	vsub.f32 v25, v26;
	v6 =	vsub.f32 v27, v28;
	v4 =	vld [tilespmem:s28+$0x60F0]  }
0xfd: {  	v23 =	vmul.f32 v34, v34;
	v25 =	vmul.f32 v35, v35;
	v8 =	vsub.f32 v1, v29;
	v1 =	vld [tilespmem:s28+$0xE0F0]  }
0xfe: {  	vm8 =	vmor vm11, vm8;
	v7 =	vmul.f32 v5, v5;
	v9 =	vmul.f32 v6, v6;
	v5 =	vld [tilespmem:s28+$0x6060]  }
0xff: {  	v26 =	vmul.f32 v33, v33;
	v10 =	vsub.f32 v30, v24;
	vm9 =	vlt.f32 v28, $0.0e+00;
	v6 =	vld [tilespmem:s28+$0xE060]  }
0x100: {  	vm10 =	vgt.f32 v28, $0.0e+00;
	v17 =	vsub.f32 v31, v20;
	v9 =	vadd.f32 v9, v7;
	v7 =	vld [tilespmem:s28+$0x60E0]  }
0x101: {  	vm9 =	vmor vm10, vm9;
	v11 =	vmul.f32 v8, v8;
	v10 =	vmul.f32 v10, v10;
	v8 =	vld [tilespmem:s28+$0xE0E0]  }
0x102: {  	v19 =	vsub.f32 v32, v12;
	v20 =	vmul.f32 v13, v13;
	v12 =	vnsel vm9, $0x0, v9;
	v9 =	vld [tilespmem:s28+$0x6050]  }
0x103: {  	v23 =	vadd.f32 v25, v23;
	v25 =	vmul.f32 v38, v38;
	v21 =	vadd.f32 v10, v11;
	v11 =	vld [tilespmem:s28+$0xE050]  }
0x104: {  	vm4 =	vmor vm5, vm4;
	v17 =	vmul.f32 v17, v17;
	v19 =	vmul.f32 v19, v19;
	v10 =	vld [tilespmem:s28+$0x60D0]  }
0x105: {  	v23 =	vnsel vm0, $0x0, v23;
	v25 =	vadd.f32 v25, v26;
	v18 =	vadd.f32 v12, v18;
	v12 =	vld [tilespmem:s28+$0xE0D0]  }
0x106: {  	v19 =	vadd.f32 v19, v20;
	v20 =	vmul.f32 v16, v16;
	vm9 =	vmor vm15, vm14;
	v13 =	vld [tilespmem:s28+$0x6040]  }
0x107: {  	vm0 =	vgt.f32 v0, $0.0e+00;
	v17 =	vadd.f32 v17, v15;
	v21 =	vnsel vm9, $0x0, v21;
	v15 =	vld [tilespmem:s28+$0xE040]  }
0x108: {  	vm0 =	vmor vm0, vm1;
	v14 =	vadd.f32 v20, v14;
	v16 =	vld [tilespmem:s28+$0x60C0];
	v18 =	vadd.f32 v21, v18  }
0x109: {  	v26 =	vnsel vm0, $0x0, v25;
	v17 =	vnsel vm8, $0x0, v17;
	v20 =	vmul.f32 v37, v37;
	v25 =	vld [tilespmem:s28+$0x6000]  }
0x10a: {  	vm6 =	vmor vm7, vm6;
	v24 =	vnsel vm4, $0x0, v14;
	v14 =	vld [tilespmem:s28+$0xE0B0];
	v21 =	vadd.f32 v17, v18  }
0x10b: {  	v19 =	vnsel vm6, $0x0, v19;
	v22 =	vadd.f32 v20, v22;
	v20 =	vld [tilespmem:s28+$0x6020]  }
0x10c: {  	v18 =	vld [tilespmem:s28+$0xE0C0];
	v21 =	vadd.f32 v19, v21  }
0x10d: {  	v17 =	vld [tilespmem:s28+$0x6030]  }
0x10e: {  	vm2 =	vmor vm3, vm2;
	v19 =	vld [tilespmem:s28+$0xE030];
	v24 =	vadd.f32 v24, v21  }
0x10f: {  	v22 =	vnsel vm2, $0x0, v22;
	v21 =	vld [tilespmem:s28+$0xE020]  }
0x110: {  	v27 =	vadd.f32 v22, v24;
	v22 =	vld [tilespmem:s28+$0xE0A0]  }
0x111: {  	v24 =	vld [tilespmem:s28+$0x6010]  }
0x112: {  	v0 =	vadd.f32 v23, v27;
	v23 =	vld [tilespmem:s28+$0xE090]  }
0x113: {  	vm0 =	vlt.f32 v8, $0.0e+00;
	vm2 =	vlt.f32 v12, $0.0e+00;
	v27 =	vld [tilespmem:s28+$0x6080]  }
0x114: {  	s29 =	simm.s32 $0x400;
	vm3 =	vgt.f32 v12, $0.0e+00;
	vm1 =	vgt.f32 v8, $0.0e+00;
	v0 =	vadd.f32 v26, v0;
	v26 =	vld [tilespmem:s28+$0xE000]  }
.LBB2_8:
0x115: {  	p0 =	sne.s32 s29, $0x7C00;
	v28 =	vld [tilespmem:s28+$0xE080];
	vm4 =	vlt.f32 v18, $0.0e+00;
	v29 =	vsub.f32 v2, v3;
	v30 =	vsub.f32 v4, v1  }
0x116: {  	vm5 =	vgt.f32 v18, $0.0e+00;
	v31 =	vsub.f32 v5, v6;
	v32 =	vsub.f32 v7, v8;
	v4 =	vld [tilespmem:s28+$0xE010]  }
0x117: {  	vm6 =	vlt.f32 v14, $0.0e+00;
	vm7 =	vgt.f32 v14, $0.0e+00;
	v33 =	vsub.f32 v9, v11;
	v5 =	vld [tilespmem:s28+$0x6090]  }
0x118: {  	s30 =	sshra.s32 s29, $0x2;
	vm8 =	vlt.f32 v22, $0.0e+00;
	vm9 =	vgt.f32 v22, $0.0e+00;
	v34 =	vsub.f32 v10, v12;
	v6 =	vld [tilespmem:s28+$0x60A0]  }
0x119: {  	v10 =	vsub.f32 v13, v15;
	v12 =	vsub.f32 v16, v18;
	vm10 =	vlt.f32 v23, $0.0e+00;
	v2 =	vld [tilespmem:s30+$0x6070]  }
0x11a: {  	vm11 =	vgt.f32 v23, $0.0e+00;
	v7 =	vsub.f32 v25, v26;
	v8 =	vsub.f32 v27, v28;
	v9 =	vld [tilespmem:s28+$0x60B0];
	s28 =	smov.u32 s30  }
0x11b: {  	v13 =	vsub.f32 v17, v19;
	vm12 =	vlt.f32 v28, $0.0e+00;
	v3 =	vld [tilespmem:s28+$0xE070];
	v11 =	vsub.f32 v24, v4  }
0x11c: {  	v7 =	vmul.f32 v7, v7;
	v4 =	vld [tilespmem:s28+$0x60F0];
	v8 =	vmul.f32 v8, v8;
	v15 =	vsub.f32 v5, v23  }
0x11d: {  	v16 =	vsub.f32 v20, v21;
	vm13 =	vgt.f32 v28, $0.0e+00;
	v23 =	vld [tilespmem:s28+$0xE0F0];
	v17 =	vsub.f32 v6, v22  }
0x11e: {  	v11 =	vmul.f32 v11, v11;
	v5 =	vld [tilespmem:s28+$0x6060];
	v8 =	vadd.f32 v8, v7;
	v15 =	vmul.f32 v15, v15  }
0x11f: {  	v16 =	vmul.f32 v16, v16;
	vm12 =	vmor vm13, vm12;
	v6 =	vld [tilespmem:s28+$0xE060];
	v14 =	vsub.f32 v9, v14  }
0x120: {  	v7 =	vld [tilespmem:s28+$0x60E0];
	v9 =	vnsel vm12, $0x0, v8;
	v11 =	vadd.f32 v15, v11;
	v15 =	vmul.f32 v17, v17  }
0x121: {  	vm10 =	vmor vm11, vm10;
	v13 =	vmul.f32 v13, v13;
	v8 =	vld [tilespmem:s28+$0xE0E0];
	v0 =	vadd.f32 v9, v0  }
0x122: {  	v14 =	vmul.f32 v14, v14;
	v9 =	vld [tilespmem:s28+$0x6050];
	v17 =	vnsel vm10, $0x0, v11;
	v15 =	vadd.f32 v15, v16  }
0x123: {  	vm8 =	vmor vm9, vm8;
	v16 =	vmul.f32 v10, v10;
	v11 =	vld [tilespmem:s28+$0xE050];
	v0 =	vadd.f32 v17, v0  }
0x124: {  	v14 =	vadd.f32 v14, v13;
	v17 =	vmul.f32 v12, v12;
	v10 =	vld [tilespmem:s28+$0x60D0];
	v15 =	vnsel vm8, $0x0, v15  }
0x125: {  	vm6 =	vmor vm7, vm6;
	v18 =	vmul.f32 v33, v33;
	v12 =	vld [tilespmem:s28+$0xE0D0];
	v0 =	vadd.f32 v15, v0  }
0x126: {  	v19 =	vmul.f32 v34, v34;
	v14 =	vnsel vm6, $0x0, v14;
	v17 =	vadd.f32 v17, v16;
	v13 =	vld [tilespmem:s28+$0x6040]  }
0x127: {  	vm4 =	vmor vm5, vm4;
	v15 =	vld [tilespmem:s28+$0xE040];
	v0 =	vadd.f32 v14, v0;
	v14 =	vmul.f32 v31, v31  }
0x128: {  	v20 =	vmul.f32 v32, v32;
	v19 =	vadd.f32 v19, v18;
	v17 =	vnsel vm4, $0x0, v17;
	v16 =	vld [tilespmem:s28+$0x60C0]  }
0x129: {  	vm2 =	vmor vm3, vm2;
	v21 =	vmul.f32 v29, v29;
	v18 =	vld [tilespmem:s28+$0xE0C0];
	v0 =	vadd.f32 v17, v0  }
0x12a: {  	v24 =	vmul.f32 v30, v30;
	v22 =	vnsel vm2, $0x0, v19;
	v20 =	vadd.f32 v20, v14;
	v17 =	vld [tilespmem:s28+$0x6030]  }
0x12b: {  	vm0 =	vmor vm1, vm0;
	vm1 =	vlt.f32 v1, $0.0e+00;
	v19 =	vld [tilespmem:s28+$0xE030];
	v0 =	vadd.f32 v22, v0  }
0x12c: {  	v24 =	vadd.f32 v24, v21;
	v22 =	vnsel vm0, $0x0, v20;
	vm0 =	vgt.f32 v1, $0.0e+00;
	v1 =	vmovc v23;
	v14 =	vld [tilespmem:s28+$0xE0B0]  }
0x12d: {  	vm0 =	vmor vm0, vm1;
	v20 =	vld [tilespmem:s28+$0x6020];
	v0 =	vadd.f32 v22, v0  }
0x12e: {  	v23 =	vnsel vm0, $0x0, v24;
	v21 =	vld [tilespmem:s28+$0xE020]  }
0x12f: {  	v22 =	vld [tilespmem:s28+$0xE0A0];
	v0 =	vadd.f32 v23, v0  }
.Ltmp3:
0x130: {  	v24 =	vld [tilespmem:s28+$0x6010];
	(pc) =	sbr.rel @p0 .LBB2_8-.Ltmp3, $4  }
0x131: {  	v23 =	vld [tilespmem:s28+$0xE090]  }
0x132: {  	v25 =	vld [tilespmem:s28+$0x6000]  }
0x133: {  	vm0 =	vlt.f32 v8, $0.0e+00;
	v26 =	vld [tilespmem:s28+$0xE000]  }
0x134: {  	s29 =	sadd.s32 $0x400, s29;
	vm2 =	vlt.f32 v12, $0.0e+00;
	vm3 =	vgt.f32 v12, $0.0e+00;
	vm1 =	vgt.f32 v8, $0.0e+00;
	v27 =	vld [tilespmem:s28+$0x6080]  }
0x135: {  	v28 =	vld [tilespmem:s28+$0xE080];
	vm4 =	vlt.f32 v18, $0.0e+00;
	v2 =	vsub.f32 v2, v3;
	v3 =	vsub.f32 v4, v1  }
0x136: {  	v41 =	vld [tilespmem:s28+$0xE010];
	vm5 =	vgt.f32 v18, $0.0e+00;
	v5 =	vsub.f32 v5, v6;
	v42 =	vsub.f32 v7, v8  }
0x137: {  	v43 =	vld [tilespmem:s28+$0x6090];
	vm6 =	vlt.f32 v14, $0.0e+00;
	v44 =	vsub.f32 v9, v11;
	v10 =	vsub.f32 v10, v12  }
0x138: {  	vm7 =	vgt.f32 v14, $0.0e+00;
	v45 =	vld [tilespmem:s28+$0x60A0];
	v46 =	vsub.f32 v13, v15;
	v47 =	vsub.f32 v16, v18  }
0x139: {  	vm8 =	vlt.f32 v22, $0.0e+00;
	v17 =	vsub.f32 v17, v19;
	v51 =	vsub.f32 v20, v21  }
0x13a: {  	vm9 =	vgt.f32 v22, $0.0e+00;
	v50 =	vld [tilespmem:s28+$0x60B0];
	v48 =	vsub.f32 v25, v26;
	v49 =	vsub.f32 v27, v28  }
0x13b: {  	vm10 =	vlt.f32 v23, $0.0e+00;
	vm11 =	vgt.f32 v23, $0.0e+00;
	v4 =	vsub.f32 v24, v41  }
0x13c: {  	v13 =	vmul.f32 v48, v48;
	v7 =	vsub.f32 v43, v23;
	v15 =	vmul.f32 v49, v49  }
0x13d: {  	vm12 =	vlt.f32 v28, $0.0e+00;
	vm13 =	vgt.f32 v28, $0.0e+00;
	v9 =	vsub.f32 v45, v22  }
0x13e: {  	v4 =	vmul.f32 v4, v4;
	v7 =	vmul.f32 v7, v7;
	v13 =	vadd.f32 v15, v13  }
0x13f: {  	v52 =	vmul.f32 v51, v51;
	v53 =	vsub.f32 v50, v14;
	vm12 =	vmor vm13, vm12  }
0x140: {  	v54 =	vmul.f32 v9, v9;
	v4 =	vadd.f32 v7, v4;
	v13 =	vnsel vm12, $0x0, v13  }
0x141: {  	vm10 =	vmor vm11, vm10;
	v55 =	vmul.f32 v17, v17;
	v0 =	vadd.f32 v13, v0  }
0x142: {  	v56 =	vmul.f32 v53, v53;
	v7 =	vadd.f32 v54, v52;
	v4 =	vnsel vm10, $0x0, v4  }
0x143: {  	vm8 =	vmor vm9, vm8;
	v57 =	vmul.f32 v46, v46;
	v0 =	vadd.f32 v4, v0  }
0x144: {  	v58 =	vmul.f32 v47, v47;
	v9 =	vadd.f32 v56, v55;
	v7 =	vnsel vm8, $0x0, v7  }
0x145: {  	vm6 =	vmor vm7, vm6;
	v59 =	vmul.f32 v44, v44;
	v0 =	vadd.f32 v7, v0  }
0x146: {  	v61 =	vmul.f32 v10, v10;
	v60 =	vnsel vm6, $0x0, v9;
	v4 =	vadd.f32 v58, v57  }
0x147: {  	vm4 =	vmor vm5, vm4;
	v5 =	vmul.f32 v5, v5;
	v0 =	vadd.f32 v60, v0  }
0x148: {  	v6 =	vmul.f32 v42, v42;
	v4 =	vnsel vm4, $0x0, v4;
	v7 =	vadd.f32 v61, v59  }
0x149: {  	vm2 =	vmor vm3, vm2;
	s25 =	sadd.s32 $0x1, s25;
	v2 =	vmul.f32 v2, v2;
	v0 =	vadd.f32 v4, v0  }
0x14a: {  	s26 =	sadd.s32 s26, s15;
	p0 =	sne.s32 s25, $0x4;
	v3 =	vmul.f32 v3, v3;
	v5 =	vadd.f32 v6, v5;
	v62 =	vnsel vm2, $0x0, v7  }
.Ltmp4:
0x14b: {  	vm0 =	vmor vm1, vm0;
	vm14 =	vlt.f32 v1, $0.0e+00;
	s26 =	sshrl.u32 s26, $0x3;
	v0 =	vadd.f32 v62, v0;
	(pc) =	sbr.rel @p0 .LBB2_1-.Ltmp4, $4  }
0x14c: {  	vm15 =	vgt.f32 v1, $0.0e+00;
	s31 =	sadd.s32 s3, s26;
	v2 =	vadd.f32 v3, v2;
	v63 =	vnsel vm0, $0x0, v5  }
0x14d: {  	[tilespmem:s13], [sflag:$0x4] =	stream.linear.gather [hbm4b:s31+s5], $0x2000, $0x38;
	vm0 =	vmor vm15, vm14;
	v0 =	vadd.f32 v63, v0;
	[tilespmem:$0x10080] =	vst v63  }
0x14e: {  	s26 =	sadd.s32 s4, s26;
	v1 =	vnsel vm0, $0x0, v2  }
0x14f: {  	[tilespmem:s16], [sflag:$0x8] =	stream.linear.gather [hbm4b:s26+s5], $0x2000, $0x38;
	v0 =	vadd.f32 v1, v0;
	[tilespmem:$0x10080] =	vst v63  }
0x150: {  	s3 =	simm.s32 $0x1  }
0x151: {  	_ =	swait.ge [sflag:s3], $0x2000  }
0x152: {  	[sflag:s3] =	ssyncset.done $0x0  }
0x153: {  	s31 =	simm.s32 $0x5;
	[sflag:s3] =	ssyncadd.s32 $0xFFFFE000  }
0x154: {  	_ =	swait.ge [sflag:s31], $0x2000  }
0x155: {  	[sflag:s31] =	ssyncset.done $0x0  }
0x156: {  	s3 =	simm.s32 $0x0;
	[sflag:s31] =	ssyncadd.s32 $0xFFFFE000  }
0x157: {  	v1 =	vld [tilespmem:s3+$0x70]  }
0x158: {  	v3 =	vld [tilespmem:s3+$0x8070]  }
0x159: {  	v4 =	vld [tilespmem:s3+$0xF0]  }
0x15a: {  	v2 =	vld [tilespmem:s3+$0x80F0]  }
0x15b: {  	v5 =	vld [tilespmem:s3+$0x60]  }
0x15c: {  	v6 =	vld [tilespmem:s3+$0x8060]  }
0x15d: {  	v7 =	vld [tilespmem:s3+$0xE0]  }
0x15e: {  	v9 =	vld [tilespmem:s3+$0x80E0]  }
0x15f: {  	v8 =	vld [tilespmem:s3+$0x50]  }
0x160: {  	v13 =	vld [tilespmem:s3+$0x8050]  }
0x161: {  	v11 =	vld [tilespmem:s3+$0xD0]  }
0x162: {  	v15 =	vld [tilespmem:s3+$0x80D0]  }
0x163: {  	v14 =	vld [tilespmem:s3+$0x40]  }
0x164: {  	v18 =	vld [tilespmem:s3+$0x8040]  }
0x165: {  	v17 =	vld [tilespmem:s3+$0xC0]  }
0x166: {  	v21 =	vld [tilespmem:s3+$0x80C0]  }
0x167: {  	v16 =	vld [tilespmem:s3+$0x30]  }
0x168: {  	v20 =	vld [tilespmem:s3+$0x8030]  }
0x169: {  	v10 =	vld [tilespmem:s3+$0x80B0]  }
0x16a: {  	v19 =	vld [tilespmem:s3+$0x20]  }
0x16b: {  	v23 =	vld [tilespmem:s3+$0x8020]  }
0x16c: {  	v12 =	vld [tilespmem:s3+$0x80A0]  }
0x16d: {  	v24 =	vld [tilespmem:s3+$0x10]  }
0x16e: {  	v22 =	vld [tilespmem:s3+$0x8090]  }
0x16f: {  	v25 =	vld [tilespmem:s3+$0x0]  }
0x170: {  	v26 =	vld [tilespmem:s3+$0x8000];
	vm0 =	vlt.f32 v9, $0.0e+00  }
0x171: {  	s4 =	simm.s32 $0x400;
	v27 =	vld [tilespmem:s3+$0x80];
	vm2 =	vlt.f32 v15, $0.0e+00;
	vm3 =	vgt.f32 v15, $0.0e+00;
	vm1 =	vgt.f32 v9, $0.0e+00  }
.LBB2_11:
0x172: {  	p0 =	sne.s32 s4, $0x7C00;
	v28 =	vld [tilespmem:s3+$0x8080];
	vm4 =	vlt.f32 v21, $0.0e+00;
	v29 =	vsub.f32 v1, v3;
	v30 =	vsub.f32 v4, v2  }
0x173: {  	vm5 =	vgt.f32 v21, $0.0e+00;
	v31 =	vsub.f32 v5, v6;
	v32 =	vsub.f32 v7, v9;
	v4 =	vld [tilespmem:s3+$0x8010]  }
0x174: {  	vm6 =	vlt.f32 v10, $0.0e+00;
	vm7 =	vgt.f32 v10, $0.0e+00;
	v33 =	vsub.f32 v8, v13;
	v5 =	vld [tilespmem:s3+$0x90]  }
0x175: {  	s5 =	sshra.s32 s4, $0x2;
	vm8 =	vlt.f32 v12, $0.0e+00;
	vm9 =	vgt.f32 v12, $0.0e+00;
	v34 =	vsub.f32 v11, v15;
	v6 =	vld [tilespmem:s3+$0xA0]  }
0x176: {  	v11 =	vsub.f32 v14, v18;
	v14 =	vsub.f32 v17, v21;
	vm10 =	vlt.f32 v22, $0.0e+00;
	v1 =	vld [tilespmem:s5+$0x70]  }
0x177: {  	vm11 =	vgt.f32 v22, $0.0e+00;
	v7 =	vsub.f32 v25, v26;
	v8 =	vsub.f32 v27, v28;
	v9 =	vld [tilespmem:s3+$0xB0];
	s3 =	smov.u32 s5  }
0x178: {  	v15 =	vsub.f32 v16, v20;
	vm12 =	vlt.f32 v28, $0.0e+00;
	v3 =	vld [tilespmem:s3+$0x8070];
	v13 =	vsub.f32 v24, v4  }
0x179: {  	v7 =	vmul.f32 v7, v7;
	v4 =	vld [tilespmem:s3+$0xF0];
	v8 =	vmul.f32 v8, v8;
	v16 =	vsub.f32 v5, v22  }
0x17a: {  	v17 =	vsub.f32 v19, v23;
	vm13 =	vgt.f32 v28, $0.0e+00;
	v22 =	vld [tilespmem:s3+$0x80F0];
	v12 =	vsub.f32 v6, v12  }
0x17b: {  	v13 =	vmul.f32 v13, v13;
	v5 =	vld [tilespmem:s3+$0x60];
	v8 =	vadd.f32 v8, v7;
	v16 =	vmul.f32 v16, v16  }
0x17c: {  	v17 =	vmul.f32 v17, v17;
	vm12 =	vmor vm13, vm12;
	v6 =	vld [tilespmem:s3+$0x8060];
	v10 =	vsub.f32 v9, v10  }
0x17d: {  	v12 =	vmul.f32 v12, v12;
	v7 =	vld [tilespmem:s3+$0xE0];
	v8 =	vnsel vm12, $0x0, v8;
	v13 =	vadd.f32 v16, v13  }
0x17e: {  	vm10 =	vmor vm11, vm10;
	v15 =	vmul.f32 v15, v15;
	v9 =	vld [tilespmem:s3+$0x80E0];
	v0 =	vadd.f32 v8, v0  }
0x17f: {  	v12 =	vadd.f32 v12, v17;
	v10 =	vmul.f32 v10, v10;
	v8 =	vld [tilespmem:s3+$0x50];
	v16 =	vnsel vm10, $0x0, v13  }
0x180: {  	vm8 =	vmor vm9, vm8;
	v13 =	vld [tilespmem:s3+$0x8050];
	v0 =	vadd.f32 v16, v0;
	v16 =	vmul.f32 v11, v11  }
0x181: {  	v17 =	vmul.f32 v14, v14;
	v12 =	vnsel vm8, $0x0, v12;
	v10 =	vadd.f32 v10, v15;
	v11 =	vld [tilespmem:s3+$0xD0]  }
0x182: {  	vm6 =	vmor vm7, vm6;
	v15 =	vld [tilespmem:s3+$0x80D0];
	v0 =	vadd.f32 v12, v0;
	v12 =	vmul.f32 v33, v33  }
0x183: {  	v19 =	vmul.f32 v34, v34;
	v10 =	vnsel vm6, $0x0, v10;
	v16 =	vadd.f32 v17, v16;
	v14 =	vld [tilespmem:s3+$0x40]  }
0x184: {  	vm4 =	vmor vm5, vm4;
	v18 =	vld [tilespmem:s3+$0x8040];
	v0 =	vadd.f32 v10, v0;
	v10 =	vmul.f32 v31, v31  }
0x185: {  	v16 =	vnsel vm4, $0x0, v16;
	v12 =	vadd.f32 v19, v12;
	v19 =	vmul.f32 v32, v32;
	v17 =	vld [tilespmem:s3+$0xC0]  }
0x186: {  	vm2 =	vmor vm3, vm2;
	v23 =	vmul.f32 v29, v29;
	v21 =	vld [tilespmem:s3+$0x80C0];
	v0 =	vadd.f32 v16, v0  }
0x187: {  	v24 =	vmul.f32 v30, v30;
	v12 =	vnsel vm2, $0x0, v12;
	v19 =	vadd.f32 v19, v10;
	v16 =	vld [tilespmem:s3+$0x30]  }
0x188: {  	vm0 =	vmor vm1, vm0;
	vm1 =	vlt.f32 v2, $0.0e+00;
	v20 =	vld [tilespmem:s3+$0x8030];
	v0 =	vadd.f32 v12, v0  }
0x189: {  	v24 =	vadd.f32 v24, v23;
	v12 =	vnsel vm0, $0x0, v19;
	vm0 =	vgt.f32 v2, $0.0e+00;
	v2 =	vmovc v22;
	v10 =	vld [tilespmem:s3+$0x80B0]  }
0x18a: {  	vm0 =	vmor vm0, vm1;
	v19 =	vld [tilespmem:s3+$0x20];
	v0 =	vadd.f32 v12, v0  }
0x18b: {  	v22 =	vnsel vm0, $0x0, v24;
	v23 =	vld [tilespmem:s3+$0x8020]  }
0x18c: {  	v12 =	vld [tilespmem:s3+$0x80A0];
	v0 =	vadd.f32 v22, v0  }
.Ltmp5:
0x18d: {  	v24 =	vld [tilespmem:s3+$0x10];
	(pc) =	sbr.rel @p0 .LBB2_11-.Ltmp5, $4  }
0x18e: {  	v22 =	vld [tilespmem:s3+$0x8090]  }
0x18f: {  	v25 =	vld [tilespmem:s3+$0x0]  }
0x190: {  	vm0 =	vlt.f32 v9, $0.0e+00;
	v26 =	vld [tilespmem:s3+$0x8000]  }
0x191: {  	s4 =	sadd.s32 $0x400, s4;
	vm2 =	vlt.f32 v15, $0.0e+00;
	vm3 =	vgt.f32 v15, $0.0e+00;
	vm1 =	vgt.f32 v9, $0.0e+00;
	v27 =	vld [tilespmem:s3+$0x80]  }
0x192: {  	v28 =	vld [tilespmem:s3+$0x8080]  }
0x193: {  	v29 =	vld [tilespmem:s3+$0x8010]  }
0x194: {  	v30 =	vld [tilespmem:s3+$0x90]  }
0x195: {  	v31 =	vld [tilespmem:s3+$0xA0];
	s30 =	simm.s32 $0x2  }
0x196: {  	v32 =	vld [tilespmem:s3+$0xB0];
	_ =	swait.ge [sflag:s30], $0x2000  }
0x197: {  	[sflag:s30] =	ssyncset.done $0x0  }
0x198: {  	s31 =	simm.s32 $0x6;
	v33 =	vsub.f32 v1, v3;
	[sflag:s30] =	ssyncadd.s32 $0xFFFFE000  }
0x199: {  	v34 =	vsub.f32 v5, v6;
	v35 =	vsub.f32 v7, v9;
	_ =	swait.ge [sflag:s31], $0x2000  }
0x19a: {  	v36 =	vsub.f32 v8, v13;
	vm4 =	vlt.f32 v21, $0.0e+00;
	v37 =	vsub.f32 v11, v15;
	[sflag:s31] =	ssyncset.done $0x0  }
0x19b: {  	s3 =	simm.s32 $0x0;
	v38 =	vsub.f32 v4, v2;
	vm5 =	vgt.f32 v21, $0.0e+00;
	v15 =	vsub.f32 v14, v18;
	[sflag:s31] =	ssyncadd.s32 $0xFFFFE000  }
0x19c: {  	vm6 =	vlt.f32 v10, $0.0e+00;
	vm7 =	vgt.f32 v10, $0.0e+00;
	v17 =	vsub.f32 v17, v21;
	v3 =	vld [tilespmem:s3+$0x2070]  }
0x19d: {  	v13 =	vsub.f32 v16, v20;
	vm8 =	vlt.f32 v12, $0.0e+00;
	v16 =	vsub.f32 v19, v23;
	v5 =	vld [tilespmem:s3+$0xA070]  }
0x19e: {  	vm11 =	vgt.f32 v12, $0.0e+00;
	vm14 =	vlt.f32 v22, $0.0e+00;
	v6 =	vsub.f32 v25, v26;
	v4 =	vld [tilespmem:s3+$0x20F0]  }
0x19f: {  	v16 =	vmul.f32 v16, v16;
	v23 =	vmul.f32 v37, v37;
	v7 =	vsub.f32 v27, v28;
	v1 =	vld [tilespmem:s3+$0xA0F0]  }
0x1a0: {  	v25 =	vmul.f32 v35, v35;
	v9 =	vsub.f32 v24, v29;
	v8 =	vmul.f32 v6, v6;
	v6 =	vld [tilespmem:s3+$0x2060]  }
0x1a1: {  	vm15 =	vgt.f32 v22, $0.0e+00;
	v26 =	vmul.f32 v33, v33;
	v11 =	vmul.f32 v7, v7;
	v7 =	vld [tilespmem:s3+$0xA060]  }
0x1a2: {  	v14 =	vsub.f32 v30, v22;
	vm9 =	vlt.f32 v28, $0.0e+00;
	v18 =	vmul.f32 v9, v9;
	v9 =	vld [tilespmem:s3+$0xA0E0]  }
0x1a3: {  	vm10 =	vgt.f32 v28, $0.0e+00;
	v20 =	vsub.f32 v32, v10;
	v22 =	vmul.f32 v36, v36;
	v10 =	vld [tilespmem:s3+$0x2050]  }
0x1a4: {  	v19 =	vsub.f32 v31, v12;
	v12 =	vmul.f32 v13, v13;
	v24 =	vmul.f32 v34, v34;
	v13 =	vld [tilespmem:s3+$0xA0D0]  }
0x1a5: {  	v14 =	vmul.f32 v14, v14;
	v23 =	vadd.f32 v23, v22;
	v22 =	vld [tilespmem:s3+$0x2020];
	v11 =	vadd.f32 v11, v8  }
0x1a6: {  	vm9 =	vmor vm10, vm9;
	v24 =	vadd.f32 v25, v24;
	v25 =	vmul.f32 v38, v38;
	v27 =	vld [tilespmem:s3+$0xA000]  }
0x1a7: {  	v28 =	vld [tilespmem:s3+$0x2080];
	v14 =	vadd.f32 v14, v18;
	v18 =	vmul.f32 v19, v19;
	v21 =	vnsel vm9, $0x0, v11  }
0x1a8: {  	v8 =	vld [tilespmem:s3+$0x20E0];
	v26 =	vadd.f32 v25, v26;
	vm9 =	vmor vm15, vm14;
	v19 =	vadd.f32 v21, v0  }
0x1a9: {  	v25 =	vld [tilespmem:s3+$0x2010];
	v16 =	vadd.f32 v18, v16;
	v18 =	vmul.f32 v20, v20;
	v21 =	vnsel vm9, $0x0, v14  }
0x1aa: {  	vm8 =	vmor vm11, vm8;
	v17 =	vmul.f32 v17, v17;
	v11 =	vld [tilespmem:s3+$0xA050];
	v19 =	vadd.f32 v21, v19  }
0x1ab: {  	v20 =	vmul.f32 v15, v15;
	v15 =	vld [tilespmem:s3+$0xA040];
	v12 =	vadd.f32 v18, v12;
	v21 =	vnsel vm8, $0x0, v16  }
0x1ac: {  	vm6 =	vmor vm7, vm6;
	v0 =	vld [tilespmem:s3+$0x20D0];
	v18 =	vadd.f32 v21, v19  }
0x1ad: {  	v14 =	vld [tilespmem:s3+$0x2040];
	v20 =	vadd.f32 v17, v20;
	v12 =	vnsel vm6, $0x0, v12  }
0x1ae: {  	vm4 =	vmor vm5, vm4;
	v17 =	vld [tilespmem:s3+$0x2030];
	v18 =	vadd.f32 v12, v18  }
0x1af: {  	v16 =	vld [tilespmem:s3+$0x20C0];
	v20 =	vnsel vm4, $0x0, v20  }
0x1b0: {  	vm2 =	vmor vm3, vm2;
	v19 =	vld [tilespmem:s3+$0xA0C0];
	v18 =	vadd.f32 v20, v18  }
0x1b1: {  	v21 =	vld [tilespmem:s3+$0xA030];
	v20 =	vnsel vm2, $0x0, v23  }
0x1b2: {  	vm0 =	vmor vm1, vm0;
	v12 =	vld [tilespmem:s3+$0xA0B0];
	v18 =	vadd.f32 v20, v18  }
0x1b3: {  	vm1 =	vlt.f32 v2, $0.0e+00;
	v24 =	vnsel vm0, $0x0, v24;
	vm0 =	vgt.f32 v2, $0.0e+00;
	v23 =	vld [tilespmem:s3+$0xA020]  }
0x1b4: {  	vm0 =	vmor vm0, vm1;
	v20 =	vld [tilespmem:s3+$0xA0A0];
	v2 =	vadd.f32 v24, v18  }
0x1b5: {  	vm3 =	vgt.f32 v13, $0.0e+00;
	vm1 =	vgt.f32 v9, $0.0e+00;
	v24 =	vld [tilespmem:s3+$0xA090];
	v18 =	vnsel vm0, $0x0, v26  }
0x1b6: {  	s4 =	simm.s32 $0x400;
	vm2 =	vlt.f32 v13, $0.0e+00;
	v26 =	vld [tilespmem:s3+$0x2000];
	vm0 =	vlt.f32 v9, $0.0e+00;
	v18 =	vadd.f32 v18, v2  }
.LBB2_13:
0x1b7: {  	p0 =	sne.s32 s4, $0x7C00;
	v2 =	vld [tilespmem:s3+$0xA080];
	vm4 =	vlt.f32 v19, $0.0e+00;
	v29 =	vsub.f32 v3, v5;
	v30 =	vsub.f32 v4, v1  }
0x1b8: {  	vm5 =	vgt.f32 v19, $0.0e+00;
	v31 =	vsub.f32 v6, v7;
	v32 =	vsub.f32 v8, v9;
	v4 =	vld [tilespmem:s3+$0xA010]  }
0x1b9: {  	vm6 =	vlt.f32 v12, $0.0e+00;
	vm7 =	vgt.f32 v12, $0.0e+00;
	v33 =	vsub.f32 v10, v11;
	v6 =	vld [tilespmem:s3+$0x2090]  }
0x1ba: {  	s5 =	sshra.s32 s4, $0x2;
	vm8 =	vlt.f32 v20, $0.0e+00;
	vm9 =	vgt.f32 v20, $0.0e+00;
	v34 =	vsub.f32 v0, v13;
	v7 =	vld [tilespmem:s3+$0x20A0]  }
0x1bb: {  	v0 =	vsub.f32 v14, v15;
	v13 =	vsub.f32 v16, v19;
	vm10 =	vlt.f32 v24, $0.0e+00;
	v3 =	vld [tilespmem:s5+$0x2070]  }
0x1bc: {  	vm11 =	vgt.f32 v24, $0.0e+00;
	v8 =	vsub.f32 v26, v27;
	v9 =	vsub.f32 v28, v2;
	v10 =	vld [tilespmem:s3+$0x20B0];
	s3 =	smov.u32 s5  }
0x1bd: {  	v14 =	vsub.f32 v17, v21;
	vm12 =	vlt.f32 v2, $0.0e+00;
	v5 =	vld [tilespmem:s3+$0xA070];
	v11 =	vsub.f32 v25, v4  }
0x1be: {  	v8 =	vmul.f32 v8, v8;
	v4 =	vld [tilespmem:s3+$0x20F0];
	v9 =	vmul.f32 v9, v9;
	v15 =	vsub.f32 v6, v24  }
0x1bf: {  	vm13 =	vgt.f32 v2, $0.0e+00;
	v2 =	vsub.f32 v22, v23;
	v24 =	vld [tilespmem:s3+$0xA0F0];
	v16 =	vsub.f32 v7, v20  }
0x1c0: {  	v11 =	vmul.f32 v11, v11;
	v6 =	vld [tilespmem:s3+$0x2060];
	v9 =	vadd.f32 v9, v8;
	v15 =	vmul.f32 v15, v15  }
0x1c1: {  	vm12 =	vmor vm13, vm12;
	v2 =	vmul.f32 v2, v2;
	v7 =	vld [tilespmem:s3+$0xA060];
	v12 =	vsub.f32 v10, v12  }
0x1c2: {  	v8 =	vld [tilespmem:s3+$0x20E0];
	v10 =	vnsel vm12, $0x0, v9;
	v11 =	vadd.f32 v15, v11;
	v15 =	vmul.f32 v16, v16  }
0x1c3: {  	vm10 =	vmor vm11, vm10;
	v14 =	vmul.f32 v14, v14;
	v9 =	vld [tilespmem:s3+$0xA0E0];
	v16 =	vadd.f32 v10, v18  }
0x1c4: {  	v12 =	vmul.f32 v12, v12;
	v10 =	vld [tilespmem:s3+$0x2050];
	v17 =	vnsel vm10, $0x0, v11;
	v2 =	vadd.f32 v15, v2  }
0x1c5: {  	vm8 =	vmor vm9, vm8;
	v11 =	vld [tilespmem:s3+$0xA050];
	v15 =	vadd.f32 v17, v16;
	v16 =	vmul.f32 v0, v0  }
0x1c6: {  	v12 =	vadd.f32 v12, v14;
	v17 =	vmul.f32 v13, v13;
	v0 =	vld [tilespmem:s3+$0x20D0];
	v2 =	vnsel vm8, $0x0, v2  }
0x1c7: {  	vm6 =	vmor vm7, vm6;
	v18 =	vmul.f32 v33, v33;
	v13 =	vld [tilespmem:s3+$0xA0D0];
	v2 =	vadd.f32 v2, v15  }
0x1c8: {  	v19 =	vmul.f32 v34, v34;
	v12 =	vnsel vm6, $0x0, v12;
	v17 =	vadd.f32 v17, v16;
	v14 =	vld [tilespmem:s3+$0x2040]  }
0x1c9: {  	vm4 =	vmor vm5, vm4;
	v15 =	vld [tilespmem:s3+$0xA040];
	v2 =	vadd.f32 v12, v2;
	v12 =	vmul.f32 v31, v31  }
0x1ca: {  	v20 =	vmul.f32 v32, v32;
	v18 =	vadd.f32 v19, v18;
	v17 =	vnsel vm4, $0x0, v17;
	v16 =	vld [tilespmem:s3+$0x20C0]  }
0x1cb: {  	vm2 =	vmor vm3, vm2;
	v22 =	vmul.f32 v29, v29;
	v19 =	vld [tilespmem:s3+$0xA0C0];
	v2 =	vadd.f32 v17, v2  }
0x1cc: {  	v23 =	vmul.f32 v30, v30;
	v18 =	vnsel vm2, $0x0, v18;
	v20 =	vadd.f32 v20, v12;
	v17 =	vld [tilespmem:s3+$0x2030]  }
0x1cd: {  	vm0 =	vmor vm1, vm0;
	vm1 =	vlt.f32 v1, $0.0e+00;
	v21 =	vld [tilespmem:s3+$0xA030];
	v2 =	vadd.f32 v18, v2  }
0x1ce: {  	v18 =	vnsel vm0, $0x0, v20;
	v20 =	vadd.f32 v23, v22;
	vm0 =	vgt.f32 v1, $0.0e+00;
	v1 =	vmovc v24;
	v12 =	vld [tilespmem:s3+$0xA0B0]  }
0x1cf: {  	vm0 =	vmor vm0, vm1;
	v22 =	vld [tilespmem:s3+$0x2020];
	v2 =	vadd.f32 v18, v2  }
0x1d0: {  	v18 =	vnsel vm0, $0x0, v20;
	v23 =	vld [tilespmem:s3+$0xA020]  }
0x1d1: {  	v20 =	vld [tilespmem:s3+$0xA0A0];
	v18 =	vadd.f32 v18, v2  }
.Ltmp6:
0x1d2: {  	v25 =	vld [tilespmem:s3+$0x2010];
	(pc) =	sbr.rel @p0 .LBB2_13-.Ltmp6, $4  }
0x1d3: {  	v24 =	vld [tilespmem:s3+$0xA090]  }
0x1d4: {  	v26 =	vld [tilespmem:s3+$0x2000]  }
0x1d5: {  	vm0 =	vlt.f32 v9, $0.0e+00;
	v27 =	vld [tilespmem:s3+$0xA000]  }
0x1d6: {  	s4 =	sadd.s32 $0x400, s4;
	vm2 =	vlt.f32 v13, $0.0e+00;
	vm3 =	vgt.f32 v13, $0.0e+00;
	vm1 =	vgt.f32 v9, $0.0e+00;
	v28 =	vld [tilespmem:s3+$0x2080]  }
0x1d7: {  	v29 =	vld [tilespmem:s3+$0xA080]  }
0x1d8: {  	v30 =	vld [tilespmem:s3+$0xA010]  }
0x1d9: {  	v31 =	vld [tilespmem:s3+$0x2090]  }
0x1da: {  	v32 =	vld [tilespmem:s3+$0x20A0];
	s30 =	simm.s32 $0x3  }
0x1db: {  	v33 =	vld [tilespmem:s3+$0x20B0];
	v34 =	vsub.f32 v3, v5;
	_ =	swait.ge [sflag:s30], $0x2000  }
0x1dc: {  	v35 =	vsub.f32 v6, v7;
	v36 =	vsub.f32 v8, v9;
	[sflag:s30] =	ssyncset.done $0x0  }
0x1dd: {  	s31 =	simm.s32 $0x7;
	v37 =	vsub.f32 v10, v11;
	vm4 =	vlt.f32 v19, $0.0e+00;
	v38 =	vsub.f32 v0, v13;
	[sflag:s30] =	ssyncadd.s32 $0xFFFFE000  }
0x1de: {  	v39 =	vsub.f32 v4, v1;
	vm5 =	vgt.f32 v19, $0.0e+00;
	v15 =	vsub.f32 v14, v15;
	_ =	swait.ge [sflag:s31], $0x2000  }
0x1df: {  	vm6 =	vlt.f32 v12, $0.0e+00;
	vm7 =	vgt.f32 v12, $0.0e+00;
	v16 =	vsub.f32 v16, v19;
	[sflag:s31] =	ssyncset.done $0x0  }
0x1e0: {  	s3 =	simm.s32 $0x0;
	v13 =	vsub.f32 v17, v21;
	vm8 =	vlt.f32 v20, $0.0e+00;
	v11 =	vsub.f32 v22, v23;
	[sflag:s31] =	ssyncadd.s32 $0xFFFFE000  }
0x1e1: {  	vm11 =	vgt.f32 v20, $0.0e+00;
	vm0 =	vmor vm1, vm0;
	vm1 =	vlt.f32 v1, $0.0e+00;
	v2 =	vld [tilespmem:s3+$0x4070]  }
0x1e2: {  	vm14 =	vlt.f32 v24, $0.0e+00;
	vm15 =	vgt.f32 v24, $0.0e+00;
	vm8 =	vmor vm11, vm8;
	v4 =	vld [tilespmem:s3+$0xC070]  }
0x1e3: {  	v22 =	vmul.f32 v37, v37;
	v23 =	vmul.f32 v38, v38;
	v5 =	vsub.f32 v26, v27;
	v3 =	vld [tilespmem:s3+$0x40F0]  }
0x1e4: {  	v21 =	vmul.f32 v11, v11;
	v26 =	vmul.f32 v34, v34;
	v6 =	vsub.f32 v28, v29;
	v0 =	vld [tilespmem:s3+$0xC0F0]  }
0x1e5: {  	v23 =	vadd.f32 v23, v22;
	v8 =	vsub.f32 v25, v30;
	v7 =	vmul.f32 v5, v5;
	v5 =	vld [tilespmem:s3+$0x4060]  }
0x1e6: {  	v10 =	vsub.f32 v31, v24;
	vm9 =	vlt.f32 v29, $0.0e+00;
	v9 =	vmul.f32 v6, v6;
	v6 =	vld [tilespmem:s3+$0xC060]  }
0x1e7: {  	vm10 =	vgt.f32 v29, $0.0e+00;
	v17 =	vsub.f32 v32, v20;
	v14 =	vmul.f32 v8, v8;
	v8 =	vld [tilespmem:s3+$0xC0E0]  }
0x1e8: {  	v12 =	vsub.f32 v33, v12;
	v24 =	vmul.f32 v35, v35;
	v25 =	vmul.f32 v36, v36;
	v11 =	vld [tilespmem:s3+$0x40D0]  }
0x1e9: {  	vm9 =	vmor vm10, vm9;
	v10 =	vmul.f32 v10, v10;
	v17 =	vmul.f32 v17, v17;
	v22 =	vld [tilespmem:s3+$0x4020]  }
0x1ea: {  	v12 =	vmul.f32 v12, v12;
	v24 =	vadd.f32 v25, v24;
	v27 =	vld [tilespmem:s3+$0x4080];
	v9 =	vadd.f32 v9, v7  }
0x1eb: {  	v25 =	vmul.f32 v39, v39;
	v7 =	vld [tilespmem:s3+$0x40E0];
	v14 =	vadd.f32 v10, v14;
	v17 =	vadd.f32 v17, v21  }
0x1ec: {  	v10 =	vld [tilespmem:s3+$0xC050];
	v21 =	vmul.f32 v16, v16;
	v24 =	vnsel vm0, $0x0, v24;
	v19 =	vnsel vm9, $0x0, v9  }
0x1ed: {  	v16 =	vld [tilespmem:s3+$0x40C0];
	v25 =	vadd.f32 v25, v26;
	vm9 =	vmor vm15, vm14;
	v18 =	vadd.f32 v19, v18  }
0x1ee: {  	vm0 =	vgt.f32 v1, $0.0e+00;
	v1 =	vld [tilespmem:s3+$0x4010];
	v19 =	vmul.f32 v13, v13;
	v20 =	vnsel vm9, $0x0, v14  }
0x1ef: {  	vm0 =	vmor vm0, vm1;
	v9 =	vld [tilespmem:s3+$0x4050];
	v17 =	vnsel vm8, $0x0, v17;
	v18 =	vadd.f32 v20, v18  }
0x1f0: {  	v26 =	vnsel vm0, $0x0, v25;
	v25 =	vld [tilespmem:s3+$0x4000];
	v20 =	vmul.f32 v15, v15;
	v12 =	vadd.f32 v12, v19  }
0x1f1: {  	vm6 =	vmor vm7, vm6;
	v13 =	vld [tilespmem:s3+$0xC0D0];
	v18 =	vadd.f32 v17, v18  }
0x1f2: {  	v14 =	vld [tilespmem:s3+$0x4040];
	v12 =	vnsel vm6, $0x0, v12;
	v20 =	vadd.f32 v21, v20  }
0x1f3: {  	vm4 =	vmor vm5, vm4;
	v15 =	vld [tilespmem:s3+$0xC040];
	v18 =	vadd.f32 v12, v18  }
0x1f4: {  	v19 =	vld [tilespmem:s3+$0xC0C0];
	v20 =	vnsel vm4, $0x0, v20  }
0x1f5: {  	vm2 =	vmor vm3, vm2;
	v17 =	vld [tilespmem:s3+$0x4030];
	v18 =	vadd.f32 v20, v18  }
0x1f6: {  	v21 =	vld [tilespmem:s3+$0xC030];
	v20 =	vnsel vm2, $0x0, v23  }
0x1f7: {  	v12 =	vld [tilespmem:s3+$0xC0B0];
	v18 =	vadd.f32 v20, v18  }
0x1f8: {  	v23 =	vld [tilespmem:s3+$0xC020]  }
0x1f9: {  	v20 =	vld [tilespmem:s3+$0xC0A0];
	v18 =	vadd.f32 v24, v18  }
0x1fa: {  	vm0 =	vlt.f32 v8, $0.0e+00;
	vm1 =	vgt.f32 v8, $0.0e+00;
	v24 =	vld [tilespmem:s3+$0xC090]  }
0x1fb: {  	s4 =	simm.s32 $0x400;
	vm3 =	vgt.f32 v13, $0.0e+00;
	vm2 =	vlt.f32 v13, $0.0e+00;
	v18 =	vadd.f32 v26, v18;
	v26 =	vld [tilespmem:s3+$0xC000]  }
.LBB2_15:
0x1fc: {  	p0 =	sne.s32 s4, $0x7C00;
	v28 =	vld [tilespmem:s3+$0xC080];
	vm4 =	vlt.f32 v19, $0.0e+00;
	v29 =	vsub.f32 v2, v4;
	v30 =	vsub.f32 v3, v0  }
0x1fd: {  	vm5 =	vgt.f32 v19, $0.0e+00;
	v31 =	vsub.f32 v5, v6;
	v32 =	vsub.f32 v7, v8;
	v3 =	vld [tilespmem:s3+$0xC010]  }
0x1fe: {  	vm6 =	vlt.f32 v12, $0.0e+00;
	vm7 =	vgt.f32 v12, $0.0e+00;
	v33 =	vsub.f32 v9, v10;
	v5 =	vld [tilespmem:s3+$0x4090]  }
0x1ff: {  	s5 =	sshra.s32 s4, $0x2;
	vm8 =	vlt.f32 v20, $0.0e+00;
	vm9 =	vgt.f32 v20, $0.0e+00;
	v34 =	vsub.f32 v11, v13;
	v6 =	vld [tilespmem:s3+$0x40A0]  }
0x200: {  	v11 =	vsub.f32 v14, v15;
	v13 =	vsub.f32 v16, v19;
	vm10 =	vlt.f32 v24, $0.0e+00;
	v2 =	vld [tilespmem:s5+$0x4070]  }
0x201: {  	vm11 =	vgt.f32 v24, $0.0e+00;
	v7 =	vsub.f32 v25, v26;
	v8 =	vsub.f32 v27, v28;
	v9 =	vld [tilespmem:s3+$0x40B0];
	s3 =	smov.u32 s5  }
0x202: {  	v10 =	vsub.f32 v17, v21;
	vm12 =	vlt.f32 v28, $0.0e+00;
	v4 =	vld [tilespmem:s3+$0xC070];
	v1 =	vsub.f32 v1, v3  }
0x203: {  	v7 =	vmul.f32 v7, v7;
	v3 =	vld [tilespmem:s3+$0x40F0];
	v8 =	vmul.f32 v8, v8;
	v14 =	vsub.f32 v5, v24  }
0x204: {  	v15 =	vsub.f32 v22, v23;
	vm13 =	vgt.f32 v28, $0.0e+00;
	v24 =	vld [tilespmem:s3+$0xC0F0];
	v16 =	vsub.f32 v6, v20  }
0x205: {  	v1 =	vmul.f32 v1, v1;
	v5 =	vld [tilespmem:s3+$0x4060];
	v8 =	vadd.f32 v8, v7;
	v14 =	vmul.f32 v14, v14  }
0x206: {  	v15 =	vmul.f32 v15, v15;
	vm12 =	vmor vm13, vm12;
	v6 =	vld [tilespmem:s3+$0xC060];
	v12 =	vsub.f32 v9, v12  }
0x207: {  	v7 =	vld [tilespmem:s3+$0x40E0];
	v9 =	vnsel vm12, $0x0, v8;
	v1 =	vadd.f32 v14, v1;
	v14 =	vmul.f32 v16, v16  }
0x208: {  	vm10 =	vmor vm11, vm10;
	v17 =	vmul.f32 v10, v10;
	v8 =	vld [tilespmem:s3+$0xC0E0];
	v16 =	vadd.f32 v9, v18  }
0x209: {  	v12 =	vmul.f32 v12, v12;
	v9 =	vld [tilespmem:s3+$0x4050];
	v1 =	vnsel vm10, $0x0, v1;
	v14 =	vadd.f32 v14, v15  }
0x20a: {  	vm8 =	vmor vm9, vm8;
	v15 =	vmul.f32 v11, v11;
	v10 =	vld [tilespmem:s3+$0xC050];
	v1 =	vadd.f32 v1, v16  }
0x20b: {  	v12 =	vadd.f32 v12, v17;
	v16 =	vmul.f32 v13, v13;
	v11 =	vld [tilespmem:s3+$0x40D0];
	v14 =	vnsel vm8, $0x0, v14  }
0x20c: {  	vm6 =	vmor vm7, vm6;
	v17 =	vmul.f32 v33, v33;
	v13 =	vld [tilespmem:s3+$0xC0D0];
	v1 =	vadd.f32 v14, v1  }
0x20d: {  	v19 =	vmul.f32 v34, v34;
	v12 =	vnsel vm6, $0x0, v12;
	v18 =	vadd.f32 v16, v15;
	v14 =	vld [tilespmem:s3+$0x4040]  }
0x20e: {  	vm4 =	vmor vm5, vm4;
	v15 =	vld [tilespmem:s3+$0xC040];
	v1 =	vadd.f32 v12, v1;
	v12 =	vmul.f32 v31, v31  }
0x20f: {  	v21 =	vmul.f32 v32, v32;
	v20 =	vadd.f32 v19, v17;
	v18 =	vnsel vm4, $0x0, v18;
	v16 =	vld [tilespmem:s3+$0x40C0]  }
0x210: {  	vm2 =	vmor vm3, vm2;
	v19 =	vld [tilespmem:s3+$0xC0C0];
	v1 =	vadd.f32 v18, v1;
	v18 =	vmul.f32 v29, v29  }
0x211: {  	v23 =	vmul.f32 v30, v30;
	v20 =	vnsel vm2, $0x0, v20;
	v22 =	vadd.f32 v21, v12;
	v17 =	vld [tilespmem:s3+$0x4030]  }
0x212: {  	vm0 =	vmor vm1, vm0;
	vm1 =	vlt.f32 v0, $0.0e+00;
	v21 =	vld [tilespmem:s3+$0xC030];
	v1 =	vadd.f32 v20, v1  }
0x213: {  	v20 =	vnsel vm0, $0x0, v22;
	v18 =	vadd.f32 v23, v18;
	vm0 =	vgt.f32 v0, $0.0e+00;
	v0 =	vmovc v24;
	v12 =	vld [tilespmem:s3+$0xC0B0]  }
0x214: {  	vm0 =	vmor vm0, vm1;
	v22 =	vld [tilespmem:s3+$0x4020];
	v1 =	vadd.f32 v20, v1  }
0x215: {  	v18 =	vnsel vm0, $0x0, v18;
	v23 =	vld [tilespmem:s3+$0xC020]  }
0x216: {  	v20 =	vld [tilespmem:s3+$0xC0A0];
	v18 =	vadd.f32 v18, v1  }
.Ltmp7:
0x217: {  	v1 =	vld [tilespmem:s3+$0x4010];
	(pc) =	sbr.rel @p0 .LBB2_15-.Ltmp7, $4  }
0x218: {  	v24 =	vld [tilespmem:s3+$0xC090]  }
0x219: {  	v25 =	vld [tilespmem:s3+$0x4000]  }
0x21a: {  	vm0 =	vlt.f32 v8, $0.0e+00;
	v26 =	vld [tilespmem:s3+$0xC000]  }
0x21b: {  	s4 =	sadd.s32 $0x400, s4;
	vm2 =	vlt.f32 v13, $0.0e+00;
	vm3 =	vgt.f32 v13, $0.0e+00;
	vm1 =	vgt.f32 v8, $0.0e+00;
	v27 =	vld [tilespmem:s3+$0x4080]  }
0x21c: {  	v28 =	vld [tilespmem:s3+$0xC080]  }
0x21d: {  	v29 =	vld [tilespmem:s3+$0xC010]  }
0x21e: {  	v30 =	vld [tilespmem:s3+$0x4090]  }
0x21f: {  	v31 =	vld [tilespmem:s3+$0x40A0];
	s30 =	simm.s32 $0x4  }
0x220: {  	v32 =	vld [tilespmem:s3+$0x40B0];
	v33 =	vsub.f32 v2, v4;
	v34 =	vsub.f32 v5, v6;
	_ =	swait.ge [sflag:s30], $0x2000  }
0x221: {  	v35 =	vsub.f32 v7, v8;
	v36 =	vsub.f32 v9, v10;
	[sflag:s30] =	ssyncset.done $0x0  }
0x222: {  	s31 =	simm.s32 $0x8;
	vm4 =	vlt.f32 v19, $0.0e+00;
	v37 =	vsub.f32 v11, v13;
	v38 =	vsub.f32 v3, v0;
	[sflag:s30] =	ssyncadd.s32 $0xFFFFE000  }
0x223: {  	vm5 =	vgt.f32 v19, $0.0e+00;
	v14 =	vsub.f32 v14, v15;
	vm6 =	vlt.f32 v12, $0.0e+00;
	_ =	swait.ge [sflag:s31], $0x2000  }
0x224: {  	vm7 =	vgt.f32 v12, $0.0e+00;
	v16 =	vsub.f32 v16, v19;
	v13 =	vsub.f32 v17, v21;
	[sflag:s31] =	ssyncset.done $0x0  }
0x225: {  	s3 =	simm.s32 $0x0;
	vm8 =	vlt.f32 v20, $0.0e+00;
	v15 =	vsub.f32 v22, v23;
	vm11 =	vgt.f32 v20, $0.0e+00;
	[sflag:s31] =	ssyncadd.s32 $0xFFFFE000  }
0x226: {  	vm0 =	vmor vm1, vm0;
	vm1 =	vlt.f32 v0, $0.0e+00;
	vm14 =	vlt.f32 v24, $0.0e+00;
	v2 =	vld [tilespmem:s3+$0x6070]  }
0x227: {  	vm15 =	vgt.f32 v24, $0.0e+00;
	v15 =	vmul.f32 v15, v15;
	v14 =	vmul.f32 v14, v14;
	v3 =	vld [tilespmem:s3+$0xE070]  }
0x228: {  	v23 =	vmul.f32 v34, v34;
	v5 =	vsub.f32 v25, v26;
	v25 =	vmul.f32 v35, v35;
	v4 =	vld [tilespmem:s3+$0x60F0]  }
0x229: {  	v26 =	vmul.f32 v33, v33;
	v6 =	vsub.f32 v27, v28;
	v8 =	vsub.f32 v1, v29;
	v1 =	vld [tilespmem:s3+$0xE0F0]  }
0x22a: {  	v7 =	vmul.f32 v5, v5;
	v10 =	vsub.f32 v30, v24;
	vm9 =	vlt.f32 v28, $0.0e+00;
	v5 =	vld [tilespmem:s3+$0x6060]  }
0x22b: {  	vm10 =	vgt.f32 v28, $0.0e+00;
	v17 =	vsub.f32 v31, v20;
	v9 =	vmul.f32 v6, v6;
	v6 =	vld [tilespmem:s3+$0xE060]  }
0x22c: {  	v19 =	vsub.f32 v32, v12;
	v20 =	vmul.f32 v13, v13;
	v11 =	vmul.f32 v8, v8;
	v8 =	vld [tilespmem:s3+$0xE0E0]  }
0x22d: {  	v23 =	vadd.f32 v25, v23;
	v25 =	vmul.f32 v38, v38;
	v10 =	vmul.f32 v10, v10;
	v13 =	vld [tilespmem:s3+$0x6040]  }
0x22e: {  	v17 =	vmul.f32 v17, v17;
	v19 =	vmul.f32 v19, v19;
	v9 =	vadd.f32 v9, v7;
	v7 =	vld [tilespmem:s3+$0x60E0]  }
0x22f: {  	v23 =	vnsel vm0, $0x0, v23;
	vm0 =	vgt.f32 v0, $0.0e+00;
	v21 =	vadd.f32 v10, v11;
	v11 =	vld [tilespmem:s3+$0xE050]  }
0x230: {  	vm9 =	vmor vm10, vm9;
	v25 =	vadd.f32 v25, v26;
	vm0 =	vmor vm0, vm1;
	v10 =	vld [tilespmem:s3+$0x60D0]  }
0x231: {  	v17 =	vadd.f32 v17, v15;
	v15 =	vld [tilespmem:s3+$0xE040];
	v19 =	vadd.f32 v19, v20;
	v12 =	vnsel vm9, $0x0, v9  }
0x232: {  	v20 =	vmul.f32 v16, v16;
	v16 =	vld [tilespmem:s3+$0x60C0];
	vm9 =	vmor vm15, vm14;
	v18 =	vadd.f32 v12, v18  }
0x233: {  	vm8 =	vmor vm11, vm8;
	v26 =	vnsel vm0, $0x0, v25;
	v25 =	vld [tilespmem:s3+$0x6000];
	v21 =	vnsel vm9, $0x0, v21  }
0x234: {  	vm4 =	vmor vm5, vm4;
	v9 =	vld [tilespmem:s3+$0x6050];
	v14 =	vadd.f32 v20, v14;
	v18 =	vadd.f32 v21, v18  }
0x235: {  	v22 =	vmul.f32 v36, v36;
	v17 =	vnsel vm8, $0x0, v17;
	v20 =	vmul.f32 v37, v37;
	v12 =	vld [tilespmem:s3+$0xE0D0]  }
0x236: {  	vm6 =	vmor vm7, vm6;
	v24 =	vnsel vm4, $0x0, v14;
	v14 =	vld [tilespmem:s3+$0xE0B0];
	v21 =	vadd.f32 v17, v18  }
0x237: {  	v19 =	vnsel vm6, $0x0, v19;
	v22 =	vadd.f32 v20, v22;
	v20 =	vld [tilespmem:s3+$0x6020]  }
0x238: {  	v18 =	vld [tilespmem:s3+$0xE0C0];
	v21 =	vadd.f32 v19, v21  }
0x239: {  	v17 =	vld [tilespmem:s3+$0x6030]  }
0x23a: {  	vm2 =	vmor vm3, vm2;
	v19 =	vld [tilespmem:s3+$0xE030];
	v24 =	vadd.f32 v24, v21  }
0x23b: {  	v22 =	vnsel vm2, $0x0, v22;
	v21 =	vld [tilespmem:s3+$0xE020]  }
0x23c: {  	v27 =	vadd.f32 v22, v24;
	v22 =	vld [tilespmem:s3+$0xE0A0]  }
0x23d: {  	v24 =	vld [tilespmem:s3+$0x6010]  }
0x23e: {  	v0 =	vadd.f32 v23, v27;
	v23 =	vld [tilespmem:s3+$0xE090]  }
0x23f: {  	vm0 =	vlt.f32 v8, $0.0e+00;
	vm1 =	vgt.f32 v8, $0.0e+00;
	v27 =	vld [tilespmem:s3+$0x6080]  }
0x240: {  	s4 =	simm.s32 $0x400;
	vm2 =	vlt.f32 v12, $0.0e+00;
	vm3 =	vgt.f32 v12, $0.0e+00;
	v0 =	vadd.f32 v26, v0;
	v26 =	vld [tilespmem:s3+$0xE000]  }
.LBB2_17:
0x241: {  	p0 =	sne.s32 s4, $0x7C00;
	v28 =	vld [tilespmem:s3+$0xE080];
	vm4 =	vlt.f32 v18, $0.0e+00;
	v29 =	vsub.f32 v2, v3;
	v30 =	vsub.f32 v4, v1  }
0x242: {  	vm5 =	vgt.f32 v18, $0.0e+00;
	v31 =	vsub.f32 v5, v6;
	v32 =	vsub.f32 v7, v8;
	v4 =	vld [tilespmem:s3+$0xE010]  }
0x243: {  	vm6 =	vlt.f32 v14, $0.0e+00;
	vm7 =	vgt.f32 v14, $0.0e+00;
	v33 =	vsub.f32 v9, v11;
	v5 =	vld [tilespmem:s3+$0x6090]  }
0x244: {  	s5 =	sshra.s32 s4, $0x2;
	vm8 =	vlt.f32 v22, $0.0e+00;
	vm9 =	vgt.f32 v22, $0.0e+00;
	v34 =	vsub.f32 v10, v12;
	v6 =	vld [tilespmem:s3+$0x60A0]  }
0x245: {  	v10 =	vsub.f32 v13, v15;
	v12 =	vsub.f32 v16, v18;
	vm10 =	vlt.f32 v23, $0.0e+00;
	v2 =	vld [tilespmem:s5+$0x6070]  }
0x246: {  	vm11 =	vgt.f32 v23, $0.0e+00;
	v7 =	vsub.f32 v25, v26;
	v8 =	vsub.f32 v27, v28;
	v9 =	vld [tilespmem:s3+$0x60B0];
	s3 =	smov.u32 s5  }
0x247: {  	v13 =	vsub.f32 v17, v19;
	vm12 =	vlt.f32 v28, $0.0e+00;
	v3 =	vld [tilespmem:s3+$0xE070];
	v11 =	vsub.f32 v24, v4  }
0x248: {  	v7 =	vmul.f32 v7, v7;
	v4 =	vld [tilespmem:s3+$0x60F0];
	v8 =	vmul.f32 v8, v8;
	v15 =	vsub.f32 v5, v23  }
0x249: {  	v16 =	vsub.f32 v20, v21;
	vm13 =	vgt.f32 v28, $0.0e+00;
	v23 =	vld [tilespmem:s3+$0xE0F0];
	v17 =	vsub.f32 v6, v22  }
0x24a: {  	v11 =	vmul.f32 v11, v11;
	v5 =	vld [tilespmem:s3+$0x6060];
	v8 =	vadd.f32 v8, v7;
	v15 =	vmul.f32 v15, v15  }
0x24b: {  	v16 =	vmul.f32 v16, v16;
	vm12 =	vmor vm13, vm12;
	v6 =	vld [tilespmem:s3+$0xE060];
	v14 =	vsub.f32 v9, v14  }
0x24c: {  	v7 =	vld [tilespmem:s3+$0x60E0];
	v9 =	vnsel vm12, $0x0, v8;
	v11 =	vadd.f32 v15, v11;
	v15 =	vmul.f32 v17, v17  }
0x24d: {  	vm10 =	vmor vm11, vm10;
	v13 =	vmul.f32 v13, v13;
	v8 =	vld [tilespmem:s3+$0xE0E0];
	v0 =	vadd.f32 v9, v0  }
0x24e: {  	v14 =	vmul.f32 v14, v14;
	v9 =	vld [tilespmem:s3+$0x6050];
	v17 =	vnsel vm10, $0x0, v11;
	v15 =	vadd.f32 v15, v16  }
0x24f: {  	vm8 =	vmor vm9, vm8;
	v16 =	vmul.f32 v10, v10;
	v11 =	vld [tilespmem:s3+$0xE050];
	v0 =	vadd.f32 v17, v0  }
0x250: {  	v14 =	vadd.f32 v14, v13;
	v17 =	vmul.f32 v12, v12;
	v10 =	vld [tilespmem:s3+$0x60D0];
	v15 =	vnsel vm8, $0x0, v15  }
0x251: {  	vm6 =	vmor vm7, vm6;
	v18 =	vmul.f32 v33, v33;
	v12 =	vld [tilespmem:s3+$0xE0D0];
	v0 =	vadd.f32 v15, v0  }
0x252: {  	v19 =	vmul.f32 v34, v34;
	v14 =	vnsel vm6, $0x0, v14;
	v17 =	vadd.f32 v17, v16;
	v13 =	vld [tilespmem:s3+$0x6040]  }
0x253: {  	vm4 =	vmor vm5, vm4;
	v15 =	vld [tilespmem:s3+$0xE040];
	v0 =	vadd.f32 v14, v0;
	v14 =	vmul.f32 v31, v31  }
0x254: {  	v20 =	vmul.f32 v32, v32;
	v19 =	vadd.f32 v19, v18;
	v17 =	vnsel vm4, $0x0, v17;
	v16 =	vld [tilespmem:s3+$0x60C0]  }
0x255: {  	vm2 =	vmor vm3, vm2;
	v21 =	vmul.f32 v29, v29;
	v18 =	vld [tilespmem:s3+$0xE0C0];
	v0 =	vadd.f32 v17, v0  }
0x256: {  	v24 =	vmul.f32 v30, v30;
	v22 =	vnsel vm2, $0x0, v19;
	v20 =	vadd.f32 v20, v14;
	v17 =	vld [tilespmem:s3+$0x6030]  }
0x257: {  	vm0 =	vmor vm1, vm0;
	vm1 =	vlt.f32 v1, $0.0e+00;
	v19 =	vld [tilespmem:s3+$0xE030];
	v0 =	vadd.f32 v22, v0  }
0x258: {  	v24 =	vadd.f32 v24, v21;
	v22 =	vnsel vm0, $0x0, v20;
	vm0 =	vgt.f32 v1, $0.0e+00;
	v1 =	vmovc v23;
	v14 =	vld [tilespmem:s3+$0xE0B0]  }
0x259: {  	vm0 =	vmor vm0, vm1;
	v20 =	vld [tilespmem:s3+$0x6020];
	v0 =	vadd.f32 v22, v0  }
0x25a: {  	v23 =	vnsel vm0, $0x0, v24;
	v21 =	vld [tilespmem:s3+$0xE020]  }
0x25b: {  	v22 =	vld [tilespmem:s3+$0xE0A0];
	v0 =	vadd.f32 v23, v0  }
.Ltmp8:
0x25c: {  	v24 =	vld [tilespmem:s3+$0x6010];
	(pc) =	sbr.rel @p0 .LBB2_17-.Ltmp8, $4  }
0x25d: {  	v23 =	vld [tilespmem:s3+$0xE090]  }
0x25e: {  	v25 =	vld [tilespmem:s3+$0x6000]  }
0x25f: {  	vm0 =	vlt.f32 v8, $0.0e+00;
	v26 =	vld [tilespmem:s3+$0xE000]  }
0x260: {  	s4 =	sadd.s32 $0x400, s4;
	vm2 =	vlt.f32 v12, $0.0e+00;
	vm3 =	vgt.f32 v12, $0.0e+00;
	vm1 =	vgt.f32 v8, $0.0e+00;
	v27 =	vld [tilespmem:s3+$0x6080]  }
0x261: {  	v28 =	vld [tilespmem:s3+$0xE080];
	vm4 =	vlt.f32 v18, $0.0e+00;
	v2 =	vsub.f32 v2, v3;
	v39 =	vsub.f32 v4, v1  }
0x262: {  	v40 =	vld [tilespmem:s3+$0xE010];
	vm5 =	vgt.f32 v18, $0.0e+00;
	v5 =	vsub.f32 v5, v6;
	v41 =	vsub.f32 v7, v8  }
0x263: {  	v42 =	vld [tilespmem:s3+$0x6090];
	vm6 =	vlt.f32 v14, $0.0e+00;
	v43 =	vsub.f32 v9, v11;
	v10 =	vsub.f32 v10, v12  }
0x264: {  	vm7 =	vgt.f32 v14, $0.0e+00;
	v44 =	vld [tilespmem:s3+$0x60A0];
	v45 =	vsub.f32 v13, v15;
	v46 =	vsub.f32 v16, v18  }
0x265: {  	vm8 =	vlt.f32 v22, $0.0e+00;
	v17 =	vsub.f32 v17, v19;
	v50 =	vsub.f32 v20, v21  }
0x266: {  	vm9 =	vgt.f32 v22, $0.0e+00;
	v49 =	vld [tilespmem:s3+$0x60B0];
	v47 =	vsub.f32 v25, v26;
	v48 =	vsub.f32 v27, v28  }
0x267: {  	vm10 =	vlt.f32 v23, $0.0e+00;
	vm11 =	vgt.f32 v23, $0.0e+00;
	v4 =	vsub.f32 v24, v40  }
0x268: {  	v13 =	vmul.f32 v47, v47;
	v7 =	vsub.f32 v42, v23;
	v15 =	vmul.f32 v48, v48  }
0x269: {  	vm12 =	vlt.f32 v28, $0.0e+00;
	vm13 =	vgt.f32 v28, $0.0e+00;
	v9 =	vsub.f32 v44, v22  }
0x26a: {  	v4 =	vmul.f32 v4, v4;
	v7 =	vmul.f32 v7, v7;
	v13 =	vadd.f32 v15, v13  }
0x26b: {  	v51 =	vmul.f32 v50, v50;
	v52 =	vsub.f32 v49, v14;
	vm12 =	vmor vm13, vm12  }
0x26c: {  	v53 =	vmul.f32 v9, v9;
	v4 =	vadd.f32 v7, v4;
	v13 =	vnsel vm12, $0x0, v13  }
0x26d: {  	vm10 =	vmor vm11, vm10;
	v54 =	vmul.f32 v17, v17;
	v0 =	vadd.f32 v13, v0  }
0x26e: {  	v55 =	vmul.f32 v52, v52;
	v7 =	vadd.f32 v53, v51;
	v4 =	vnsel vm10, $0x0, v4  }
0x26f: {  	vm8 =	vmor vm9, vm8;
	v56 =	vmul.f32 v45, v45;
	v0 =	vadd.f32 v4, v0  }
0x270: {  	v57 =	vmul.f32 v46, v46;
	v9 =	vadd.f32 v55, v54;
	v7 =	vnsel vm8, $0x0, v7  }
0x271: {  	vm6 =	vmor vm7, vm6;
	v58 =	vmul.f32 v43, v43;
	v0 =	vadd.f32 v7, v0  }
0x272: {  	v60 =	vmul.f32 v10, v10;
	v59 =	vnsel vm6, $0x0, v9;
	v4 =	vadd.f32 v57, v56  }
0x273: {  	vm4 =	vmor vm5, vm4;
	v5 =	vmul.f32 v5, v5;
	v0 =	vadd.f32 v59, v0  }
0x274: {  	v6 =	vmul.f32 v41, v41;
	v4 =	vnsel vm4, $0x0, v4;
	v7 =	vadd.f32 v60, v58  }
0x275: {  	vm2 =	vmor vm3, vm2;
	v2 =	vmul.f32 v2, v2;
	v0 =	vadd.f32 v4, v0  }
0x276: {  	v3 =	vmul.f32 v39, v39;
	v5 =	vadd.f32 v6, v5;
	v61 =	vnsel vm2, $0x0, v7  }
0x277: {  	vm0 =	vmor vm1, vm0;
	vm14 =	vlt.f32 v1, $0.0e+00;
	v0 =	vadd.f32 v61, v0  }
0x278: {  	vm15 =	vgt.f32 v1, $0.0e+00;
	v2 =	vadd.f32 v3, v2;
	v62 =	vnsel vm0, $0x0, v5  }
0x279: {  	vm0 =	vmor vm15, vm14;
	v0 =	vadd.f32 v62, v0  }
0x27a: {  	v63 =	vnsel vm0, $0x0, v2  }
0x27b: {  	v0 =	vadd.f32 v63, v0  }
0x27c: {  	s29 =	sshll.u32 s0, $0x4;
	s30 =	simm.s32 $0x0  }
0x27d: {  	s4 =	simm.s32 $0x10000;
	s31 =	simm.s32 $0x9;
	s2 =	sadd.s32 s2, s29;
	[tilespmem:$0x10000] =	vst v0  }
0x27e: {  	[hbm4b:s2+s30] =	stream.linear.scatter [tilespmem:s4], [sflag:$0x9], $0x80, $0x38;
	[tilespmem:$0x10080] =	vst v63  }
0x27f: {  	_ =	swait.ge [sflag:s31], $0x80  }
0x280: {  	[sflag:s31] =	ssyncset.done $0x0  }
0x281: {  	[sflag:s31] =	ssyncadd.s32 $0xFFFFFF80  }
0x282: {  	_ =	sfence.sel $0x180000  }
0x283: {  	[bflag:$0x0] =	sbarrier.arrive $0xFFFF  }
0x284: {  	p0 =	sne.s32 s0, $0x0;
	_ =	strace $0x90000047  }
0x285: {  	s0 =	sadd.s32 @!p0 $0x100000, s1;
	[bflag:$0x2] =	sbarrier.arrive $0xFFFF  }
0x286: {  	[sflag:s0] =	ssyncadd.tile.s32 @!p0 $0x1;
	_ =	shalt  }
.Lfunc_end2:
_tile_overlayer_lowered:
.L_overlay_start_2:
0x287: {  	(tag) =	ssettag $0x2  }
0x288: {  	s0 =	rddreg [dreg:$0x0];
	s2 =	stileid.u32  }
0x289: {  	s1 =	rddreg [dreg:$0x1];
	p0 =	sne.s32 s2, $0x0  }
0x28a: {  	s3 =	rddreg [dreg:$0x2];
	[bflag:$0x3] =	sbarrier.arrive $0xFFFF;
	s2 =	simm.s32 @!p0 $0x1C09  }
0x28b: {  	[timem:s3], [sflag:s2] =	dma.local @!p0 [hbm:s0], s1  }
0x28c: {  	s0 =	simm.s32 @!p0 $0x9  }
0x28d: {  	_ =	swait.ge @!p0 [sflag:s0], s1  }
0x28e: {  	s1 =	ssub.s32 @!p0 $0x0, s1;
	[sflag:s0] =	ssyncset.done @!p0 $0x0  }
0x28f: {  	[sflag:s0] =	ssyncadd.s32 @!p0 s1  }
0x290: {  	[bflag:$0x3] =	sbarrier.arrive $0xFFFF  }
0x291: {  	_ =	shalt  }

</sc_bundles>
